<compile_context>
chip_gen: v7x
topology: tpu7x:2x2x1
jax: 0.10.2.dev20260603
libtpu: 0.0.44.dev20260713+nightly
codegen_flags: <defaults>
</compile_context>

<pallas_src>
import math
import functools

import numpy as np
import jax
import jax.numpy as jnp
from jax import lax
from jax.experimental import pallas as pl
from jax.experimental.pallas import tpu as pltpu
from jax.experimental.pallas import tpu_sc as plsc

L = 2048
DM = 1024
H = 16
DK = 64
TOPK = 15
HBLK = 4
CBLK = HBLK * DK


def _build_dft_mats():
    t = np.arange(L, dtype=np.float64)
    f_all = np.arange(L // 2 + 1, dtype=np.float64)
    ang = 2.0 * np.pi * np.outer(f_all, t) / L
    cos = np.cos(ang)
    sin = np.sin(ang[1:-1])
    fwd = np.concatenate([cos, sin], axis=0)

    inv = np.empty((L, L), dtype=np.float64)
    inv[:, 0] = 1.0 / L
    inv[:, 1:1024] = (2.0 / L) * cos[1:-1].T
    inv[:, 1024] = cos[-1] / L
    inv[:, 1025:] = -(2.0 / L) * sin.T
    return fwd.astype(np.float32), inv.astype(np.float32)


_FWD_NP, _INV_NP = _build_dft_mats()
_HSUM_NP = (np.arange(CBLK)[:, None] // DK ==
            np.arange(HBLK)[None, :]).astype(np.float32)


def _mm(a, b):
    return jax.lax.dot(a, b, precision=jax.lax.Precision.HIGHEST,
                       preferred_element_type=jnp.float32)


def _mm_default(a, b):
    return jax.lax.dot(a, b, precision=jax.lax.Precision.DEFAULT,
                       preferred_element_type=jnp.float32)


def _matmul_body(x_ref, w_ref, b_ref, o_ref):
    o_ref[...] = _mm_default(x_ref[...], w_ref[...]) + b_ref[...]


def _proj(x2d, w, brow, n_blk):
    m, kdim = x2d.shape
    n = w.shape[1]
    grid = (m // 1024, n // n_blk)
    return pl.pallas_call(
        _matmul_body,
        grid=grid,
        in_specs=[
            pl.BlockSpec((1024, kdim), lambda i, j: (i, 0)),
            pl.BlockSpec((kdim, n_blk), lambda i, j: (0, j)),
            pl.BlockSpec((1, n_blk), lambda i, j: (0, j)),
        ],
        out_specs=pl.BlockSpec((1024, n_blk), lambda i, j: (i, j)),
        out_shape=jax.ShapeDtypeStruct((m, n), jnp.float32),
    )(x2d, w, brow)


FBLK = 1024


def _dft_body(x_ref, fwd_ref, o_ref):
    o_ref[0] = _mm(fwd_ref[...], x_ref[...])


def _dft(qkv):
    grid = (2, L // FBLK, 2 * DM // CBLK)
    return pl.pallas_call(
        _dft_body,
        grid=grid,
        in_specs=[
            pl.BlockSpec((L, CBLK), lambda b, i, c: (b, c)),
            pl.BlockSpec((FBLK, L), lambda b, i, c: (i, 0)),
        ],
        out_specs=pl.BlockSpec((1, FBLK, CBLK), lambda b, i, c: (b, i, c)),
        out_shape=jax.ShapeDtypeStruct((2, L, 2 * DM), jnp.float32),
    )(qkv, jnp.asarray(_FWD_NP))


NJ = DM // CBLK


def _xspec_body(q_ref, k_ref, hsum_ref, o_ref):
    qf = q_ref[0]
    kf = k_ref[0]
    aq, bq = qf[:1024, :], qf[1024:, :]
    ak, bk = kf[:1024, :], kf[1024:, :]
    hs = hsum_ref[...]
    p = _mm(aq * ak, hs)
    r = _mm(bq * bk, hs)
    im = _mm(aq * bk - bq * ak, hs)
    row0 = jax.lax.broadcasted_iota(jnp.int32, (1024, HBLK), 0) == 0
    top = jnp.where(row0, p, p + r)
    bot = jnp.where(row0, r, im)
    o_ref[0, 0] = jnp.concatenate([top, bot], axis=0)


def _xspec(qkf):
    return pl.pallas_call(
        _xspec_body,
        grid=(2, NJ),
        in_specs=[
            pl.BlockSpec((1, L, CBLK), lambda b, j: (b, 0, j)),
            pl.BlockSpec((1, L, CBLK), lambda b, j: (b, 0, j + NJ)),
            pl.BlockSpec((CBLK, HBLK), lambda b, j: (0, 0)),
        ],
        out_specs=pl.BlockSpec((1, 1, L, HBLK), lambda b, j: (b, j, 0, 0)),
        out_shape=jax.ShapeDtypeStruct((2, NJ, L, HBLK), jnp.float32),
    )(qkf, qkf, jnp.asarray(_HSUM_NP))


TBLK = 256


def _inv_body(r_ref, inv_ref, o_ref):
    inv = inv_ref[...]
    res = jnp.concatenate(
        [r_ref[b, j] for b in range(2) for j in range(NJ)],
        axis=1)
    cb = _mm(inv, res) * (1.0 / DK)
    o_ref[...] = cb.T


def _corr(res):
    return pl.pallas_call(
        _inv_body,
        grid=(L // TBLK,),
        in_specs=[
            pl.BlockSpec((2, NJ, L, HBLK), lambda t: (0, 0, 0, 0)),
            pl.BlockSpec((TBLK, L), lambda t: (t, 0)),
        ],
        out_specs=pl.BlockSpec((2 * H, TBLK), lambda t: (0, t)),
        out_shape=jax.ShapeDtypeStruct((2 * H, L), jnp.float32),
    )(res, jnp.asarray(_INV_NP))


SC_NC, SC_NS, SC_LANES = 2, 16, 16


def _topk_sc_body(c_hbm, d_hbm, w_hbm, row_v, d_v, w_v):
    wid = lax.axis_index("s") * SC_NC + lax.axis_index("c")
    pltpu.sync_copy(c_hbm.at[wid], row_v)
    iot = jnp.arange(SC_LANES, dtype=jnp.int32)
    neg = jnp.full((SC_LANES,), -jnp.inf, jnp.float32)
    big = jnp.full((SC_LANES,), L, jnp.int32)
    perms = [(iot + (1 << s)) % SC_LANES for s in range(4)]
    lane0 = jnp.zeros((SC_LANES,), jnp.int32)

    def make_step(vp, ip):
        def chunk_step(c, carry):
            mk, mi = carry
            ck = row_v[pl.ds(c * SC_LANES, SC_LANES)]
            lag = iot + c * SC_LANES
            elig = (ck < vp) | ((ck == vp) & (lag > ip))
            ta = elig & (ck > mk)
            return (jnp.where(ta, ck, mk), jnp.where(ta, lag, mi))
        return chunk_step

    dly = big
    vals = neg
    vp = jnp.full((SC_LANES,), jnp.inf, jnp.float32)
    ip = jnp.full((SC_LANES,), -1, jnp.int32)
    for p in range(TOPK):
        mk, mi = lax.fori_loop(0, L // SC_LANES, make_step(vp, ip),
                               (neg, big))
        for perm in perms:
            ok = jnp.take(mk, perm)
            oi = jnp.take(mi, perm)
            tb = (ok > mk) | ((ok == mk) & (oi < mi))
            mk = jnp.where(tb, ok, mk)
            mi = jnp.where(tb, oi, mi)
        dly = jnp.where(iot == p, mi, dly)
        vals = jnp.where(iot == p, mk, vals)
        vp, ip = mk, mi

    vmax = jnp.take(vals, lane0)
    e = jnp.where(iot < TOPK, jnp.exp(vals - vmax), 0.0)
    tot = e
    for perm in perms:
        tot = tot + jnp.take(tot, perm)
    d_v[...] = jnp.where(iot < TOPK, dly, 0)
    w_v[...] = e / tot
    pltpu.sync_copy(d_v, d_hbm.at[wid])
    pltpu.sync_copy(w_v, w_hbm.at[wid])


def _topk_sc(corr):
    rows = 2 * H
    mesh = plsc.VectorSubcoreMesh(core_axis_name="c", subcore_axis_name="s",
                                  num_cores=SC_NC, num_subcores=SC_NS)
    f = pl.kernel(
        _topk_sc_body,
        out_type=[
            jax.ShapeDtypeStruct((rows, SC_LANES), jnp.int32),
            jax.ShapeDtypeStruct((rows, SC_LANES), jnp.float32),
        ],
        mesh=mesh,
        scratch_types=[
            pltpu.VMEM((L,), jnp.float32),
            pltpu.VMEM((SC_LANES,), jnp.int32),
            pltpu.VMEM((SC_LANES,), jnp.float32),
        ],
    )
    return f(corr)


def _agg_body(d_ref, w_ref, v_ref, o_ref, va_ref, vb_ref):
    b = pl.program_id(0)
    hh = pl.program_id(1)
    v = v_ref[...]
    va_ref[:L, :] = v[:, :DK]
    va_ref[L:, :] = v[:, :DK]
    vb_ref[:L, :] = v[:, DK:]
    vb_ref[L:, :] = v[:, DK:]
    r0 = b * H + 2 * hh
    acc_a = jnp.zeros((L, DK), jnp.float32)
    acc_b = jnp.zeros((L, DK), jnp.float32)
    for kk in range(TOPK):
        d0 = d_ref[r0, kk]
        w0 = w_ref[r0, kk]
        d1 = d_ref[r0 + 1, kk]
        w1 = w_ref[r0 + 1, kk]
        acc_a = acc_a + w0 * va_ref[pl.ds(L - d0, L), :]
        acc_b = acc_b + w1 * vb_ref[pl.ds(L - d1, L), :]
    o_ref[...] = jnp.concatenate([acc_a, acc_b], axis=1)


def _agg(qkv, delays, weights):
    grid_spec = pltpu.PrefetchScalarGridSpec(
        num_scalar_prefetch=2,
        grid=(2, H // 2),
        in_specs=[pl.BlockSpec((L, 2 * DK),
                               lambda b, hh, dr, wr: (b, 16 + hh))],
        out_specs=pl.BlockSpec((L, 2 * DK), lambda b, hh, dr, wr: (b, hh)),
        scratch_shapes=[pltpu.VMEM((2 * L, DK), jnp.float32),
                        pltpu.VMEM((2 * L, DK), jnp.float32)],
    )
    return pl.pallas_call(
        _agg_body,
        grid_spec=grid_spec,
        out_shape=jax.ShapeDtypeStruct((2 * L, DM), jnp.float32),
    )(delays, weights, qkv)


@jax.jit
def kernel(x, W_q, b_q, W_k, b_k, W_v, b_v, W_o, b_o):
    B, Lx, dm = x.shape
    x2d = x.reshape(B * Lx, dm)
    wqkv = jnp.concatenate([W_q.T, W_k.T, W_v.T], axis=1)
    bqkv = jnp.concatenate([b_q, b_k, b_v]).reshape(1, 3 * dm)
    qkv = _proj(x2d, wqkv, bqkv, 512)
    qkf = _dft(qkv)
    corr = _corr(_xspec(qkf))
    delays, weights = _topk_sc(corr)
    context = _agg(qkv, delays, weights)
    out = _proj(context, W_o.T, b_o.reshape(1, dm), 512)
    return out.reshape(B, Lx, dm)

# --- scband reference (transcript-rebuilt; emitter-appended) ---
"""Pipeline reference for scband-auto-correlation-multi-head-35665408426442 (READ-ONLY COPY).

The authoritative reference and input builder live on the scoring server;
editing this copy changes nothing except your own understanding.
"""

import math
import jax, jax.numpy as jnp
import numpy as np

D_MODEL = 1024
NUM_HEADS = 16
FACTOR = 2


def setup_inputs(seed: int = 0) -> dict:
    key = jax.random.key(seed)
    ks = jax.random.split(key, 10)
    B, L = 2, 2048
    scale = 1.0 / math.sqrt(D_MODEL)
    x = jax.random.normal(ks[0], (B, L, D_MODEL), dtype=jnp.float32)
    W_q = jax.random.normal(ks[1], (D_MODEL, D_MODEL), dtype=jnp.float32) * scale
    b_q = jnp.zeros((D_MODEL,), dtype=jnp.float32)
    W_k = jax.random.normal(ks[2], (D_MODEL, D_MODEL), dtype=jnp.float32) * scale
    b_k = jnp.zeros((D_MODEL,), dtype=jnp.float32)
    W_v = jax.random.normal(ks[3], (D_MODEL, D_MODEL), dtype=jnp.float32) * scale
    b_v = jnp.zeros((D_MODEL,), dtype=jnp.float32)
    W_o = jax.random.normal(ks[4], (D_MODEL, D_MODEL), dtype=jnp.float32) * scale
    b_o = jnp.zeros((D_MODEL,), dtype=jnp.float32)
    return {"x": x, "W_q": W_q, "b_q": b_q, "W_k": W_k, "b_k": b_k, "W_v": W_v, "b_v": b_v, "W_o": W_o, "b_o": b_o}


def _auto_correlation(Q, K, V, factor):
    # Q, K, V: (B, H, L, D)
    B, H, L, D = Q.shape
    q_fft = jnp.fft.rfft(Q.astype(jnp.float32), axis=2)
    k_fft = jnp.fft.rfft(K.astype(jnp.float32), axis=2)
    res = q_fft * jnp.conj(k_fft)
    corr = jnp.fft.irfft(res, n=L, axis=2)
    corr_mean = jnp.mean(corr, axis=-1)  # (B, H, L)
    k = min(int(factor * math.log(L)), L)
    weights, delays = jax.lax.top_k(corr_mean, k)  # (B, H, k)
    weights = jax.nn.softmax(weights, axis=-1)
    time_indices = jnp.arange(L).reshape(1, 1, L, 1)
    delays_e = delays[:, :, None, :]  # (B, H, 1, k)
    roll_indices = jnp.mod(time_indices - delays_e, L)  # (B, H, L, k)
    ri = jnp.broadcast_to(roll_indices[..., None], (B, H, L, k, D))
    v_exp = jnp.broadcast_to(V[:, :, :, None, :], (B, H, L, k, D))
    values_rolled = jnp.take_along_axis(v_exp, ri, axis=2)  # (B, H, L, k, D)
    w = weights[:, :, None, :, None].astype(values_rolled.dtype)
    output = jnp.sum(values_rolled * w, axis=3)  # (B, H, L, D)
    return output


def reference(x, W_q, b_q, W_k, b_k, W_v, b_v, W_o, b_o):
    B, L, d_model = x.shape
    H = NUM_HEADS
    d_k = d_model // H
    Q = (x @ W_q.T + b_q).reshape(B, L, H, d_k).transpose(0, 2, 1, 3)
    K = (x @ W_k.T + b_k).reshape(B, L, H, d_k).transpose(0, 2, 1, 3)
    V = (x @ W_v.T + b_v).reshape(B, L, H, d_k).transpose(0, 2, 1, 3)
    context = _auto_correlation(Q, K, V, FACTOR)  # (B, H, L, d_k)
    context = context.transpose(0, 2, 1, 3).reshape(B, L, d_model)
    output = context @ W_o.T + b_o
    return output

if __name__ == "__main__":
    import jax
    _d = setup_inputs()
    print(jax.jit(kernel)(*tuple(_d.values())))

</pallas_src>

<mosaic_0001>
#map = affine_map<(d0, d1) -> (0, 0)>
module attributes {stable_mosaic.version = 14 : i64} {
  func.func @_topk_sc_body(%arg0: i32, %arg1: i32, %arg2: memref<32x2048xf32, #tpu.memory_space<hbm>>, %arg3: memref<32x16xi32, #tpu.memory_space<hbm>>, %arg4: memref<32x16xf32, #tpu.memory_space<hbm>>, %arg5: memref<2048xf32, #tpu.memory_space<vmem>>, %arg6: memref<16xi32, #tpu.memory_space<vmem>>, %arg7: memref<16xf32, #tpu.memory_space<vmem>>) attributes {dimension_semantics = [#tpu.dimension_semantics<core_parallel>, #tpu.dimension_semantics<subcore_parallel>], iteration_bounds = array<i64: 2, 16>, scalar_prefetch = 0 : i64, scratch_operands = 3 : i64, tpu.core_type = #tpu.core_type<sc_vector_subcore>, window_params = [{transform_indices = #map}, {transform_indices = #map}, {transform_indices = #map}]} {
    %mul3A = arith.constant 2 : i32
    %mul3A_0 = arith.muli %arg1, %mul3A : i32
    %add3A = arith.addi %mul3A_0, %arg0 : i32
    "tpu.region"() ({
      %run_scoped3A = tpu.sem_alloc : memref<!tpu.dma_semaphore, #tpu.memory_space<semaphore_mem>>
      %dma_start3A = arith.constant 0 : i32
      %dma_start3A_2002 = tpu.memref_slice %arg2[%add3A, %dma_start3A] : memref<32x2048xf32, #tpu.memory_space<hbm>> -> memref<1x2048xf32, #tpu.memory_space<hbm>>
      %dma_start3A_2003 = tpu.memref_squeeze %dma_start3A_2002 : memref<1x2048xf32, #tpu.memory_space<hbm>> -> memref<2048xf32, #tpu.memory_space<hbm>>
      %dma_start3A_2004 = arith.constant 0 : i32
      %dma_start3A_2005 = tpu.memref_slice %arg2[%add3A, %dma_start3A_2004] : memref<32x2048xf32, #tpu.memory_space<hbm>> -> memref<1x2048xf32, #tpu.memory_space<hbm>>
      %dma_start3A_2006 = tpu.memref_squeeze %dma_start3A_2005 : memref<1x2048xf32, #tpu.memory_space<hbm>> -> memref<2048xf32, #tpu.memory_space<hbm>>
      tpu.enqueue_dma source(%dma_start3A_2006 : memref<2048xf32, #tpu.memory_space<hbm>>) target(%arg5 : memref<2048xf32, #tpu.memory_space<vmem>>) target_semaphore(%run_scoped3A : memref<!tpu.dma_semaphore, #tpu.memory_space<semaphore_mem>>)
      %dma_wait3A = arith.constant 0 : i32
      %dma_wait3A_2007 = tpu.memref_slice %arg2[%add3A, %dma_wait3A] : memref<32x2048xf32, #tpu.memory_space<hbm>> -> memref<1x2048xf32, #tpu.memory_space<hbm>>
      %dma_wait3A_2008 = tpu.memref_squeeze %dma_wait3A_2007 : memref<1x2048xf32, #tpu.memory_space<hbm>> -> memref<2048xf32, #tpu.memory_space<hbm>>
      %dma_wait3A_2009 = arith.constant 0 : i32
      %dma_wait3A_2010 = tpu.memref_slice %arg2[%add3A, %dma_wait3A_2009] : memref<32x2048xf32, #tpu.memory_space<hbm>> -> memref<1x2048xf32, #tpu.memory_space<hbm>>
      %dma_wait3A_2011 = tpu.memref_squeeze %dma_wait3A_2010 : memref<1x2048xf32, #tpu.memory_space<hbm>> -> memref<2048xf32, #tpu.memory_space<hbm>>
      tpu.wait_dma2 semaphore(%run_scoped3A : memref<!tpu.dma_semaphore, #tpu.memory_space<semaphore_mem>>) src(%dma_wait3A_2011 : memref<2048xf32, #tpu.memory_space<hbm>>) dst(%arg5 : memref<2048xf32, #tpu.memory_space<vmem>>)
      tpu.yield
    }) : () -> ()
    %iota3A = tpu.iota {dimensions = array<i32: 0>} : vector<16xi32>
    %broadcast_in_dim3A = arith.constant 0xFF800000 : f32
    %broadcast_in_dim3A_1 = vector.broadcast %broadcast_in_dim3A : f32 to vector<16xf32>
    %broadcast_in_dim3A_2 = arith.constant 2048 : i32
    %broadcast_in_dim3A_3 = vector.broadcast %broadcast_in_dim3A_2 : i32 to vector<16xi32>
    %add3A_4 = arith.constant 1 : i32
    %add3A_5 = vector.broadcast %add3A_4 : i32 to vector<16xi32>
    %add3A_6 = arith.addi %iota3A, %add3A_5 : vector<16xi32>
    %jit3A = arith.constant 16 : i32
    %eq3A = arith.constant 0 : i32
    %eq3A_7 = arith.cmpi eq, %jit3A, %eq3A : i32
    %jit3A_8 = arith.constant 1 : i32
    %select_n3A = arith.select %eq3A_7, %jit3A_8, %jit3A : i32
    %rem3A = vector.broadcast %select_n3A : i32 to vector<16xi32>
    %rem3A_9 = arith.remsi %add3A_6, %rem3A : vector<16xi32>
    %ne3A = arith.constant 0 : i32
    %ne3A_10 = vector.broadcast %ne3A : i32 to vector<16xi32>
    %ne3A_11 = arith.cmpi ne, %rem3A_9, %ne3A_10 : vector<16xi32>
    %lt3A = arith.constant 0 : i32
    %lt3A_12 = vector.broadcast %lt3A : i32 to vector<16xi32>
    %lt3A_13 = arith.cmpi slt, %rem3A_9, %lt3A_12 : vector<16xi32>
    %lt3A_14 = arith.constant 0 : i32
    %lt3A_15 = arith.cmpi slt, %select_n3A, %lt3A_14 : i32
    %ne3A_16 = vector.broadcast %lt3A_15 : i1 to vector<16xi1>
    %ne3A_17 = vector.broadcast %ne3A_16 : vector<16xi1> to vector<16xi1>
    %ne3A_18 = arith.xori %lt3A_13, %ne3A_17 : vector<16xi1>
    %and3A = arith.andi %ne3A_18, %ne3A_11 : vector<16xi1>
    %add3A_19 = vector.broadcast %select_n3A : i32 to vector<16xi32>
    %add3A_20 = arith.addi %rem3A_9, %add3A_19 : vector<16xi32>
    %select_n3A_21 = arith.select %and3A, %add3A_20, %rem3A_9 : vector<16xi1>, vector<16xi32>
    %add3A_22 = arith.constant 2 : i32
    %add3A_23 = vector.broadcast %add3A_22 : i32 to vector<16xi32>
    %add3A_24 = arith.addi %iota3A, %add3A_23 : vector<16xi32>
    %jit3A_25 = arith.constant 16 : i32
    %eq3A_26 = arith.constant 0 : i32
    %eq3A_27 = arith.cmpi eq, %jit3A_25, %eq3A_26 : i32
    %jit3A_28 = arith.constant 1 : i32
    %select_n3A_29 = arith.select %eq3A_27, %jit3A_28, %jit3A_25 : i32
    %rem3A_30 = vector.broadcast %select_n3A_29 : i32 to vector<16xi32>
    %rem3A_31 = arith.remsi %add3A_24, %rem3A_30 : vector<16xi32>
    %ne3A_32 = arith.constant 0 : i32
    %ne3A_33 = vector.broadcast %ne3A_32 : i32 to vector<16xi32>
    %ne3A_34 = arith.cmpi ne, %rem3A_31, %ne3A_33 : vector<16xi32>
    %lt3A_35 = arith.constant 0 : i32
    %lt3A_36 = vector.broadcast %lt3A_35 : i32 to vector<16xi32>
    %lt3A_37 = arith.cmpi slt, %rem3A_31, %lt3A_36 : vector<16xi32>
    %lt3A_38 = arith.constant 0 : i32
    %lt3A_39 = arith.cmpi slt, %select_n3A_29, %lt3A_38 : i32
    %ne3A_40 = vector.broadcast %lt3A_39 : i1 to vector<16xi1>
    %ne3A_41 = vector.broadcast %ne3A_40 : vector<16xi1> to vector<16xi1>
    %ne3A_42 = arith.xori %lt3A_37, %ne3A_41 : vector<16xi1>
    %and3A_43 = arith.andi %ne3A_42, %ne3A_34 : vector<16xi1>
    %add3A_44 = vector.broadcast %select_n3A_29 : i32 to vector<16xi32>
    %add3A_45 = arith.addi %rem3A_31, %add3A_44 : vector<16xi32>
    %select_n3A_46 = arith.select %and3A_43, %add3A_45, %rem3A_31 : vector<16xi1>, vector<16xi32>
    %add3A_47 = arith.constant 4 : i32
    %add3A_48 = vector.broadcast %add3A_47 : i32 to vector<16xi32>
    %add3A_49 = arith.addi %iota3A, %add3A_48 : vector<16xi32>
    %jit3A_50 = arith.constant 16 : i32
    %eq3A_51 = arith.constant 0 : i32
    %eq3A_52 = arith.cmpi eq, %jit3A_50, %eq3A_51 : i32
    %jit3A_53 = arith.constant 1 : i32
    %select_n3A_54 = arith.select %eq3A_52, %jit3A_53, %jit3A_50 : i32
    %rem3A_55 = vector.broadcast %select_n3A_54 : i32 to vector<16xi32>
    %rem3A_56 = arith.remsi %add3A_49, %rem3A_55 : vector<16xi32>
    %ne3A_57 = arith.constant 0 : i32
    %ne3A_58 = vector.broadcast %ne3A_57 : i32 to vector<16xi32>
    %ne3A_59 = arith.cmpi ne, %rem3A_56, %ne3A_58 : vector<16xi32>
    %lt3A_60 = arith.constant 0 : i32
    %lt3A_61 = vector.broadcast %lt3A_60 : i32 to vector<16xi32>
    %lt3A_62 = arith.cmpi slt, %rem3A_56, %lt3A_61 : vector<16xi32>
    %lt3A_63 = arith.constant 0 : i32
    %lt3A_64 = arith.cmpi slt, %select_n3A_54, %lt3A_63 : i32
    %ne3A_65 = vector.broadcast %lt3A_64 : i1 to vector<16xi1>
    %ne3A_66 = vector.broadcast %ne3A_65 : vector<16xi1> to vector<16xi1>
    %ne3A_67 = arith.xori %lt3A_62, %ne3A_66 : vector<16xi1>
    %and3A_68 = arith.andi %ne3A_67, %ne3A_59 : vector<16xi1>
    %add3A_69 = vector.broadcast %select_n3A_54 : i32 to vector<16xi32>
    %add3A_70 = arith.addi %rem3A_56, %add3A_69 : vector<16xi32>
    %select_n3A_71 = arith.select %and3A_68, %add3A_70, %rem3A_56 : vector<16xi1>, vector<16xi32>
    %add3A_72 = arith.constant 8 : i32
    %add3A_73 = vector.broadcast %add3A_72 : i32 to vector<16xi32>
    %add3A_74 = arith.addi %iota3A, %add3A_73 : vector<16xi32>
    %jit3A_75 = arith.constant 16 : i32
    %eq3A_76 = arith.constant 0 : i32
    %eq3A_77 = arith.cmpi eq, %jit3A_75, %eq3A_76 : i32
    %jit3A_78 = arith.constant 1 : i32
    %select_n3A_79 = arith.select %eq3A_77, %jit3A_78, %jit3A_75 : i32
    %rem3A_80 = vector.broadcast %select_n3A_79 : i32 to vector<16xi32>
    %rem3A_81 = arith.remsi %add3A_74, %rem3A_80 : vector<16xi32>
    %ne3A_82 = arith.constant 0 : i32
    %ne3A_83 = vector.broadcast %ne3A_82 : i32 to vector<16xi32>
    %ne3A_84 = arith.cmpi ne, %rem3A_81, %ne3A_83 : vector<16xi32>
    %lt3A_85 = arith.constant 0 : i32
    %lt3A_86 = vector.broadcast %lt3A_85 : i32 to vector<16xi32>
    %lt3A_87 = arith.cmpi slt, %rem3A_81, %lt3A_86 : vector<16xi32>
    %lt3A_88 = arith.constant 0 : i32
    %lt3A_89 = arith.cmpi slt, %select_n3A_79, %lt3A_88 : i32
    %ne3A_90 = vector.broadcast %lt3A_89 : i1 to vector<16xi1>
    %ne3A_91 = vector.broadcast %ne3A_90 : vector<16xi1> to vector<16xi1>
    %ne3A_92 = arith.xori %lt3A_87, %ne3A_91 : vector<16xi1>
    %and3A_93 = arith.andi %ne3A_92, %ne3A_84 : vector<16xi1>
    %add3A_94 = vector.broadcast %select_n3A_79 : i32 to vector<16xi32>
    %add3A_95 = arith.addi %rem3A_81, %add3A_94 : vector<16xi32>
    %select_n3A_96 = arith.select %and3A_93, %add3A_95, %rem3A_81 : vector<16xi1>, vector<16xi32>
    %broadcast_in_dim3A_97 = arith.constant 0 : i32
    %broadcast_in_dim3A_98 = vector.broadcast %broadcast_in_dim3A_97 : i32 to vector<16xi32>
    %broadcast_in_dim3A_99 = arith.constant 0x7F800000 : f32
    %broadcast_in_dim3A_100 = vector.broadcast %broadcast_in_dim3A_99 : f32 to vector<16xf32>
    %broadcast_in_dim3A_101 = arith.constant -1 : i32
    %broadcast_in_dim3A_102 = vector.broadcast %broadcast_in_dim3A_101 : i32 to vector<16xi32>
    %scan3A = arith.constant 0 : i32
    %scan3A_103 = arith.constant 128 : i32
    %scan3A_104 = arith.addi %scan3A, %scan3A_103 : i32
    %scan3A_105 = arith.constant 1 : i32
    %scan3A_106:2 = scf.for %scan3A_2002 = %scan3A to %scan3A_104 step %scan3A_105 iter_args(%scan3A_2003 = %broadcast_in_dim3A_1, %scan3A_2004 = %broadcast_in_dim3A_3) -> (vector<16xf32>, vector<16xi32>)  : i32 {
      %mul3A_2005 = arith.constant 16 : i32
      %mul3A_2006 = arith.muli %scan3A_2002, %mul3A_2005 : i32
      %get3A = arith.index_cast %mul3A_2006 : i32 to index
      %get3A_2007 = tpu.vector_load %arg5[%get3A] {strides = array<i32>} : memref<2048xf32, #tpu.memory_space<vmem>>, vector<16xf32>,
      %get3A_2008 = vector.shape_cast %get3A_2007 : vector<16xf32> to vector<16xf32>
      %mul3A_2009 = arith.constant 16 : i32
      %mul3A_2010 = arith.muli %scan3A_2002, %mul3A_2009 : i32
      %add3A_2011 = vector.broadcast %mul3A_2010 : i32 to vector<16xi32>
      %add3A_2012 = arith.addi %iota3A, %add3A_2011 : vector<16xi32>
      %lt3A_2013 = arith.cmpf olt, %get3A_2008, %broadcast_in_dim3A_100 : vector<16xf32>
      %eq3A_2014 = arith.cmpf oeq, %get3A_2008, %broadcast_in_dim3A_100 : vector<16xf32>
      %gt3A_2015 = arith.cmpi sgt, %add3A_2012, %broadcast_in_dim3A_102 : vector<16xi32>
      %and3A_2016 = arith.andi %eq3A_2014, %gt3A_2015 : vector<16xi1>
      %or3A_2017 = arith.ori %lt3A_2013, %and3A_2016 : vector<16xi1>
      %gt3A_2018 = arith.cmpf ogt, %get3A_2008, %scan3A_2003 : vector<16xf32>
      %and3A_2019 = arith.andi %or3A_2017, %gt3A_2018 : vector<16xi1>
      %select_n3A_2020 = arith.select %and3A_2019, %get3A_2008, %scan3A_2003 : vector<16xi1>, vector<16xf32>
      %select_n3A_2021 = arith.select %and3A_2019, %add3A_2012, %scan3A_2004 : vector<16xi1>, vector<16xi32>
      scf.yield %select_n3A_2020, %select_n3A_2021 : vector<16xf32>, vector<16xi32>
    }
    %scan3A_107 = arith.constant 128 : i32
    %lt3A_108 = arith.constant 0 : i32
    %lt3A_109 = vector.broadcast %lt3A_108 : i32 to vector<16xi32>
    %lt3A_110 = arith.cmpi slt, %select_n3A_21, %lt3A_109 : vector<16xi32>
    %add3A_111 = arith.constant 16 : i32
    %add3A_112 = vector.broadcast %add3A_111 : i32 to vector<16xi32>
    %add3A_113 = arith.addi %select_n3A_21, %add3A_112 : vector<16xi32>
    %select_n3A_114 = arith.select %lt3A_110, %add3A_113, %select_n3A_21 : vector<16xi1>, vector<16xi32>
    %broadcast_in_dim3A_115 = vector.shape_cast %select_n3A_114 : vector<16xi32> to vector<16x1xi32>
    %gather3A = vector.shape_cast %broadcast_in_dim3A_115 : vector<16x1xi32> to vector<16xi32>
    %gather3A_116 = tpu.dynamic_gather %scan3A_106#0[%gather3A] in [0] : vector<16xf32>, vector<16xi32> -> vector<16xf32>
    %lt3A_117 = arith.constant 0 : i32
    %lt3A_118 = vector.broadcast %lt3A_117 : i32 to vector<16xi32>
    %lt3A_119 = arith.cmpi slt, %select_n3A_21, %lt3A_118 : vector<16xi32>
    %add3A_120 = arith.constant 16 : i32
    %add3A_121 = vector.broadcast %add3A_120 : i32 to vector<16xi32>
    %add3A_122 = arith.addi %select_n3A_21, %add3A_121 : vector<16xi32>
    %select_n3A_123 = arith.select %lt3A_119, %add3A_122, %select_n3A_21 : vector<16xi1>, vector<16xi32>
    %broadcast_in_dim3A_124 = vector.shape_cast %select_n3A_123 : vector<16xi32> to vector<16x1xi32>
    %gather3A_125 = vector.shape_cast %broadcast_in_dim3A_124 : vector<16x1xi32> to vector<16xi32>
    %gather3A_126 = tpu.dynamic_gather %scan3A_106#1[%gather3A_125] in [0] : vector<16xi32>, vector<16xi32> -> vector<16xi32>
    %gt3A = arith.cmpf ogt, %gather3A_116, %scan3A_106#0 : vector<16xf32>
    %eq3A_127 = arith.cmpf oeq, %gather3A_116, %scan3A_106#0 : vector<16xf32>
    %lt3A_128 = arith.cmpi slt, %gather3A_126, %scan3A_106#1 : vector<16xi32>
    %and3A_129 = arith.andi %eq3A_127, %lt3A_128 : vector<16xi1>
    %or3A = arith.ori %gt3A, %and3A_129 : vector<16xi1>
    %select_n3A_130 = arith.select %or3A, %gather3A_116, %scan3A_106#0 : vector<16xi1>, vector<16xf32>
    %select_n3A_131 = arith.select %or3A, %gather3A_126, %scan3A_106#1 : vector<16xi1>, vector<16xi32>
    %lt3A_132 = arith.constant 0 : i32
    %lt3A_133 = vector.broadcast %lt3A_132 : i32 to vector<16xi32>
    %lt3A_134 = arith.cmpi slt, %select_n3A_46, %lt3A_133 : vector<16xi32>
    %add3A_135 = arith.constant 16 : i32
    %add3A_136 = vector.broadcast %add3A_135 : i32 to vector<16xi32>
    %add3A_137 = arith.addi %select_n3A_46, %add3A_136 : vector<16xi32>
    %select_n3A_138 = arith.select %lt3A_134, %add3A_137, %select_n3A_46 : vector<16xi1>, vector<16xi32>
    %broadcast_in_dim3A_139 = vector.shape_cast %select_n3A_138 : vector<16xi32> to vector<16x1xi32>
    %gather3A_140 = vector.shape_cast %broadcast_in_dim3A_139 : vector<16x1xi32> to vector<16xi32>
    %gather3A_141 = tpu.dynamic_gather %select_n3A_130[%gather3A_140] in [0] : vector<16xf32>, vector<16xi32> -> vector<16xf32>
    %lt3A_142 = arith.constant 0 : i32
    %lt3A_143 = vector.broadcast %lt3A_142 : i32 to vector<16xi32>
    %lt3A_144 = arith.cmpi slt, %select_n3A_46, %lt3A_143 : vector<16xi32>
    %add3A_145 = arith.constant 16 : i32
    %add3A_146 = vector.broadcast %add3A_145 : i32 to vector<16xi32>
    %add3A_147 = arith.addi %select_n3A_46, %add3A_146 : vector<16xi32>
    %select_n3A_148 = arith.select %lt3A_144, %add3A_147, %select_n3A_46 : vector<16xi1>, vector<16xi32>
    %broadcast_in_dim3A_149 = vector.shape_cast %select_n3A_148 : vector<16xi32> to vector<16x1xi32>
    %gather3A_150 = vector.shape_cast %broadcast_in_dim3A_149 : vector<16x1xi32> to vector<16xi32>
    %gather3A_151 = tpu.dynamic_gather %select_n3A_131[%gather3A_150] in [0] : vector<16xi32>, vector<16xi32> -> vector<16xi32>
    %gt3A_152 = arith.cmpf ogt, %gather3A_141, %select_n3A_130 : vector<16xf32>
    %eq3A_153 = arith.cmpf oeq, %gather3A_141, %select_n3A_130 : vector<16xf32>
    %lt3A_154 = arith.cmpi slt, %gather3A_151, %select_n3A_131 : vector<16xi32>
    %and3A_155 = arith.andi %eq3A_153, %lt3A_154 : vector<16xi1>
    %or3A_156 = arith.ori %gt3A_152, %and3A_155 : vector<16xi1>
    %select_n3A_157 = arith.select %or3A_156, %gather3A_141, %select_n3A_130 : vector<16xi1>, vector<16xf32>
    %select_n3A_158 = arith.select %or3A_156, %gather3A_151, %select_n3A_131 : vector<16xi1>, vector<16xi32>
    %lt3A_159 = arith.constant 0 : i32
    %lt3A_160 = vector.broadcast %lt3A_159 : i32 to vector<16xi32>
    %lt3A_161 = arith.cmpi slt, %select_n3A_71, %lt3A_160 : vector<16xi32>
    %add3A_162 = arith.constant 16 : i32
    %add3A_163 = vector.broadcast %add3A_162 : i32 to vector<16xi32>
    %add3A_164 = arith.addi %select_n3A_71, %add3A_163 : vector<16xi32>
    %select_n3A_165 = arith.select %lt3A_161, %add3A_164, %select_n3A_71 : vector<16xi1>, vector<16xi32>
    %broadcast_in_dim3A_166 = vector.shape_cast %select_n3A_165 : vector<16xi32> to vector<16x1xi32>
    %gather3A_167 = vector.shape_cast %broadcast_in_dim3A_166 : vector<16x1xi32> to vector<16xi32>
    %gather3A_168 = tpu.dynamic_gather %select_n3A_157[%gather3A_167] in [0] : vector<16xf32>, vector<16xi32> -> vector<16xf32>
    %lt3A_169 = arith.constant 0 : i32
    %lt3A_170 = vector.broadcast %lt3A_169 : i32 to vector<16xi32>
    %lt3A_171 = arith.cmpi slt, %select_n3A_71, %lt3A_170 : vector<16xi32>
    %add3A_172 = arith.constant 16 : i32
    %add3A_173 = vector.broadcast %add3A_172 : i32 to vector<16xi32>
    %add3A_174 = arith.addi %select_n3A_71, %add3A_173 : vector<16xi32>
    %select_n3A_175 = arith.select %lt3A_171, %add3A_174, %select_n3A_71 : vector<16xi1>, vector<16xi32>
    %broadcast_in_dim3A_176 = vector.shape_cast %select_n3A_175 : vector<16xi32> to vector<16x1xi32>
    %gather3A_177 = vector.shape_cast %broadcast_in_dim3A_176 : vector<16x1xi32> to vector<16xi32>
    %gather3A_178 = tpu.dynamic_gather %select_n3A_158[%gather3A_177] in [0] : vector<16xi32>, vector<16xi32> -> vector<16xi32>
    %gt3A_179 = arith.cmpf ogt, %gather3A_168, %select_n3A_157 : vector<16xf32>
    %eq3A_180 = arith.cmpf oeq, %gather3A_168, %select_n3A_157 : vector<16xf32>
    %lt3A_181 = arith.cmpi slt, %gather3A_178, %select_n3A_158 : vector<16xi32>
    %and3A_182 = arith.andi %eq3A_180, %lt3A_181 : vector<16xi1>
    %or3A_183 = arith.ori %gt3A_179, %and3A_182 : vector<16xi1>
    %select_n3A_184 = arith.select %or3A_183, %gather3A_168, %select_n3A_157 : vector<16xi1>, vector<16xf32>
    %select_n3A_185 = arith.select %or3A_183, %gather3A_178, %select_n3A_158 : vector<16xi1>, vector<16xi32>
    %lt3A_186 = arith.constant 0 : i32
    %lt3A_187 = vector.broadcast %lt3A_186 : i32 to vector<16xi32>
    %lt3A_188 = arith.cmpi slt, %select_n3A_96, %lt3A_187 : vector<16xi32>
    %add3A_189 = arith.constant 16 : i32
    %add3A_190 = vector.broadcast %add3A_189 : i32 to vector<16xi32>
    %add3A_191 = arith.addi %select_n3A_96, %add3A_190 : vector<16xi32>
    %select_n3A_192 = arith.select %lt3A_188, %add3A_191, %select_n3A_96 : vector<16xi1>, vector<16xi32>
    %broadcast_in_dim3A_193 = vector.shape_cast %select_n3A_192 : vector<16xi32> to vector<16x1xi32>
    %gather3A_194 = vector.shape_cast %broadcast_in_dim3A_193 : vector<16x1xi32> to vector<16xi32>
    %gather3A_195 = tpu.dynamic_gather %select_n3A_184[%gather3A_194] in [0] : vector<16xf32>, vector<16xi32> -> vector<16xf32>
    %lt3A_196 = arith.constant 0 : i32
    %lt3A_197 = vector.broadcast %lt3A_196 : i32 to vector<16xi32>
    %lt3A_198 = arith.cmpi slt, %select_n3A_96, %lt3A_197 : vector<16xi32>
    %add3A_199 = arith.constant 16 : i32
    %add3A_200 = vector.broadcast %add3A_199 : i32 to vector<16xi32>
    %add3A_201 = arith.addi %select_n3A_96, %add3A_200 : vector<16xi32>
    %select_n3A_202 = arith.select %lt3A_198, %add3A_201, %select_n3A_96 : vector<16xi1>, vector<16xi32>
    %broadcast_in_dim3A_203 = vector.shape_cast %select_n3A_202 : vector<16xi32> to vector<16x1xi32>
    %gather3A_204 = vector.shape_cast %broadcast_in_dim3A_203 : vector<16x1xi32> to vector<16xi32>
    %gather3A_205 = tpu.dynamic_gather %select_n3A_185[%gather3A_204] in [0] : vector<16xi32>, vector<16xi32> -> vector<16xi32>
    %gt3A_206 = arith.cmpf ogt, %gather3A_195, %select_n3A_184 : vector<16xf32>
    %eq3A_207 = arith.cmpf oeq, %gather3A_195, %select_n3A_184 : vector<16xf32>
    %lt3A_208 = arith.cmpi slt, %gather3A_205, %select_n3A_185 : vector<16xi32>
    %and3A_209 = arith.andi %eq3A_207, %lt3A_208 : vector<16xi1>
    %or3A_210 = arith.ori %gt3A_206, %and3A_209 : vector<16xi1>
    %select_n3A_211 = arith.select %or3A_210, %gather3A_195, %select_n3A_184 : vector<16xi1>, vector<16xf32>
    %select_n3A_212 = arith.select %or3A_210, %gather3A_205, %select_n3A_185 : vector<16xi1>, vector<16xi32>
    %eq3A_213 = arith.constant 0 : i32
    %eq3A_214 = vector.broadcast %eq3A_213 : i32 to vector<16xi32>
    %eq3A_215 = arith.cmpi eq, %iota3A, %eq3A_214 : vector<16xi32>
    %select_n3A_216 = arith.select %eq3A_215, %select_n3A_212, %broadcast_in_dim3A_3 : vector<16xi1>, vector<16xi32>
    %eq3A_217 = arith.constant 0 : i32
    %eq3A_218 = vector.broadcast %eq3A_217 : i32 to vector<16xi32>
    %eq3A_219 = arith.cmpi eq, %iota3A, %eq3A_218 : vector<16xi32>
    %select_n3A_220 = arith.select %eq3A_219, %select_n3A_211, %broadcast_in_dim3A_1 : vector<16xi1>, vector<16xf32>
    %scan3A_221 = arith.constant 0 : i32
    %scan3A_222 = arith.constant 128 : i32
    %scan3A_223 = arith.addi %scan3A_221, %scan3A_222 : i32
    %scan3A_224 = arith.constant 1 : i32
    %scan3A_225:2 = scf.for %scan3A_2002 = %scan3A_221 to %scan3A_223 step %scan3A_224 iter_args(%scan3A_2003 = %broadcast_in_dim3A_1, %scan3A_2004 = %broadcast_in_dim3A_3) -> (vector<16xf32>, vector<16xi32>)  : i32 {
      %mul3A_2005 = arith.constant 16 : i32
      %mul3A_2006 = arith.muli %scan3A_2002, %mul3A_2005 : i32
      %get3A = arith.index_cast %mul3A_2006 : i32 to index
      %get3A_2007 = tpu.vector_load %arg5[%get3A] {strides = array<i32>} : memref<2048xf32, #tpu.memory_space<vmem>>, vector<16xf32>,
      %get3A_2008 = vector.shape_cast %get3A_2007 : vector<16xf32> to vector<16xf32>
      %mul3A_2009 = arith.constant 16 : i32
      %mul3A_2010 = arith.muli %scan3A_2002, %mul3A_2009 : i32
      %add3A_2011 = vector.broadcast %mul3A_2010 : i32 to vector<16xi32>
      %add3A_2012 = arith.addi %iota3A, %add3A_2011 : vector<16xi32>
      %lt3A_2013 = arith.cmpf olt, %get3A_2008, %select_n3A_211 : vector<16xf32>
      %eq3A_2014 = arith.cmpf oeq, %get3A_2008, %select_n3A_211 : vector<16xf32>
      %gt3A_2015 = arith.cmpi sgt, %add3A_2012, %select_n3A_212 : vector<16xi32>
      %and3A_2016 = arith.andi %eq3A_2014, %gt3A_2015 : vector<16xi1>
      %or3A_2017 = arith.ori %lt3A_2013, %and3A_2016 : vector<16xi1>
      %gt3A_2018 = arith.cmpf ogt, %get3A_2008, %scan3A_2003 : vector<16xf32>
      %and3A_2019 = arith.andi %or3A_2017, %gt3A_2018 : vector<16xi1>
      %select_n3A_2020 = arith.select %and3A_2019, %get3A_2008, %scan3A_2003 : vector<16xi1>, vector<16xf32>
      %select_n3A_2021 = arith.select %and3A_2019, %add3A_2012, %scan3A_2004 : vector<16xi1>, vector<16xi32>
      scf.yield %select_n3A_2020, %select_n3A_2021 : vector<16xf32>, vector<16xi32>
    }
    %scan3A_226 = arith.constant 128 : i32
    %lt3A_227 = arith.constant 0 : i32
    %lt3A_228 = vector.broadcast %lt3A_227 : i32 to vector<16xi32>
    %lt3A_229 = arith.cmpi slt, %select_n3A_21, %lt3A_228 : vector<16xi32>
    %add3A_230 = arith.constant 16 : i32
    %add3A_231 = vector.broadcast %add3A_230 : i32 to vector<16xi32>
    %add3A_232 = arith.addi %select_n3A_21, %add3A_231 : vector<16xi32>
    %select_n3A_233 = arith.select %lt3A_229, %add3A_232, %select_n3A_21 : vector<16xi1>, vector<16xi32>
    %broadcast_in_dim3A_234 = vector.shape_cast %select_n3A_233 : vector<16xi32> to vector<16x1xi32>
    %gather3A_235 = vector.shape_cast %broadcast_in_dim3A_234 : vector<16x1xi32> to vector<16xi32>
    %gather3A_236 = tpu.dynamic_gather %scan3A_225#0[%gather3A_235] in [0] : vector<16xf32>, vector<16xi32> -> vector<16xf32>
    %lt3A_237 = arith.constant 0 : i32
    %lt3A_238 = vector.broadcast %lt3A_237 : i32 to vector<16xi32>
    %lt3A_239 = arith.cmpi slt, %select_n3A_21, %lt3A_238 : vector<16xi32>
    %add3A_240 = arith.constant 16 : i32
    %add3A_241 = vector.broadcast %add3A_240 : i32 to vector<16xi32>
    %add3A_242 = arith.addi %select_n3A_21, %add3A_241 : vector<16xi32>
    %select_n3A_243 = arith.select %lt3A_239, %add3A_242, %select_n3A_21 : vector<16xi1>, vector<16xi32>
    %broadcast_in_dim3A_244 = vector.shape_cast %select_n3A_243 : vector<16xi32> to vector<16x1xi32>
    %gather3A_245 = vector.shape_cast %broadcast_in_dim3A_244 : vector<16x1xi32> to vector<16xi32>
    %gather3A_246 = tpu.dynamic_gather %scan3A_225#1[%gather3A_245] in [0] : vector<16xi32>, vector<16xi32> -> vector<16xi32>
    %gt3A_247 = arith.cmpf ogt, %gather3A_236, %scan3A_225#0 : vector<16xf32>
    %eq3A_248 = arith.cmpf oeq, %gather3A_236, %scan3A_225#0 : vector<16xf32>
    %lt3A_249 = arith.cmpi slt, %gather3A_246, %scan3A_225#1 : vector<16xi32>
    %and3A_250 = arith.andi %eq3A_248, %lt3A_249 : vector<16xi1>
    %or3A_251 = arith.ori %gt3A_247, %and3A_250 : vector<16xi1>
    %select_n3A_252 = arith.select %or3A_251, %gather3A_236, %scan3A_225#0 : vector<16xi1>, vector<16xf32>
    %select_n3A_253 = arith.select %or3A_251, %gather3A_246, %scan3A_225#1 : vector<16xi1>, vector<16xi32>
    %lt3A_254 = arith.constant 0 : i32
    %lt3A_255 = vector.broadcast %lt3A_254 : i32 to vector<16xi32>
    %lt3A_256 = arith.cmpi slt, %select_n3A_46, %lt3A_255 : vector<16xi32>
    %add3A_257 = arith.constant 16 : i32
    %add3A_258 = vector.broadcast %add3A_257 : i32 to vector<16xi32>
    %add3A_259 = arith.addi %select_n3A_46, %add3A_258 : vector<16xi32>
    %select_n3A_260 = arith.select %lt3A_256, %add3A_259, %select_n3A_46 : vector<16xi1>, vector<16xi32>
    %broadcast_in_dim3A_261 = vector.shape_cast %select_n3A_260 : vector<16xi32> to vector<16x1xi32>
    %gather3A_262 = vector.shape_cast %broadcast_in_dim3A_261 : vector<16x1xi32> to vector<16xi32>
    %gather3A_263 = tpu.dynamic_gather %select_n3A_252[%gather3A_262] in [0] : vector<16xf32>, vector<16xi32> -> vector<16xf32>
    %lt3A_264 = arith.constant 0 : i32
    %lt3A_265 = vector.broadcast %lt3A_264 : i32 to vector<16xi32>
    %lt3A_266 = arith.cmpi slt, %select_n3A_46, %lt3A_265 : vector<16xi32>
    %add3A_267 = arith.constant 16 : i32
    %add3A_268 = vector.broadcast %add3A_267 : i32 to vector<16xi32>
    %add3A_269 = arith.addi %select_n3A_46, %add3A_268 : vector<16xi32>
    %select_n3A_270 = arith.select %lt3A_266, %add3A_269, %select_n3A_46 : vector<16xi1>, vector<16xi32>
    %broadcast_in_dim3A_271 = vector.shape_cast %select_n3A_270 : vector<16xi32> to vector<16x1xi32>
    %gather3A_272 = vector.shape_cast %broadcast_in_dim3A_271 : vector<16x1xi32> to vector<16xi32>
    %gather3A_273 = tpu.dynamic_gather %select_n3A_253[%gather3A_272] in [0] : vector<16xi32>, vector<16xi32> -> vector<16xi32>
    %gt3A_274 = arith.cmpf ogt, %gather3A_263, %select_n3A_252 : vector<16xf32>
    %eq3A_275 = arith.cmpf oeq, %gather3A_263, %select_n3A_252 : vector<16xf32>
    %lt3A_276 = arith.cmpi slt, %gather3A_273, %select_n3A_253 : vector<16xi32>
    %and3A_277 = arith.andi %eq3A_275, %lt3A_276 : vector<16xi1>
    %or3A_278 = arith.ori %gt3A_274, %and3A_277 : vector<16xi1>
    %select_n3A_279 = arith.select %or3A_278, %gather3A_263, %select_n3A_252 : vector<16xi1>, vector<16xf32>
    %select_n3A_280 = arith.select %or3A_278, %gather3A_273, %select_n3A_253 : vector<16xi1>, vector<16xi32>
    %lt3A_281 = arith.constant 0 : i32
    %lt3A_282 = vector.broadcast %lt3A_281 : i32 to vector<16xi32>
    %lt3A_283 = arith.cmpi slt, %select_n3A_71, %lt3A_282 : vector<16xi32>
    %add3A_284 = arith.constant 16 : i32
    %add3A_285 = vector.broadcast %add3A_284 : i32 to vector<16xi32>
    %add3A_286 = arith.addi %select_n3A_71, %add3A_285 : vector<16xi32>
    %select_n3A_287 = arith.select %lt3A_283, %add3A_286, %select_n3A_71 : vector<16xi1>, vector<16xi32>
    %broadcast_in_dim3A_288 = vector.shape_cast %select_n3A_287 : vector<16xi32> to vector<16x1xi32>
    %gather3A_289 = vector.shape_cast %broadcast_in_dim3A_288 : vector<16x1xi32> to vector<16xi32>
    %gather3A_290 = tpu.dynamic_gather %select_n3A_279[%gather3A_289] in [0] : vector<16xf32>, vector<16xi32> -> vector<16xf32>
    %lt3A_291 = arith.constant 0 : i32
    %lt3A_292 = vector.broadcast %lt3A_291 : i32 to vector<16xi32>
    %lt3A_293 = arith.cmpi slt, %select_n3A_71, %lt3A_292 : vector<16xi32>
    %add3A_294 = arith.constant 16 : i32
    %add3A_295 = vector.broadcast %add3A_294 : i32 to vector<16xi32>
    %add3A_296 = arith.addi %select_n3A_71, %add3A_295 : vector<16xi32>
    %select_n3A_297 = arith.select %lt3A_293, %add3A_296, %select_n3A_71 : vector<16xi1>, vector<16xi32>
    %broadcast_in_dim3A_298 = vector.shape_cast %select_n3A_297 : vector<16xi32> to vector<16x1xi32>
    %gather3A_299 = vector.shape_cast %broadcast_in_dim3A_298 : vector<16x1xi32> to vector<16xi32>
    %gather3A_300 = tpu.dynamic_gather %select_n3A_280[%gather3A_299] in [0] : vector<16xi32>, vector<16xi32> -> vector<16xi32>
    %gt3A_301 = arith.cmpf ogt, %gather3A_290, %select_n3A_279 : vector<16xf32>
    %eq3A_302 = arith.cmpf oeq, %gather3A_290, %select_n3A_279 : vector<16xf32>
    %lt3A_303 = arith.cmpi slt, %gather3A_300, %select_n3A_280 : vector<16xi32>
    %and3A_304 = arith.andi %eq3A_302, %lt3A_303 : vector<16xi1>
    %or3A_305 = arith.ori %gt3A_301, %and3A_304 : vector<16xi1>
    %select_n3A_306 = arith.select %or3A_305, %gather3A_290, %select_n3A_279 : vector<16xi1>, vector<16xf32>
    %select_n3A_307 = arith.select %or3A_305, %gather3A_300, %select_n3A_280 : vector<16xi1>, vector<16xi32>
    %lt3A_308 = arith.constant 0 : i32
    %lt3A_309 = vector.broadcast %lt3A_308 : i32 to vector<16xi32>
    %lt3A_310 = arith.cmpi slt, %select_n3A_96, %lt3A_309 : vector<16xi32>
    %add3A_311 = arith.constant 16 : i32
    %add3A_312 = vector.broadcast %add3A_311 : i32 to vector<16xi32>
    %add3A_313 = arith.addi %select_n3A_96, %add3A_312 : vector<16xi32>
    %select_n3A_314 = arith.select %lt3A_310, %add3A_313, %select_n3A_96 : vector<16xi1>, vector<16xi32>
    %broadcast_in_dim3A_315 = vector.shape_cast %select_n3A_314 : vector<16xi32> to vector<16x1xi32>
    %gather3A_316 = vector.shape_cast %broadcast_in_dim3A_315 : vector<16x1xi32> to vector<16xi32>
    %gather3A_317 = tpu.dynamic_gather %select_n3A_306[%gather3A_316] in [0] : vector<16xf32>, vector<16xi32> -> vector<16xf32>
    %lt3A_318 = arith.constant 0 : i32
    %lt3A_319 = vector.broadcast %lt3A_318 : i32 to vector<16xi32>
    %lt3A_320 = arith.cmpi slt, %select_n3A_96, %lt3A_319 : vector<16xi32>
    %add3A_321 = arith.constant 16 : i32
    %add3A_322 = vector.broadcast %add3A_321 : i32 to vector<16xi32>
    %add3A_323 = arith.addi %select_n3A_96, %add3A_322 : vector<16xi32>
    %select_n3A_324 = arith.select %lt3A_320, %add3A_323, %select_n3A_96 : vector<16xi1>, vector<16xi32>
    %broadcast_in_dim3A_325 = vector.shape_cast %select_n3A_324 : vector<16xi32> to vector<16x1xi32>
    %gather3A_326 = vector.shape_cast %broadcast_in_dim3A_325 : vector<16x1xi32> to vector<16xi32>
    %gather3A_327 = tpu.dynamic_gather %select_n3A_307[%gather3A_326] in [0] : vector<16xi32>, vector<16xi32> -> vector<16xi32>
    %gt3A_328 = arith.cmpf ogt, %gather3A_317, %select_n3A_306 : vector<16xf32>
    %eq3A_329 = arith.cmpf oeq, %gather3A_317, %select_n3A_306 : vector<16xf32>
    %lt3A_330 = arith.cmpi slt, %gather3A_327, %select_n3A_307 : vector<16xi32>
    %and3A_331 = arith.andi %eq3A_329, %lt3A_330 : vector<16xi1>
    %or3A_332 = arith.ori %gt3A_328, %and3A_331 : vector<16xi1>
    %select_n3A_333 = arith.select %or3A_332, %gather3A_317, %select_n3A_306 : vector<16xi1>, vector<16xf32>
    %select_n3A_334 = arith.select %or3A_332, %gather3A_327, %select_n3A_307 : vector<16xi1>, vector<16xi32>
    %eq3A_335 = arith.constant 1 : i32
    %eq3A_336 = vector.broadcast %eq3A_335 : i32 to vector<16xi32>
    %eq3A_337 = arith.cmpi eq, %iota3A, %eq3A_336 : vector<16xi32>
    %select_n3A_338 = arith.select %eq3A_337, %select_n3A_334, %select_n3A_216 : vector<16xi1>, vector<16xi32>
    %eq3A_339 = arith.constant 1 : i32
    %eq3A_340 = vector.broadcast %eq3A_339 : i32 to vector<16xi32>
    %eq3A_341 = arith.cmpi eq, %iota3A, %eq3A_340 : vector<16xi32>
    %select_n3A_342 = arith.select %eq3A_341, %select_n3A_333, %select_n3A_220 : vector<16xi1>, vector<16xf32>
    %scan3A_343 = arith.constant 0 : i32
    %scan3A_344 = arith.constant 128 : i32
    %scan3A_345 = arith.addi %scan3A_343, %scan3A_344 : i32
    %scan3A_346 = arith.constant 1 : i32
    %scan3A_347:2 = scf.for %scan3A_2002 = %scan3A_343 to %scan3A_345 step %scan3A_346 iter_args(%scan3A_2003 = %broadcast_in_dim3A_1, %scan3A_2004 = %broadcast_in_dim3A_3) -> (vector<16xf32>, vector<16xi32>)  : i32 {
      %mul3A_2005 = arith.constant 16 : i32
      %mul3A_2006 = arith.muli %scan3A_2002, %mul3A_2005 : i32
      %get3A = arith.index_cast %mul3A_2006 : i32 to index
      %get3A_2007 = tpu.vector_load %arg5[%get3A] {strides = array<i32>} : memref<2048xf32, #tpu.memory_space<vmem>>, vector<16xf32>,
      %get3A_2008 = vector.shape_cast %get3A_2007 : vector<16xf32> to vector<16xf32>
      %mul3A_2009 = arith.constant 16 : i32
      %mul3A_2010 = arith.muli %scan3A_2002, %mul3A_2009 : i32
      %add3A_2011 = vector.broadcast %mul3A_2010 : i32 to vector<16xi32>
      %add3A_2012 = arith.addi %iota3A, %add3A_2011 : vector<16xi32>
      %lt3A_2013 = arith.cmpf olt, %get3A_2008, %select_n3A_333 : vector<16xf32>
      %eq3A_2014 = arith.cmpf oeq, %get3A_2008, %select_n3A_333 : vector<16xf32>
      %gt3A_2015 = arith.cmpi sgt, %add3A_2012, %select_n3A_334 : vector<16xi32>
      %and3A_2016 = arith.andi %eq3A_2014, %gt3A_2015 : vector<16xi1>
      %or3A_2017 = arith.ori %lt3A_2013, %and3A_2016 : vector<16xi1>
      %gt3A_2018 = arith.cmpf ogt, %get3A_2008, %scan3A_2003 : vector<16xf32>
      %and3A_2019 = arith.andi %or3A_2017, %gt3A_2018 : vector<16xi1>
      %select_n3A_2020 = arith.select %and3A_2019, %get3A_2008, %scan3A_2003 : vector<16xi1>, vector<16xf32>
      %select_n3A_2021 = arith.select %and3A_2019, %add3A_2012, %scan3A_2004 : vector<16xi1>, vector<16xi32>
      scf.yield %select_n3A_2020, %select_n3A_2021 : vector<16xf32>, vector<16xi32>
    }
    %scan3A_348 = arith.constant 128 : i32
    %lt3A_349 = arith.constant 0 : i32
    %lt3A_350 = vector.broadcast %lt3A_349 : i32 to vector<16xi32>
    %lt3A_351 = arith.cmpi slt, %select_n3A_21, %lt3A_350 : vector<16xi32>
    %add3A_352 = arith.constant 16 : i32
    %add3A_353 = vector.broadcast %add3A_352 : i32 to vector<16xi32>
    %add3A_354 = arith.addi %select_n3A_21, %add3A_353 : vector<16xi32>
    %select_n3A_355 = arith.select %lt3A_351, %add3A_354, %select_n3A_21 : vector<16xi1>, vector<16xi32>
    %broadcast_in_dim3A_356 = vector.shape_cast %select_n3A_355 : vector<16xi32> to vector<16x1xi32>
    %gather3A_357 = vector.shape_cast %broadcast_in_dim3A_356 : vector<16x1xi32> to vector<16xi32>
    %gather3A_358 = tpu.dynamic_gather %scan3A_347#0[%gather3A_357] in [0] : vector<16xf32>, vector<16xi32> -> vector<16xf32>
    %lt3A_359 = arith.constant 0 : i32
    %lt3A_360 = vector.broadcast %lt3A_359 : i32 to vector<16xi32>
    %lt3A_361 = arith.cmpi slt, %select_n3A_21, %lt3A_360 : vector<16xi32>
    %add3A_362 = arith.constant 16 : i32
    %add3A_363 = vector.broadcast %add3A_362 : i32 to vector<16xi32>
    %add3A_364 = arith.addi %select_n3A_21, %add3A_363 : vector<16xi32>
    %select_n3A_365 = arith.select %lt3A_361, %add3A_364, %select_n3A_21 : vector<16xi1>, vector<16xi32>
    %broadcast_in_dim3A_366 = vector.shape_cast %select_n3A_365 : vector<16xi32> to vector<16x1xi32>
    %gather3A_367 = vector.shape_cast %broadcast_in_dim3A_366 : vector<16x1xi32> to vector<16xi32>
    %gather3A_368 = tpu.dynamic_gather %scan3A_347#1[%gather3A_367] in [0] : vector<16xi32>, vector<16xi32> -> vector<16xi32>
    %gt3A_369 = arith.cmpf ogt, %gather3A_358, %scan3A_347#0 : vector<16xf32>
    %eq3A_370 = arith.cmpf oeq, %gather3A_358, %scan3A_347#0 : vector<16xf32>
    %lt3A_371 = arith.cmpi slt, %gather3A_368, %scan3A_347#1 : vector<16xi32>
    %and3A_372 = arith.andi %eq3A_370, %lt3A_371 : vector<16xi1>
    %or3A_373 = arith.ori %gt3A_369, %and3A_372 : vector<16xi1>
    %select_n3A_374 = arith.select %or3A_373, %gather3A_358, %scan3A_347#0 : vector<16xi1>, vector<16xf32>
    %select_n3A_375 = arith.select %or3A_373, %gather3A_368, %scan3A_347#1 : vector<16xi1>, vector<16xi32>
    %lt3A_376 = arith.constant 0 : i32
    %lt3A_377 = vector.broadcast %lt3A_376 : i32 to vector<16xi32>
    %lt3A_378 = arith.cmpi slt, %select_n3A_46, %lt3A_377 : vector<16xi32>
    %add3A_379 = arith.constant 16 : i32
    %add3A_380 = vector.broadcast %add3A_379 : i32 to vector<16xi32>
    %add3A_381 = arith.addi %select_n3A_46, %add3A_380 : vector<16xi32>
    %select_n3A_382 = arith.select %lt3A_378, %add3A_381, %select_n3A_46 : vector<16xi1>, vector<16xi32>
    %broadcast_in_dim3A_383 = vector.shape_cast %select_n3A_382 : vector<16xi32> to vector<16x1xi32>
    %gather3A_384 = vector.shape_cast %broadcast_in_dim3A_383 : vector<16x1xi32> to vector<16xi32>
    %gather3A_385 = tpu.dynamic_gather %select_n3A_374[%gather3A_384] in [0] : vector<16xf32>, vector<16xi32> -> vector<16xf32>
    %lt3A_386 = arith.constant 0 : i32
    %lt3A_387 = vector.broadcast %lt3A_386 : i32 to vector<16xi32>
    %lt3A_388 = arith.cmpi slt, %select_n3A_46, %lt3A_387 : vector<16xi32>
    %add3A_389 = arith.constant 16 : i32
    %add3A_390 = vector.broadcast %add3A_389 : i32 to vector<16xi32>
    %add3A_391 = arith.addi %select_n3A_46, %add3A_390 : vector<16xi32>
    %select_n3A_392 = arith.select %lt3A_388, %add3A_391, %select_n3A_46 : vector<16xi1>, vector<16xi32>
    %broadcast_in_dim3A_393 = vector.shape_cast %select_n3A_392 : vector<16xi32> to vector<16x1xi32>
    %gather3A_394 = vector.shape_cast %broadcast_in_dim3A_393 : vector<16x1xi32> to vector<16xi32>
    %gather3A_395 = tpu.dynamic_gather %select_n3A_375[%gather3A_394] in [0] : vector<16xi32>, vector<16xi32> -> vector<16xi32>
    %gt3A_396 = arith.cmpf ogt, %gather3A_385, %select_n3A_374 : vector<16xf32>
    %eq3A_397 = arith.cmpf oeq, %gather3A_385, %select_n3A_374 : vector<16xf32>
    %lt3A_398 = arith.cmpi slt, %gather3A_395, %select_n3A_375 : vector<16xi32>
    %and3A_399 = arith.andi %eq3A_397, %lt3A_398 : vector<16xi1>
    %or3A_400 = arith.ori %gt3A_396, %and3A_399 : vector<16xi1>
    %select_n3A_401 = arith.select %or3A_400, %gather3A_385, %select_n3A_374 : vector<16xi1>, vector<16xf32>
    %select_n3A_402 = arith.select %or3A_400, %gather3A_395, %select_n3A_375 : vector<16xi1>, vector<16xi32>
    %lt3A_403 = arith.constant 0 : i32
    %lt3A_404 = vector.broadcast %lt3A_403 : i32 to vector<16xi32>
    %lt3A_405 = arith.cmpi slt, %select_n3A_71, %lt3A_404 : vector<16xi32>
    %add3A_406 = arith.constant 16 : i32
    %add3A_407 = vector.broadcast %add3A_406 : i32 to vector<16xi32>
    %add3A_408 = arith.addi %select_n3A_71, %add3A_407 : vector<16xi32>
    %select_n3A_409 = arith.select %lt3A_405, %add3A_408, %select_n3A_71 : vector<16xi1>, vector<16xi32>
    %broadcast_in_dim3A_410 = vector.shape_cast %select_n3A_409 : vector<16xi32> to vector<16x1xi32>
    %gather3A_411 = vector.shape_cast %broadcast_in_dim3A_410 : vector<16x1xi32> to vector<16xi32>
    %gather3A_412 = tpu.dynamic_gather %select_n3A_401[%gather3A_411] in [0] : vector<16xf32>, vector<16xi32> -> vector<16xf32>
    %lt3A_413 = arith.constant 0 : i32
    %lt3A_414 = vector.broadcast %lt3A_413 : i32 to vector<16xi32>
    %lt3A_415 = arith.cmpi slt, %select_n3A_71, %lt3A_414 : vector<16xi32>
    %add3A_416 = arith.constant 16 : i32
    %add3A_417 = vector.broadcast %add3A_416 : i32 to vector<16xi32>
    %add3A_418 = arith.addi %select_n3A_71, %add3A_417 : vector<16xi32>
    %select_n3A_419 = arith.select %lt3A_415, %add3A_418, %select_n3A_71 : vector<16xi1>, vector<16xi32>
    %broadcast_in_dim3A_420 = vector.shape_cast %select_n3A_419 : vector<16xi32> to vector<16x1xi32>
    %gather3A_421 = vector.shape_cast %broadcast_in_dim3A_420 : vector<16x1xi32> to vector<16xi32>
    %gather3A_422 = tpu.dynamic_gather %select_n3A_402[%gather3A_421] in [0] : vector<16xi32>, vector<16xi32> -> vector<16xi32>
    %gt3A_423 = arith.cmpf ogt, %gather3A_412, %select_n3A_401 : vector<16xf32>
    %eq3A_424 = arith.cmpf oeq, %gather3A_412, %select_n3A_401 : vector<16xf32>
    %lt3A_425 = arith.cmpi slt, %gather3A_422, %select_n3A_402 : vector<16xi32>
    %and3A_426 = arith.andi %eq3A_424, %lt3A_425 : vector<16xi1>
    %or3A_427 = arith.ori %gt3A_423, %and3A_426 : vector<16xi1>
    %select_n3A_428 = arith.select %or3A_427, %gather3A_412, %select_n3A_401 : vector<16xi1>, vector<16xf32>
    %select_n3A_429 = arith.select %or3A_427, %gather3A_422, %select_n3A_402 : vector<16xi1>, vector<16xi32>
    %lt3A_430 = arith.constant 0 : i32
    %lt3A_431 = vector.broadcast %lt3A_430 : i32 to vector<16xi32>
    %lt3A_432 = arith.cmpi slt, %select_n3A_96, %lt3A_431 : vector<16xi32>
    %add3A_433 = arith.constant 16 : i32
    %add3A_434 = vector.broadcast %add3A_433 : i32 to vector<16xi32>
    %add3A_435 = arith.addi %select_n3A_96, %add3A_434 : vector<16xi32>
    %select_n3A_436 = arith.select %lt3A_432, %add3A_435, %select_n3A_96 : vector<16xi1>, vector<16xi32>
    %broadcast_in_dim3A_437 = vector.shape_cast %select_n3A_436 : vector<16xi32> to vector<16x1xi32>
    %gather3A_438 = vector.shape_cast %broadcast_in_dim3A_437 : vector<16x1xi32> to vector<16xi32>
    %gather3A_439 = tpu.dynamic_gather %select_n3A_428[%gather3A_438] in [0] : vector<16xf32>, vector<16xi32> -> vector<16xf32>
    %lt3A_440 = arith.constant 0 : i32
    %lt3A_441 = vector.broadcast %lt3A_440 : i32 to vector<16xi32>
    %lt3A_442 = arith.cmpi slt, %select_n3A_96, %lt3A_441 : vector<16xi32>
    %add3A_443 = arith.constant 16 : i32
    %add3A_444 = vector.broadcast %add3A_443 : i32 to vector<16xi32>
    %add3A_445 = arith.addi %select_n3A_96, %add3A_444 : vector<16xi32>
    %select_n3A_446 = arith.select %lt3A_442, %add3A_445, %select_n3A_96 : vector<16xi1>, vector<16xi32>
    %broadcast_in_dim3A_447 = vector.shape_cast %select_n3A_446 : vector<16xi32> to vector<16x1xi32>
    %gather3A_448 = vector.shape_cast %broadcast_in_dim3A_447 : vector<16x1xi32> to vector<16xi32>
    %gather3A_449 = tpu.dynamic_gather %select_n3A_429[%gather3A_448] in [0] : vector<16xi32>, vector<16xi32> -> vector<16xi32>
    %gt3A_450 = arith.cmpf ogt, %gather3A_439, %select_n3A_428 : vector<16xf32>
    %eq3A_451 = arith.cmpf oeq, %gather3A_439, %select_n3A_428 : vector<16xf32>
    %lt3A_452 = arith.cmpi slt, %gather3A_449, %select_n3A_429 : vector<16xi32>
    %and3A_453 = arith.andi %eq3A_451, %lt3A_452 : vector<16xi1>
    %or3A_454 = arith.ori %gt3A_450, %and3A_453 : vector<16xi1>
    %select_n3A_455 = arith.select %or3A_454, %gather3A_439, %select_n3A_428 : vector<16xi1>, vector<16xf32>
    %select_n3A_456 = arith.select %or3A_454, %gather3A_449, %select_n3A_429 : vector<16xi1>, vector<16xi32>
    %eq3A_457 = arith.constant 2 : i32
    %eq3A_458 = vector.broadcast %eq3A_457 : i32 to vector<16xi32>
    %eq3A_459 = arith.cmpi eq, %iota3A, %eq3A_458 : vector<16xi32>
    %select_n3A_460 = arith.select %eq3A_459, %select_n3A_456, %select_n3A_338 : vector<16xi1>, vector<16xi32>
    %eq3A_461 = arith.constant 2 : i32
    %eq3A_462 = vector.broadcast %eq3A_461 : i32 to vector<16xi32>
    %eq3A_463 = arith.cmpi eq, %iota3A, %eq3A_462 : vector<16xi32>
    %select_n3A_464 = arith.select %eq3A_463, %select_n3A_455, %select_n3A_342 : vector<16xi1>, vector<16xf32>
    %scan3A_465 = arith.constant 0 : i32
    %scan3A_466 = arith.constant 128 : i32
    %scan3A_467 = arith.addi %scan3A_465, %scan3A_466 : i32
    %scan3A_468 = arith.constant 1 : i32
    %scan3A_469:2 = scf.for %scan3A_2002 = %scan3A_465 to %scan3A_467 step %scan3A_468 iter_args(%scan3A_2003 = %broadcast_in_dim3A_1, %scan3A_2004 = %broadcast_in_dim3A_3) -> (vector<16xf32>, vector<16xi32>)  : i32 {
      %mul3A_2005 = arith.constant 16 : i32
      %mul3A_2006 = arith.muli %scan3A_2002, %mul3A_2005 : i32
      %get3A = arith.index_cast %mul3A_2006 : i32 to index
      %get3A_2007 = tpu.vector_load %arg5[%get3A] {strides = array<i32>} : memref<2048xf32, #tpu.memory_space<vmem>>, vector<16xf32>,
      %get3A_2008 = vector.shape_cast %get3A_2007 : vector<16xf32> to vector<16xf32>
      %mul3A_2009 = arith.constant 16 : i32
      %mul3A_2010 = arith.muli %scan3A_2002, %mul3A_2009 : i32
      %add3A_2011 = vector.broadcast %mul3A_2010 : i32 to vector<16xi32>
      %add3A_2012 = arith.addi %iota3A, %add3A_2011 : vector<16xi32>
      %lt3A_2013 = arith.cmpf olt, %get3A_2008, %select_n3A_455 : vector<16xf32>
      %eq3A_2014 = arith.cmpf oeq, %get3A_2008, %select_n3A_455 : vector<16xf32>
      %gt3A_2015 = arith.cmpi sgt, %add3A_2012, %select_n3A_456 : vector<16xi32>
      %and3A_2016 = arith.andi %eq3A_2014, %gt3A_2015 : vector<16xi1>
      %or3A_2017 = arith.ori %lt3A_2013, %and3A_2016 : vector<16xi1>
      %gt3A_2018 = arith.cmpf ogt, %get3A_2008, %scan3A_2003 : vector<16xf32>
      %and3A_2019 = arith.andi %or3A_2017, %gt3A_2018 : vector<16xi1>
      %select_n3A_2020 = arith.select %and3A_2019, %get3A_2008, %scan3A_2003 : vector<16xi1>, vector<16xf32>
      %select_n3A_2021 = arith.select %and3A_2019, %add3A_2012, %scan3A_2004 : vector<16xi1>, vector<16xi32>
      scf.yield %select_n3A_2020, %select_n3A_2021 : vector<16xf32>, vector<16xi32>
    }
    %scan3A_470 = arith.constant 128 : i32
    %lt3A_471 = arith.constant 0 : i32
    %lt3A_472 = vector.broadcast %lt3A_471 : i32 to vector<16xi32>
    %lt3A_473 = arith.cmpi slt, %select_n3A_21, %lt3A_472 : vector<16xi32>
    %add3A_474 = arith.constant 16 : i32
    %add3A_475 = vector.broadcast %add3A_474 : i32 to vector<16xi32>
    %add3A_476 = arith.addi %select_n3A_21, %add3A_475 : vector<16xi32>
    %select_n3A_477 = arith.select %lt3A_473, %add3A_476, %select_n3A_21 : vector<16xi1>, vector<16xi32>
    %broadcast_in_dim3A_478 = vector.shape_cast %select_n3A_477 : vector<16xi32> to vector<16x1xi32>
    %gather3A_479 = vector.shape_cast %broadcast_in_dim3A_478 : vector<16x1xi32> to vector<16xi32>
    %gather3A_480 = tpu.dynamic_gather %scan3A_469#0[%gather3A_479] in [0] : vector<16xf32>, vector<16xi32> -> vector<16xf32>
    %lt3A_481 = arith.constant 0 : i32
    %lt3A_482 = vector.broadcast %lt3A_481 : i32 to vector<16xi32>
    %lt3A_483 = arith.cmpi slt, %select_n3A_21, %lt3A_482 : vector<16xi32>
    %add3A_484 = arith.constant 16 : i32
    %add3A_485 = vector.broadcast %add3A_484 : i32 to vector<16xi32>
    %add3A_486 = arith.addi %select_n3A_21, %add3A_485 : vector<16xi32>
    %select_n3A_487 = arith.select %lt3A_483, %add3A_486, %select_n3A_21 : vector<16xi1>, vector<16xi32>
    %broadcast_in_dim3A_488 = vector.shape_cast %select_n3A_487 : vector<16xi32> to vector<16x1xi32>
    %gather3A_489 = vector.shape_cast %broadcast_in_dim3A_488 : vector<16x1xi32> to vector<16xi32>
    %gather3A_490 = tpu.dynamic_gather %scan3A_469#1[%gather3A_489] in [0] : vector<16xi32>, vector<16xi32> -> vector<16xi32>
    %gt3A_491 = arith.cmpf ogt, %gather3A_480, %scan3A_469#0 : vector<16xf32>
    %eq3A_492 = arith.cmpf oeq, %gather3A_480, %scan3A_469#0 : vector<16xf32>
    %lt3A_493 = arith.cmpi slt, %gather3A_490, %scan3A_469#1 : vector<16xi32>
    %and3A_494 = arith.andi %eq3A_492, %lt3A_493 : vector<16xi1>
    %or3A_495 = arith.ori %gt3A_491, %and3A_494 : vector<16xi1>
    %select_n3A_496 = arith.select %or3A_495, %gather3A_480, %scan3A_469#0 : vector<16xi1>, vector<16xf32>
    %select_n3A_497 = arith.select %or3A_495, %gather3A_490, %scan3A_469#1 : vector<16xi1>, vector<16xi32>
    %lt3A_498 = arith.constant 0 : i32
    %lt3A_499 = vector.broadcast %lt3A_498 : i32 to vector<16xi32>
    %lt3A_500 = arith.cmpi slt, %select_n3A_46, %lt3A_499 : vector<16xi32>
    %add3A_501 = arith.constant 16 : i32
    %add3A_502 = vector.broadcast %add3A_501 : i32 to vector<16xi32>
    %add3A_503 = arith.addi %select_n3A_46, %add3A_502 : vector<16xi32>
    %select_n3A_504 = arith.select %lt3A_500, %add3A_503, %select_n3A_46 : vector<16xi1>, vector<16xi32>
    %broadcast_in_dim3A_505 = vector.shape_cast %select_n3A_504 : vector<16xi32> to vector<16x1xi32>
    %gather3A_506 = vector.shape_cast %broadcast_in_dim3A_505 : vector<16x1xi32> to vector<16xi32>
    %gather3A_507 = tpu.dynamic_gather %select_n3A_496[%gather3A_506] in [0] : vector<16xf32>, vector<16xi32> -> vector<16xf32>
    %lt3A_508 = arith.constant 0 : i32
    %lt3A_509 = vector.broadcast %lt3A_508 : i32 to vector<16xi32>
    %lt3A_510 = arith.cmpi slt, %select_n3A_46, %lt3A_509 : vector<16xi32>
    %add3A_511 = arith.constant 16 : i32
    %add3A_512 = vector.broadcast %add3A_511 : i32 to vector<16xi32>
    %add3A_513 = arith.addi %select_n3A_46, %add3A_512 : vector<16xi32>
    %select_n3A_514 = arith.select %lt3A_510, %add3A_513, %select_n3A_46 : vector<16xi1>, vector<16xi32>
    %broadcast_in_dim3A_515 = vector.shape_cast %select_n3A_514 : vector<16xi32> to vector<16x1xi32>
    %gather3A_516 = vector.shape_cast %broadcast_in_dim3A_515 : vector<16x1xi32> to vector<16xi32>
    %gather3A_517 = tpu.dynamic_gather %select_n3A_497[%gather3A_516] in [0] : vector<16xi32>, vector<16xi32> -> vector<16xi32>
    %gt3A_518 = arith.cmpf ogt, %gather3A_507, %select_n3A_496 : vector<16xf32>
    %eq3A_519 = arith.cmpf oeq, %gather3A_507, %select_n3A_496 : vector<16xf32>
    %lt3A_520 = arith.cmpi slt, %gather3A_517, %select_n3A_497 : vector<16xi32>
    %and3A_521 = arith.andi %eq3A_519, %lt3A_520 : vector<16xi1>
    %or3A_522 = arith.ori %gt3A_518, %and3A_521 : vector<16xi1>
    %select_n3A_523 = arith.select %or3A_522, %gather3A_507, %select_n3A_496 : vector<16xi1>, vector<16xf32>
    %select_n3A_524 = arith.select %or3A_522, %gather3A_517, %select_n3A_497 : vector<16xi1>, vector<16xi32>
    %lt3A_525 = arith.constant 0 : i32
    %lt3A_526 = vector.broadcast %lt3A_525 : i32 to vector<16xi32>
    %lt3A_527 = arith.cmpi slt, %select_n3A_71, %lt3A_526 : vector<16xi32>
    %add3A_528 = arith.constant 16 : i32
    %add3A_529 = vector.broadcast %add3A_528 : i32 to vector<16xi32>
    %add3A_530 = arith.addi %select_n3A_71, %add3A_529 : vector<16xi32>
    %select_n3A_531 = arith.select %lt3A_527, %add3A_530, %select_n3A_71 : vector<16xi1>, vector<16xi32>
    %broadcast_in_dim3A_532 = vector.shape_cast %select_n3A_531 : vector<16xi32> to vector<16x1xi32>
    %gather3A_533 = vector.shape_cast %broadcast_in_dim3A_532 : vector<16x1xi32> to vector<16xi32>
    %gather3A_534 = tpu.dynamic_gather %select_n3A_523[%gather3A_533] in [0] : vector<16xf32>, vector<16xi32> -> vector<16xf32>
    %lt3A_535 = arith.constant 0 : i32
    %lt3A_536 = vector.broadcast %lt3A_535 : i32 to vector<16xi32>
    %lt3A_537 = arith.cmpi slt, %select_n3A_71, %lt3A_536 : vector<16xi32>
    %add3A_538 = arith.constant 16 : i32
    %add3A_539 = vector.broadcast %add3A_538 : i32 to vector<16xi32>
    %add3A_540 = arith.addi %select_n3A_71, %add3A_539 : vector<16xi32>
    %select_n3A_541 = arith.select %lt3A_537, %add3A_540, %select_n3A_71 : vector<16xi1>, vector<16xi32>
    %broadcast_in_dim3A_542 = vector.shape_cast %select_n3A_541 : vector<16xi32> to vector<16x1xi32>
    %gather3A_543 = vector.shape_cast %broadcast_in_dim3A_542 : vector<16x1xi32> to vector<16xi32>
    %gather3A_544 = tpu.dynamic_gather %select_n3A_524[%gather3A_543] in [0] : vector<16xi32>, vector<16xi32> -> vector<16xi32>
    %gt3A_545 = arith.cmpf ogt, %gather3A_534, %select_n3A_523 : vector<16xf32>
    %eq3A_546 = arith.cmpf oeq, %gather3A_534, %select_n3A_523 : vector<16xf32>
    %lt3A_547 = arith.cmpi slt, %gather3A_544, %select_n3A_524 : vector<16xi32>
    %and3A_548 = arith.andi %eq3A_546, %lt3A_547 : vector<16xi1>
    %or3A_549 = arith.ori %gt3A_545, %and3A_548 : vector<16xi1>
    %select_n3A_550 = arith.select %or3A_549, %gather3A_534, %select_n3A_523 : vector<16xi1>, vector<16xf32>
    %select_n3A_551 = arith.select %or3A_549, %gather3A_544, %select_n3A_524 : vector<16xi1>, vector<16xi32>
    %lt3A_552 = arith.constant 0 : i32
    %lt3A_553 = vector.broadcast %lt3A_552 : i32 to vector<16xi32>
    %lt3A_554 = arith.cmpi slt, %select_n3A_96, %lt3A_553 : vector<16xi32>
    %add3A_555 = arith.constant 16 : i32
    %add3A_556 = vector.broadcast %add3A_555 : i32 to vector<16xi32>
    %add3A_557 = arith.addi %select_n3A_96, %add3A_556 : vector<16xi32>
    %select_n3A_558 = arith.select %lt3A_554, %add3A_557, %select_n3A_96 : vector<16xi1>, vector<16xi32>
    %broadcast_in_dim3A_559 = vector.shape_cast %select_n3A_558 : vector<16xi32> to vector<16x1xi32>
    %gather3A_560 = vector.shape_cast %broadcast_in_dim3A_559 : vector<16x1xi32> to vector<16xi32>
    %gather3A_561 = tpu.dynamic_gather %select_n3A_550[%gather3A_560] in [0] : vector<16xf32>, vector<16xi32> -> vector<16xf32>
    %lt3A_562 = arith.constant 0 : i32
    %lt3A_563 = vector.broadcast %lt3A_562 : i32 to vector<16xi32>
    %lt3A_564 = arith.cmpi slt, %select_n3A_96, %lt3A_563 : vector<16xi32>
    %add3A_565 = arith.constant 16 : i32
    %add3A_566 = vector.broadcast %add3A_565 : i32 to vector<16xi32>
    %add3A_567 = arith.addi %select_n3A_96, %add3A_566 : vector<16xi32>
    %select_n3A_568 = arith.select %lt3A_564, %add3A_567, %select_n3A_96 : vector<16xi1>, vector<16xi32>
    %broadcast_in_dim3A_569 = vector.shape_cast %select_n3A_568 : vector<16xi32> to vector<16x1xi32>
    %gather3A_570 = vector.shape_cast %broadcast_in_dim3A_569 : vector<16x1xi32> to vector<16xi32>
    %gather3A_571 = tpu.dynamic_gather %select_n3A_551[%gather3A_570] in [0] : vector<16xi32>, vector<16xi32> -> vector<16xi32>
    %gt3A_572 = arith.cmpf ogt, %gather3A_561, %select_n3A_550 : vector<16xf32>
    %eq3A_573 = arith.cmpf oeq, %gather3A_561, %select_n3A_550 : vector<16xf32>
    %lt3A_574 = arith.cmpi slt, %gather3A_571, %select_n3A_551 : vector<16xi32>
    %and3A_575 = arith.andi %eq3A_573, %lt3A_574 : vector<16xi1>
    %or3A_576 = arith.ori %gt3A_572, %and3A_575 : vector<16xi1>
    %select_n3A_577 = arith.select %or3A_576, %gather3A_561, %select_n3A_550 : vector<16xi1>, vector<16xf32>
    %select_n3A_578 = arith.select %or3A_576, %gather3A_571, %select_n3A_551 : vector<16xi1>, vector<16xi32>
    %eq3A_579 = arith.constant 3 : i32
    %eq3A_580 = vector.broadcast %eq3A_579 : i32 to vector<16xi32>
    %eq3A_581 = arith.cmpi eq, %iota3A, %eq3A_580 : vector<16xi32>
    %select_n3A_582 = arith.select %eq3A_581, %select_n3A_578, %select_n3A_460 : vector<16xi1>, vector<16xi32>
    %eq3A_583 = arith.constant 3 : i32
    %eq3A_584 = vector.broadcast %eq3A_583 : i32 to vector<16xi32>
    %eq3A_585 = arith.cmpi eq, %iota3A, %eq3A_584 : vector<16xi32>
    %select_n3A_586 = arith.select %eq3A_585, %select_n3A_577, %select_n3A_464 : vector<16xi1>, vector<16xf32>
    %scan3A_587 = arith.constant 0 : i32
    %scan3A_588 = arith.constant 128 : i32
    %scan3A_589 = arith.addi %scan3A_587, %scan3A_588 : i32
    %scan3A_590 = arith.constant 1 : i32
    %scan3A_591:2 = scf.for %scan3A_2002 = %scan3A_587 to %scan3A_589 step %scan3A_590 iter_args(%scan3A_2003 = %broadcast_in_dim3A_1, %scan3A_2004 = %broadcast_in_dim3A_3) -> (vector<16xf32>, vector<16xi32>)  : i32 {
      %mul3A_2005 = arith.constant 16 : i32
      %mul3A_2006 = arith.muli %scan3A_2002, %mul3A_2005 : i32
      %get3A = arith.index_cast %mul3A_2006 : i32 to index
      %get3A_2007 = tpu.vector_load %arg5[%get3A] {strides = array<i32>} : memref<2048xf32, #tpu.memory_space<vmem>>, vector<16xf32>,
      %get3A_2008 = vector.shape_cast %get3A_2007 : vector<16xf32> to vector<16xf32>
      %mul3A_2009 = arith.constant 16 : i32
      %mul3A_2010 = arith.muli %scan3A_2002, %mul3A_2009 : i32
      %add3A_2011 = vector.broadcast %mul3A_2010 : i32 to vector<16xi32>
      %add3A_2012 = arith.addi %iota3A, %add3A_2011 : vector<16xi32>
      %lt3A_2013 = arith.cmpf olt, %get3A_2008, %select_n3A_577 : vector<16xf32>
      %eq3A_2014 = arith.cmpf oeq, %get3A_2008, %select_n3A_577 : vector<16xf32>
      %gt3A_2015 = arith.cmpi sgt, %add3A_2012, %select_n3A_578 : vector<16xi32>
      %and3A_2016 = arith.andi %eq3A_2014, %gt3A_2015 : vector<16xi1>
      %or3A_2017 = arith.ori %lt3A_2013, %and3A_2016 : vector<16xi1>
      %gt3A_2018 = arith.cmpf ogt, %get3A_2008, %scan3A_2003 : vector<16xf32>
      %and3A_2019 = arith.andi %or3A_2017, %gt3A_2018 : vector<16xi1>
      %select_n3A_2020 = arith.select %and3A_2019, %get3A_2008, %scan3A_2003 : vector<16xi1>, vector<16xf32>
      %select_n3A_2021 = arith.select %and3A_2019, %add3A_2012, %scan3A_2004 : vector<16xi1>, vector<16xi32>
      scf.yield %select_n3A_2020, %select_n3A_2021 : vector<16xf32>, vector<16xi32>
    }
    %scan3A_592 = arith.constant 128 : i32
    %lt3A_593 = arith.constant 0 : i32
    %lt3A_594 = vector.broadcast %lt3A_593 : i32 to vector<16xi32>
    %lt3A_595 = arith.cmpi slt, %select_n3A_21, %lt3A_594 : vector<16xi32>
    %add3A_596 = arith.constant 16 : i32
    %add3A_597 = vector.broadcast %add3A_596 : i32 to vector<16xi32>
    %add3A_598 = arith.addi %select_n3A_21, %add3A_597 : vector<16xi32>
    %select_n3A_599 = arith.select %lt3A_595, %add3A_598, %select_n3A_21 : vector<16xi1>, vector<16xi32>
    %broadcast_in_dim3A_600 = vector.shape_cast %select_n3A_599 : vector<16xi32> to vector<16x1xi32>
    %gather3A_601 = vector.shape_cast %broadcast_in_dim3A_600 : vector<16x1xi32> to vector<16xi32>
    %gather3A_602 = tpu.dynamic_gather %scan3A_591#0[%gather3A_601] in [0] : vector<16xf32>, vector<16xi32> -> vector<16xf32>
    %lt3A_603 = arith.constant 0 : i32
    %lt3A_604 = vector.broadcast %lt3A_603 : i32 to vector<16xi32>
    %lt3A_605 = arith.cmpi slt, %select_n3A_21, %lt3A_604 : vector<16xi32>
    %add3A_606 = arith.constant 16 : i32
    %add3A_607 = vector.broadcast %add3A_606 : i32 to vector<16xi32>
    %add3A_608 = arith.addi %select_n3A_21, %add3A_607 : vector<16xi32>
    %select_n3A_609 = arith.select %lt3A_605, %add3A_608, %select_n3A_21 : vector<16xi1>, vector<16xi32>
    %broadcast_in_dim3A_610 = vector.shape_cast %select_n3A_609 : vector<16xi32> to vector<16x1xi32>
    %gather3A_611 = vector.shape_cast %broadcast_in_dim3A_610 : vector<16x1xi32> to vector<16xi32>
    %gather3A_612 = tpu.dynamic_gather %scan3A_591#1[%gather3A_611] in [0] : vector<16xi32>, vector<16xi32> -> vector<16xi32>
    %gt3A_613 = arith.cmpf ogt, %gather3A_602, %scan3A_591#0 : vector<16xf32>
    %eq3A_614 = arith.cmpf oeq, %gather3A_602, %scan3A_591#0 : vector<16xf32>
    %lt3A_615 = arith.cmpi slt, %gather3A_612, %scan3A_591#1 : vector<16xi32>
    %and3A_616 = arith.andi %eq3A_614, %lt3A_615 : vector<16xi1>
    %or3A_617 = arith.ori %gt3A_613, %and3A_616 : vector<16xi1>
    %select_n3A_618 = arith.select %or3A_617, %gather3A_602, %scan3A_591#0 : vector<16xi1>, vector<16xf32>
    %select_n3A_619 = arith.select %or3A_617, %gather3A_612, %scan3A_591#1 : vector<16xi1>, vector<16xi32>
    %lt3A_620 = arith.constant 0 : i32
    %lt3A_621 = vector.broadcast %lt3A_620 : i32 to vector<16xi32>
    %lt3A_622 = arith.cmpi slt, %select_n3A_46, %lt3A_621 : vector<16xi32>
    %add3A_623 = arith.constant 16 : i32
    %add3A_624 = vector.broadcast %add3A_623 : i32 to vector<16xi32>
    %add3A_625 = arith.addi %select_n3A_46, %add3A_624 : vector<16xi32>
    %select_n3A_626 = arith.select %lt3A_622, %add3A_625, %select_n3A_46 : vector<16xi1>, vector<16xi32>
    %broadcast_in_dim3A_627 = vector.shape_cast %select_n3A_626 : vector<16xi32> to vector<16x1xi32>
    %gather3A_628 = vector.shape_cast %broadcast_in_dim3A_627 : vector<16x1xi32> to vector<16xi32>
    %gather3A_629 = tpu.dynamic_gather %select_n3A_618[%gather3A_628] in [0] : vector<16xf32>, vector<16xi32> -> vector<16xf32>
    %lt3A_630 = arith.constant 0 : i32
    %lt3A_631 = vector.broadcast %lt3A_630 : i32 to vector<16xi32>
    %lt3A_632 = arith.cmpi slt, %select_n3A_46, %lt3A_631 : vector<16xi32>
    %add3A_633 = arith.constant 16 : i32
    %add3A_634 = vector.broadcast %add3A_633 : i32 to vector<16xi32>
    %add3A_635 = arith.addi %select_n3A_46, %add3A_634 : vector<16xi32>
    %select_n3A_636 = arith.select %lt3A_632, %add3A_635, %select_n3A_46 : vector<16xi1>, vector<16xi32>
    %broadcast_in_dim3A_637 = vector.shape_cast %select_n3A_636 : vector<16xi32> to vector<16x1xi32>
    %gather3A_638 = vector.shape_cast %broadcast_in_dim3A_637 : vector<16x1xi32> to vector<16xi32>
    %gather3A_639 = tpu.dynamic_gather %select_n3A_619[%gather3A_638] in [0] : vector<16xi32>, vector<16xi32> -> vector<16xi32>
    %gt3A_640 = arith.cmpf ogt, %gather3A_629, %select_n3A_618 : vector<16xf32>
    %eq3A_641 = arith.cmpf oeq, %gather3A_629, %select_n3A_618 : vector<16xf32>
    %lt3A_642 = arith.cmpi slt, %gather3A_639, %select_n3A_619 : vector<16xi32>
    %and3A_643 = arith.andi %eq3A_641, %lt3A_642 : vector<16xi1>
    %or3A_644 = arith.ori %gt3A_640, %and3A_643 : vector<16xi1>
    %select_n3A_645 = arith.select %or3A_644, %gather3A_629, %select_n3A_618 : vector<16xi1>, vector<16xf32>
    %select_n3A_646 = arith.select %or3A_644, %gather3A_639, %select_n3A_619 : vector<16xi1>, vector<16xi32>
    %lt3A_647 = arith.constant 0 : i32
    %lt3A_648 = vector.broadcast %lt3A_647 : i32 to vector<16xi32>
    %lt3A_649 = arith.cmpi slt, %select_n3A_71, %lt3A_648 : vector<16xi32>
    %add3A_650 = arith.constant 16 : i32
    %add3A_651 = vector.broadcast %add3A_650 : i32 to vector<16xi32>
    %add3A_652 = arith.addi %select_n3A_71, %add3A_651 : vector<16xi32>
    %select_n3A_653 = arith.select %lt3A_649, %add3A_652, %select_n3A_71 : vector<16xi1>, vector<16xi32>
    %broadcast_in_dim3A_654 = vector.shape_cast %select_n3A_653 : vector<16xi32> to vector<16x1xi32>
    %gather3A_655 = vector.shape_cast %broadcast_in_dim3A_654 : vector<16x1xi32> to vector<16xi32>
    %gather3A_656 = tpu.dynamic_gather %select_n3A_645[%gather3A_655] in [0] : vector<16xf32>, vector<16xi32> -> vector<16xf32>
    %lt3A_657 = arith.constant 0 : i32
    %lt3A_658 = vector.broadcast %lt3A_657 : i32 to vector<16xi32>
    %lt3A_659 = arith.cmpi slt, %select_n3A_71, %lt3A_658 : vector<16xi32>
    %add3A_660 = arith.constant 16 : i32
    %add3A_661 = vector.broadcast %add3A_660 : i32 to vector<16xi32>
    %add3A_662 = arith.addi %select_n3A_71, %add3A_661 : vector<16xi32>
    %select_n3A_663 = arith.select %lt3A_659, %add3A_662, %select_n3A_71 : vector<16xi1>, vector<16xi32>
    %broadcast_in_dim3A_664 = vector.shape_cast %select_n3A_663 : vector<16xi32> to vector<16x1xi32>
    %gather3A_665 = vector.shape_cast %broadcast_in_dim3A_664 : vector<16x1xi32> to vector<16xi32>
    %gather3A_666 = tpu.dynamic_gather %select_n3A_646[%gather3A_665] in [0] : vector<16xi32>, vector<16xi32> -> vector<16xi32>
    %gt3A_667 = arith.cmpf ogt, %gather3A_656, %select_n3A_645 : vector<16xf32>
    %eq3A_668 = arith.cmpf oeq, %gather3A_656, %select_n3A_645 : vector<16xf32>
    %lt3A_669 = arith.cmpi slt, %gather3A_666, %select_n3A_646 : vector<16xi32>
    %and3A_670 = arith.andi %eq3A_668, %lt3A_669 : vector<16xi1>
    %or3A_671 = arith.ori %gt3A_667, %and3A_670 : vector<16xi1>
    %select_n3A_672 = arith.select %or3A_671, %gather3A_656, %select_n3A_645 : vector<16xi1>, vector<16xf32>
    %select_n3A_673 = arith.select %or3A_671, %gather3A_666, %select_n3A_646 : vector<16xi1>, vector<16xi32>
    %lt3A_674 = arith.constant 0 : i32
    %lt3A_675 = vector.broadcast %lt3A_674 : i32 to vector<16xi32>
    %lt3A_676 = arith.cmpi slt, %select_n3A_96, %lt3A_675 : vector<16xi32>
    %add3A_677 = arith.constant 16 : i32
    %add3A_678 = vector.broadcast %add3A_677 : i32 to vector<16xi32>
    %add3A_679 = arith.addi %select_n3A_96, %add3A_678 : vector<16xi32>
    %select_n3A_680 = arith.select %lt3A_676, %add3A_679, %select_n3A_96 : vector<16xi1>, vector<16xi32>
    %broadcast_in_dim3A_681 = vector.shape_cast %select_n3A_680 : vector<16xi32> to vector<16x1xi32>
    %gather3A_682 = vector.shape_cast %broadcast_in_dim3A_681 : vector<16x1xi32> to vector<16xi32>
    %gather3A_683 = tpu.dynamic_gather %select_n3A_672[%gather3A_682] in [0] : vector<16xf32>, vector<16xi32> -> vector<16xf32>
    %lt3A_684 = arith.constant 0 : i32
    %lt3A_685 = vector.broadcast %lt3A_684 : i32 to vector<16xi32>
    %lt3A_686 = arith.cmpi slt, %select_n3A_96, %lt3A_685 : vector<16xi32>
    %add3A_687 = arith.constant 16 : i32
    %add3A_688 = vector.broadcast %add3A_687 : i32 to vector<16xi32>
    %add3A_689 = arith.addi %select_n3A_96, %add3A_688 : vector<16xi32>
    %select_n3A_690 = arith.select %lt3A_686, %add3A_689, %select_n3A_96 : vector<16xi1>, vector<16xi32>
    %broadcast_in_dim3A_691 = vector.shape_cast %select_n3A_690 : vector<16xi32> to vector<16x1xi32>
    %gather3A_692 = vector.shape_cast %broadcast_in_dim3A_691 : vector<16x1xi32> to vector<16xi32>
    %gather3A_693 = tpu.dynamic_gather %select_n3A_673[%gather3A_692] in [0] : vector<16xi32>, vector<16xi32> -> vector<16xi32>
    %gt3A_694 = arith.cmpf ogt, %gather3A_683, %select_n3A_672 : vector<16xf32>
    %eq3A_695 = arith.cmpf oeq, %gather3A_683, %select_n3A_672 : vector<16xf32>
    %lt3A_696 = arith.cmpi slt, %gather3A_693, %select_n3A_673 : vector<16xi32>
    %and3A_697 = arith.andi %eq3A_695, %lt3A_696 : vector<16xi1>
    %or3A_698 = arith.ori %gt3A_694, %and3A_697 : vector<16xi1>
    %select_n3A_699 = arith.select %or3A_698, %gather3A_683, %select_n3A_672 : vector<16xi1>, vector<16xf32>
    %select_n3A_700 = arith.select %or3A_698, %gather3A_693, %select_n3A_673 : vector<16xi1>, vector<16xi32>
    %eq3A_701 = arith.constant 4 : i32
    %eq3A_702 = vector.broadcast %eq3A_701 : i32 to vector<16xi32>
    %eq3A_703 = arith.cmpi eq, %iota3A, %eq3A_702 : vector<16xi32>
    %select_n3A_704 = arith.select %eq3A_703, %select_n3A_700, %select_n3A_582 : vector<16xi1>, vector<16xi32>
    %eq3A_705 = arith.constant 4 : i32
    %eq3A_706 = vector.broadcast %eq3A_705 : i32 to vector<16xi32>
    %eq3A_707 = arith.cmpi eq, %iota3A, %eq3A_706 : vector<16xi32>
    %select_n3A_708 = arith.select %eq3A_707, %select_n3A_699, %select_n3A_586 : vector<16xi1>, vector<16xf32>
    %scan3A_709 = arith.constant 0 : i32
    %scan3A_710 = arith.constant 128 : i32
    %scan3A_711 = arith.addi %scan3A_709, %scan3A_710 : i32
    %scan3A_712 = arith.constant 1 : i32
    %scan3A_713:2 = scf.for %scan3A_2002 = %scan3A_709 to %scan3A_711 step %scan3A_712 iter_args(%scan3A_2003 = %broadcast_in_dim3A_1, %scan3A_2004 = %broadcast_in_dim3A_3) -> (vector<16xf32>, vector<16xi32>)  : i32 {
      %mul3A_2005 = arith.constant 16 : i32
      %mul3A_2006 = arith.muli %scan3A_2002, %mul3A_2005 : i32
      %get3A = arith.index_cast %mul3A_2006 : i32 to index
      %get3A_2007 = tpu.vector_load %arg5[%get3A] {strides = array<i32>} : memref<2048xf32, #tpu.memory_space<vmem>>, vector<16xf32>,
      %get3A_2008 = vector.shape_cast %get3A_2007 : vector<16xf32> to vector<16xf32>
      %mul3A_2009 = arith.constant 16 : i32
      %mul3A_2010 = arith.muli %scan3A_2002, %mul3A_2009 : i32
      %add3A_2011 = vector.broadcast %mul3A_2010 : i32 to vector<16xi32>
      %add3A_2012 = arith.addi %iota3A, %add3A_2011 : vector<16xi32>
      %lt3A_2013 = arith.cmpf olt, %get3A_2008, %select_n3A_699 : vector<16xf32>
      %eq3A_2014 = arith.cmpf oeq, %get3A_2008, %select_n3A_699 : vector<16xf32>
      %gt3A_2015 = arith.cmpi sgt, %add3A_2012, %select_n3A_700 : vector<16xi32>
      %and3A_2016 = arith.andi %eq3A_2014, %gt3A_2015 : vector<16xi1>
      %or3A_2017 = arith.ori %lt3A_2013, %and3A_2016 : vector<16xi1>
      %gt3A_2018 = arith.cmpf ogt, %get3A_2008, %scan3A_2003 : vector<16xf32>
      %and3A_2019 = arith.andi %or3A_2017, %gt3A_2018 : vector<16xi1>
      %select_n3A_2020 = arith.select %and3A_2019, %get3A_2008, %scan3A_2003 : vector<16xi1>, vector<16xf32>
      %select_n3A_2021 = arith.select %and3A_2019, %add3A_2012, %scan3A_2004 : vector<16xi1>, vector<16xi32>
      scf.yield %select_n3A_2020, %select_n3A_2021 : vector<16xf32>, vector<16xi32>
    }
    %scan3A_714 = arith.constant 128 : i32
    %lt3A_715 = arith.constant 0 : i32
    %lt3A_716 = vector.broadcast %lt3A_715 : i32 to vector<16xi32>
    %lt3A_717 = arith.cmpi slt, %select_n3A_21, %lt3A_716 : vector<16xi32>
    %add3A_718 = arith.constant 16 : i32
    %add3A_719 = vector.broadcast %add3A_718 : i32 to vector<16xi32>
    %add3A_720 = arith.addi %select_n3A_21, %add3A_719 : vector<16xi32>
    %select_n3A_721 = arith.select %lt3A_717, %add3A_720, %select_n3A_21 : vector<16xi1>, vector<16xi32>
    %broadcast_in_dim3A_722 = vector.shape_cast %select_n3A_721 : vector<16xi32> to vector<16x1xi32>
    %gather3A_723 = vector.shape_cast %broadcast_in_dim3A_722 : vector<16x1xi32> to vector<16xi32>
    %gather3A_724 = tpu.dynamic_gather %scan3A_713#0[%gather3A_723] in [0] : vector<16xf32>, vector<16xi32> -> vector<16xf32>
    %lt3A_725 = arith.constant 0 : i32
    %lt3A_726 = vector.broadcast %lt3A_725 : i32 to vector<16xi32>
    %lt3A_727 = arith.cmpi slt, %select_n3A_21, %lt3A_726 : vector<16xi32>
    %add3A_728 = arith.constant 16 : i32
    %add3A_729 = vector.broadcast %add3A_728 : i32 to vector<16xi32>
    %add3A_730 = arith.addi %select_n3A_21, %add3A_729 : vector<16xi32>
    %select_n3A_731 = arith.select %lt3A_727, %add3A_730, %select_n3A_21 : vector<16xi1>, vector<16xi32>
    %broadcast_in_dim3A_732 = vector.shape_cast %select_n3A_731 : vector<16xi32> to vector<16x1xi32>
    %gather3A_733 = vector.shape_cast %broadcast_in_dim3A_732 : vector<16x1xi32> to vector<16xi32>
    %gather3A_734 = tpu.dynamic_gather %scan3A_713#1[%gather3A_733] in [0] : vector<16xi32>, vector<16xi32> -> vector<16xi32>
    %gt3A_735 = arith.cmpf ogt, %gather3A_724, %scan3A_713#0 : vector<16xf32>
    %eq3A_736 = arith.cmpf oeq, %gather3A_724, %scan3A_713#0 : vector<16xf32>
    %lt3A_737 = arith.cmpi slt, %gather3A_734, %scan3A_713#1 : vector<16xi32>
    %and3A_738 = arith.andi %eq3A_736, %lt3A_737 : vector<16xi1>
    %or3A_739 = arith.ori %gt3A_735, %and3A_738 : vector<16xi1>
    %select_n3A_740 = arith.select %or3A_739, %gather3A_724, %scan3A_713#0 : vector<16xi1>, vector<16xf32>
    %select_n3A_741 = arith.select %or3A_739, %gather3A_734, %scan3A_713#1 : vector<16xi1>, vector<16xi32>
    %lt3A_742 = arith.constant 0 : i32
    %lt3A_743 = vector.broadcast %lt3A_742 : i32 to vector<16xi32>
    %lt3A_744 = arith.cmpi slt, %select_n3A_46, %lt3A_743 : vector<16xi32>
    %add3A_745 = arith.constant 16 : i32
    %add3A_746 = vector.broadcast %add3A_745 : i32 to vector<16xi32>
    %add3A_747 = arith.addi %select_n3A_46, %add3A_746 : vector<16xi32>
    %select_n3A_748 = arith.select %lt3A_744, %add3A_747, %select_n3A_46 : vector<16xi1>, vector<16xi32>
    %broadcast_in_dim3A_749 = vector.shape_cast %select_n3A_748 : vector<16xi32> to vector<16x1xi32>
    %gather3A_750 = vector.shape_cast %broadcast_in_dim3A_749 : vector<16x1xi32> to vector<16xi32>
    %gather3A_751 = tpu.dynamic_gather %select_n3A_740[%gather3A_750] in [0] : vector<16xf32>, vector<16xi32> -> vector<16xf32>
    %lt3A_752 = arith.constant 0 : i32
    %lt3A_753 = vector.broadcast %lt3A_752 : i32 to vector<16xi32>
    %lt3A_754 = arith.cmpi slt, %select_n3A_46, %lt3A_753 : vector<16xi32>
    %add3A_755 = arith.constant 16 : i32
    %add3A_756 = vector.broadcast %add3A_755 : i32 to vector<16xi32>
    %add3A_757 = arith.addi %select_n3A_46, %add3A_756 : vector<16xi32>
    %select_n3A_758 = arith.select %lt3A_754, %add3A_757, %select_n3A_46 : vector<16xi1>, vector<16xi32>
    %broadcast_in_dim3A_759 = vector.shape_cast %select_n3A_758 : vector<16xi32> to vector<16x1xi32>
    %gather3A_760 = vector.shape_cast %broadcast_in_dim3A_759 : vector<16x1xi32> to vector<16xi32>
    %gather3A_761 = tpu.dynamic_gather %select_n3A_741[%gather3A_760] in [0] : vector<16xi32>, vector<16xi32> -> vector<16xi32>
    %gt3A_762 = arith.cmpf ogt, %gather3A_751, %select_n3A_740 : vector<16xf32>
    %eq3A_763 = arith.cmpf oeq, %gather3A_751, %select_n3A_740 : vector<16xf32>
    %lt3A_764 = arith.cmpi slt, %gather3A_761, %select_n3A_741 : vector<16xi32>
    %and3A_765 = arith.andi %eq3A_763, %lt3A_764 : vector<16xi1>
    %or3A_766 = arith.ori %gt3A_762, %and3A_765 : vector<16xi1>
    %select_n3A_767 = arith.select %or3A_766, %gather3A_751, %select_n3A_740 : vector<16xi1>, vector<16xf32>
    %select_n3A_768 = arith.select %or3A_766, %gather3A_761, %select_n3A_741 : vector<16xi1>, vector<16xi32>
    %lt3A_769 = arith.constant 0 : i32
    %lt3A_770 = vector.broadcast %lt3A_769 : i32 to vector<16xi32>
    %lt3A_771 = arith.cmpi slt, %select_n3A_71, %lt3A_770 : vector<16xi32>
    %add3A_772 = arith.constant 16 : i32
    %add3A_773 = vector.broadcast %add3A_772 : i32 to vector<16xi32>
    %add3A_774 = arith.addi %select_n3A_71, %add3A_773 : vector<16xi32>
    %select_n3A_775 = arith.select %lt3A_771, %add3A_774, %select_n3A_71 : vector<16xi1>, vector<16xi32>
    %broadcast_in_dim3A_776 = vector.shape_cast %select_n3A_775 : vector<16xi32> to vector<16x1xi32>
    %gather3A_777 = vector.shape_cast %broadcast_in_dim3A_776 : vector<16x1xi32> to vector<16xi32>
    %gather3A_778 = tpu.dynamic_gather %select_n3A_767[%gather3A_777] in [0] : vector<16xf32>, vector<16xi32> -> vector<16xf32>
    %lt3A_779 = arith.constant 0 : i32
    %lt3A_780 = vector.broadcast %lt3A_779 : i32 to vector<16xi32>
    %lt3A_781 = arith.cmpi slt, %select_n3A_71, %lt3A_780 : vector<16xi32>
    %add3A_782 = arith.constant 16 : i32
    %add3A_783 = vector.broadcast %add3A_782 : i32 to vector<16xi32>
    %add3A_784 = arith.addi %select_n3A_71, %add3A_783 : vector<16xi32>
    %select_n3A_785 = arith.select %lt3A_781, %add3A_784, %select_n3A_71 : vector<16xi1>, vector<16xi32>
    %broadcast_in_dim3A_786 = vector.shape_cast %select_n3A_785 : vector<16xi32> to vector<16x1xi32>
    %gather3A_787 = vector.shape_cast %broadcast_in_dim3A_786 : vector<16x1xi32> to vector<16xi32>
    %gather3A_788 = tpu.dynamic_gather %select_n3A_768[%gather3A_787] in [0] : vector<16xi32>, vector<16xi32> -> vector<16xi32>
    %gt3A_789 = arith.cmpf ogt, %gather3A_778, %select_n3A_767 : vector<16xf32>
    %eq3A_790 = arith.cmpf oeq, %gather3A_778, %select_n3A_767 : vector<16xf32>
    %lt3A_791 = arith.cmpi slt, %gather3A_788, %select_n3A_768 : vector<16xi32>
    %and3A_792 = arith.andi %eq3A_790, %lt3A_791 : vector<16xi1>
    %or3A_793 = arith.ori %gt3A_789, %and3A_792 : vector<16xi1>
    %select_n3A_794 = arith.select %or3A_793, %gather3A_778, %select_n3A_767 : vector<16xi1>, vector<16xf32>
    %select_n3A_795 = arith.select %or3A_793, %gather3A_788, %select_n3A_768 : vector<16xi1>, vector<16xi32>
    %lt3A_796 = arith.constant 0 : i32
    %lt3A_797 = vector.broadcast %lt3A_796 : i32 to vector<16xi32>
    %lt3A_798 = arith.cmpi slt, %select_n3A_96, %lt3A_797 : vector<16xi32>
    %add3A_799 = arith.constant 16 : i32
    %add3A_800 = vector.broadcast %add3A_799 : i32 to vector<16xi32>
    %add3A_801 = arith.addi %select_n3A_96, %add3A_800 : vector<16xi32>
    %select_n3A_802 = arith.select %lt3A_798, %add3A_801, %select_n3A_96 : vector<16xi1>, vector<16xi32>
    %broadcast_in_dim3A_803 = vector.shape_cast %select_n3A_802 : vector<16xi32> to vector<16x1xi32>
    %gather3A_804 = vector.shape_cast %broadcast_in_dim3A_803 : vector<16x1xi32> to vector<16xi32>
    %gather3A_805 = tpu.dynamic_gather %select_n3A_794[%gather3A_804] in [0] : vector<16xf32>, vector<16xi32> -> vector<16xf32>
    %lt3A_806 = arith.constant 0 : i32
    %lt3A_807 = vector.broadcast %lt3A_806 : i32 to vector<16xi32>
    %lt3A_808 = arith.cmpi slt, %select_n3A_96, %lt3A_807 : vector<16xi32>
    %add3A_809 = arith.constant 16 : i32
    %add3A_810 = vector.broadcast %add3A_809 : i32 to vector<16xi32>
    %add3A_811 = arith.addi %select_n3A_96, %add3A_810 : vector<16xi32>
    %select_n3A_812 = arith.select %lt3A_808, %add3A_811, %select_n3A_96 : vector<16xi1>, vector<16xi32>
    %broadcast_in_dim3A_813 = vector.shape_cast %select_n3A_812 : vector<16xi32> to vector<16x1xi32>
    %gather3A_814 = vector.shape_cast %broadcast_in_dim3A_813 : vector<16x1xi32> to vector<16xi32>
    %gather3A_815 = tpu.dynamic_gather %select_n3A_795[%gather3A_814] in [0] : vector<16xi32>, vector<16xi32> -> vector<16xi32>
    %gt3A_816 = arith.cmpf ogt, %gather3A_805, %select_n3A_794 : vector<16xf32>
    %eq3A_817 = arith.cmpf oeq, %gather3A_805, %select_n3A_794 : vector<16xf32>
    %lt3A_818 = arith.cmpi slt, %gather3A_815, %select_n3A_795 : vector<16xi32>
    %and3A_819 = arith.andi %eq3A_817, %lt3A_818 : vector<16xi1>
    %or3A_820 = arith.ori %gt3A_816, %and3A_819 : vector<16xi1>
    %select_n3A_821 = arith.select %or3A_820, %gather3A_805, %select_n3A_794 : vector<16xi1>, vector<16xf32>
    %select_n3A_822 = arith.select %or3A_820, %gather3A_815, %select_n3A_795 : vector<16xi1>, vector<16xi32>
    %eq3A_823 = arith.constant 5 : i32
    %eq3A_824 = vector.broadcast %eq3A_823 : i32 to vector<16xi32>
    %eq3A_825 = arith.cmpi eq, %iota3A, %eq3A_824 : vector<16xi32>
    %select_n3A_826 = arith.select %eq3A_825, %select_n3A_822, %select_n3A_704 : vector<16xi1>, vector<16xi32>
    %eq3A_827 = arith.constant 5 : i32
    %eq3A_828 = vector.broadcast %eq3A_827 : i32 to vector<16xi32>
    %eq3A_829 = arith.cmpi eq, %iota3A, %eq3A_828 : vector<16xi32>
    %select_n3A_830 = arith.select %eq3A_829, %select_n3A_821, %select_n3A_708 : vector<16xi1>, vector<16xf32>
    %scan3A_831 = arith.constant 0 : i32
    %scan3A_832 = arith.constant 128 : i32
    %scan3A_833 = arith.addi %scan3A_831, %scan3A_832 : i32
    %scan3A_834 = arith.constant 1 : i32
    %scan3A_835:2 = scf.for %scan3A_2002 = %scan3A_831 to %scan3A_833 step %scan3A_834 iter_args(%scan3A_2003 = %broadcast_in_dim3A_1, %scan3A_2004 = %broadcast_in_dim3A_3) -> (vector<16xf32>, vector<16xi32>)  : i32 {
      %mul3A_2005 = arith.constant 16 : i32
      %mul3A_2006 = arith.muli %scan3A_2002, %mul3A_2005 : i32
      %get3A = arith.index_cast %mul3A_2006 : i32 to index
      %get3A_2007 = tpu.vector_load %arg5[%get3A] {strides = array<i32>} : memref<2048xf32, #tpu.memory_space<vmem>>, vector<16xf32>,
      %get3A_2008 = vector.shape_cast %get3A_2007 : vector<16xf32> to vector<16xf32>
      %mul3A_2009 = arith.constant 16 : i32
      %mul3A_2010 = arith.muli %scan3A_2002, %mul3A_2009 : i32
      %add3A_2011 = vector.broadcast %mul3A_2010 : i32 to vector<16xi32>
      %add3A_2012 = arith.addi %iota3A, %add3A_2011 : vector<16xi32>
      %lt3A_2013 = arith.cmpf olt, %get3A_2008, %select_n3A_821 : vector<16xf32>
      %eq3A_2014 = arith.cmpf oeq, %get3A_2008, %select_n3A_821 : vector<16xf32>
      %gt3A_2015 = arith.cmpi sgt, %add3A_2012, %select_n3A_822 : vector<16xi32>
      %and3A_2016 = arith.andi %eq3A_2014, %gt3A_2015 : vector<16xi1>
      %or3A_2017 = arith.ori %lt3A_2013, %and3A_2016 : vector<16xi1>
      %gt3A_2018 = arith.cmpf ogt, %get3A_2008, %scan3A_2003 : vector<16xf32>
      %and3A_2019 = arith.andi %or3A_2017, %gt3A_2018 : vector<16xi1>
      %select_n3A_2020 = arith.select %and3A_2019, %get3A_2008, %scan3A_2003 : vector<16xi1>, vector<16xf32>
      %select_n3A_2021 = arith.select %and3A_2019, %add3A_2012, %scan3A_2004 : vector<16xi1>, vector<16xi32>
      scf.yield %select_n3A_2020, %select_n3A_2021 : vector<16xf32>, vector<16xi32>
    }
    %scan3A_836 = arith.constant 128 : i32
    %lt3A_837 = arith.constant 0 : i32
    %lt3A_838 = vector.broadcast %lt3A_837 : i32 to vector<16xi32>
    %lt3A_839 = arith.cmpi slt, %select_n3A_21, %lt3A_838 : vector<16xi32>
    %add3A_840 = arith.constant 16 : i32
    %add3A_841 = vector.broadcast %add3A_840 : i32 to vector<16xi32>
    %add3A_842 = arith.addi %select_n3A_21, %add3A_841 : vector<16xi32>
    %select_n3A_843 = arith.select %lt3A_839, %add3A_842, %select_n3A_21 : vector<16xi1>, vector<16xi32>
    %broadcast_in_dim3A_844 = vector.shape_cast %select_n3A_843 : vector<16xi32> to vector<16x1xi32>
    %gather3A_845 = vector.shape_cast %broadcast_in_dim3A_844 : vector<16x1xi32> to vector<16xi32>
    %gather3A_846 = tpu.dynamic_gather %scan3A_835#0[%gather3A_845] in [0] : vector<16xf32>, vector<16xi32> -> vector<16xf32>
    %lt3A_847 = arith.constant 0 : i32
    %lt3A_848 = vector.broadcast %lt3A_847 : i32 to vector<16xi32>
    %lt3A_849 = arith.cmpi slt, %select_n3A_21, %lt3A_848 : vector<16xi32>
    %add3A_850 = arith.constant 16 : i32
    %add3A_851 = vector.broadcast %add3A_850 : i32 to vector<16xi32>
    %add3A_852 = arith.addi %select_n3A_21, %add3A_851 : vector<16xi32>
    %select_n3A_853 = arith.select %lt3A_849, %add3A_852, %select_n3A_21 : vector<16xi1>, vector<16xi32>
    %broadcast_in_dim3A_854 = vector.shape_cast %select_n3A_853 : vector<16xi32> to vector<16x1xi32>
    %gather3A_855 = vector.shape_cast %broadcast_in_dim3A_854 : vector<16x1xi32> to vector<16xi32>
    %gather3A_856 = tpu.dynamic_gather %scan3A_835#1[%gather3A_855] in [0] : vector<16xi32>, vector<16xi32> -> vector<16xi32>
    %gt3A_857 = arith.cmpf ogt, %gather3A_846, %scan3A_835#0 : vector<16xf32>
    %eq3A_858 = arith.cmpf oeq, %gather3A_846, %scan3A_835#0 : vector<16xf32>
    %lt3A_859 = arith.cmpi slt, %gather3A_856, %scan3A_835#1 : vector<16xi32>
    %and3A_860 = arith.andi %eq3A_858, %lt3A_859 : vector<16xi1>
    %or3A_861 = arith.ori %gt3A_857, %and3A_860 : vector<16xi1>
    %select_n3A_862 = arith.select %or3A_861, %gather3A_846, %scan3A_835#0 : vector<16xi1>, vector<16xf32>
    %select_n3A_863 = arith.select %or3A_861, %gather3A_856, %scan3A_835#1 : vector<16xi1>, vector<16xi32>
    %lt3A_864 = arith.constant 0 : i32
    %lt3A_865 = vector.broadcast %lt3A_864 : i32 to vector<16xi32>
    %lt3A_866 = arith.cmpi slt, %select_n3A_46, %lt3A_865 : vector<16xi32>
    %add3A_867 = arith.constant 16 : i32
    %add3A_868 = vector.broadcast %add3A_867 : i32 to vector<16xi32>
    %add3A_869 = arith.addi %select_n3A_46, %add3A_868 : vector<16xi32>
    %select_n3A_870 = arith.select %lt3A_866, %add3A_869, %select_n3A_46 : vector<16xi1>, vector<16xi32>
    %broadcast_in_dim3A_871 = vector.shape_cast %select_n3A_870 : vector<16xi32> to vector<16x1xi32>
    %gather3A_872 = vector.shape_cast %broadcast_in_dim3A_871 : vector<16x1xi32> to vector<16xi32>
    %gather3A_873 = tpu.dynamic_gather %select_n3A_862[%gather3A_872] in [0] : vector<16xf32>, vector<16xi32> -> vector<16xf32>
    %lt3A_874 = arith.constant 0 : i32
    %lt3A_875 = vector.broadcast %lt3A_874 : i32 to vector<16xi32>
    %lt3A_876 = arith.cmpi slt, %select_n3A_46, %lt3A_875 : vector<16xi32>
    %add3A_877 = arith.constant 16 : i32
    %add3A_878 = vector.broadcast %add3A_877 : i32 to vector<16xi32>
    %add3A_879 = arith.addi %select_n3A_46, %add3A_878 : vector<16xi32>
    %select_n3A_880 = arith.select %lt3A_876, %add3A_879, %select_n3A_46 : vector<16xi1>, vector<16xi32>
    %broadcast_in_dim3A_881 = vector.shape_cast %select_n3A_880 : vector<16xi32> to vector<16x1xi32>
    %gather3A_882 = vector.shape_cast %broadcast_in_dim3A_881 : vector<16x1xi32> to vector<16xi32>
    %gather3A_883 = tpu.dynamic_gather %select_n3A_863[%gather3A_882] in [0] : vector<16xi32>, vector<16xi32> -> vector<16xi32>
    %gt3A_884 = arith.cmpf ogt, %gather3A_873, %select_n3A_862 : vector<16xf32>
    %eq3A_885 = arith.cmpf oeq, %gather3A_873, %select_n3A_862 : vector<16xf32>
    %lt3A_886 = arith.cmpi slt, %gather3A_883, %select_n3A_863 : vector<16xi32>
    %and3A_887 = arith.andi %eq3A_885, %lt3A_886 : vector<16xi1>
    %or3A_888 = arith.ori %gt3A_884, %and3A_887 : vector<16xi1>
    %select_n3A_889 = arith.select %or3A_888, %gather3A_873, %select_n3A_862 : vector<16xi1>, vector<16xf32>
    %select_n3A_890 = arith.select %or3A_888, %gather3A_883, %select_n3A_863 : vector<16xi1>, vector<16xi32>
    %lt3A_891 = arith.constant 0 : i32
    %lt3A_892 = vector.broadcast %lt3A_891 : i32 to vector<16xi32>
    %lt3A_893 = arith.cmpi slt, %select_n3A_71, %lt3A_892 : vector<16xi32>
    %add3A_894 = arith.constant 16 : i32
    %add3A_895 = vector.broadcast %add3A_894 : i32 to vector<16xi32>
    %add3A_896 = arith.addi %select_n3A_71, %add3A_895 : vector<16xi32>
    %select_n3A_897 = arith.select %lt3A_893, %add3A_896, %select_n3A_71 : vector<16xi1>, vector<16xi32>
    %broadcast_in_dim3A_898 = vector.shape_cast %select_n3A_897 : vector<16xi32> to vector<16x1xi32>
    %gather3A_899 = vector.shape_cast %broadcast_in_dim3A_898 : vector<16x1xi32> to vector<16xi32>
    %gather3A_900 = tpu.dynamic_gather %select_n3A_889[%gather3A_899] in [0] : vector<16xf32>, vector<16xi32> -> vector<16xf32>
    %lt3A_901 = arith.constant 0 : i32
    %lt3A_902 = vector.broadcast %lt3A_901 : i32 to vector<16xi32>
    %lt3A_903 = arith.cmpi slt, %select_n3A_71, %lt3A_902 : vector<16xi32>
    %add3A_904 = arith.constant 16 : i32
    %add3A_905 = vector.broadcast %add3A_904 : i32 to vector<16xi32>
    %add3A_906 = arith.addi %select_n3A_71, %add3A_905 : vector<16xi32>
    %select_n3A_907 = arith.select %lt3A_903, %add3A_906, %select_n3A_71 : vector<16xi1>, vector<16xi32>
    %broadcast_in_dim3A_908 = vector.shape_cast %select_n3A_907 : vector<16xi32> to vector<16x1xi32>
    %gather3A_909 = vector.shape_cast %broadcast_in_dim3A_908 : vector<16x1xi32> to vector<16xi32>
    %gather3A_910 = tpu.dynamic_gather %select_n3A_890[%gather3A_909] in [0] : vector<16xi32>, vector<16xi32> -> vector<16xi32>
    %gt3A_911 = arith.cmpf ogt, %gather3A_900, %select_n3A_889 : vector<16xf32>
    %eq3A_912 = arith.cmpf oeq, %gather3A_900, %select_n3A_889 : vector<16xf32>
    %lt3A_913 = arith.cmpi slt, %gather3A_910, %select_n3A_890 : vector<16xi32>
    %and3A_914 = arith.andi %eq3A_912, %lt3A_913 : vector<16xi1>
    %or3A_915 = arith.ori %gt3A_911, %and3A_914 : vector<16xi1>
    %select_n3A_916 = arith.select %or3A_915, %gather3A_900, %select_n3A_889 : vector<16xi1>, vector<16xf32>
    %select_n3A_917 = arith.select %or3A_915, %gather3A_910, %select_n3A_890 : vector<16xi1>, vector<16xi32>
    %lt3A_918 = arith.constant 0 : i32
    %lt3A_919 = vector.broadcast %lt3A_918 : i32 to vector<16xi32>
    %lt3A_920 = arith.cmpi slt, %select_n3A_96, %lt3A_919 : vector<16xi32>
    %add3A_921 = arith.constant 16 : i32
    %add3A_922 = vector.broadcast %add3A_921 : i32 to vector<16xi32>
    %add3A_923 = arith.addi %select_n3A_96, %add3A_922 : vector<16xi32>
    %select_n3A_924 = arith.select %lt3A_920, %add3A_923, %select_n3A_96 : vector<16xi1>, vector<16xi32>
    %broadcast_in_dim3A_925 = vector.shape_cast %select_n3A_924 : vector<16xi32> to vector<16x1xi32>
    %gather3A_926 = vector.shape_cast %broadcast_in_dim3A_925 : vector<16x1xi32> to vector<16xi32>
    %gather3A_927 = tpu.dynamic_gather %select_n3A_916[%gather3A_926] in [0] : vector<16xf32>, vector<16xi32> -> vector<16xf32>
    %lt3A_928 = arith.constant 0 : i32
    %lt3A_929 = vector.broadcast %lt3A_928 : i32 to vector<16xi32>
    %lt3A_930 = arith.cmpi slt, %select_n3A_96, %lt3A_929 : vector<16xi32>
    %add3A_931 = arith.constant 16 : i32
    %add3A_932 = vector.broadcast %add3A_931 : i32 to vector<16xi32>
    %add3A_933 = arith.addi %select_n3A_96, %add3A_932 : vector<16xi32>
    %select_n3A_934 = arith.select %lt3A_930, %add3A_933, %select_n3A_96 : vector<16xi1>, vector<16xi32>
    %broadcast_in_dim3A_935 = vector.shape_cast %select_n3A_934 : vector<16xi32> to vector<16x1xi32>
    %gather3A_936 = vector.shape_cast %broadcast_in_dim3A_935 : vector<16x1xi32> to vector<16xi32>
    %gather3A_937 = tpu.dynamic_gather %select_n3A_917[%gather3A_936] in [0] : vector<16xi32>, vector<16xi32> -> vector<16xi32>
    %gt3A_938 = arith.cmpf ogt, %gather3A_927, %select_n3A_916 : vector<16xf32>
    %eq3A_939 = arith.cmpf oeq, %gather3A_927, %select_n3A_916 : vector<16xf32>
    %lt3A_940 = arith.cmpi slt, %gather3A_937, %select_n3A_917 : vector<16xi32>
    %and3A_941 = arith.andi %eq3A_939, %lt3A_940 : vector<16xi1>
    %or3A_942 = arith.ori %gt3A_938, %and3A_941 : vector<16xi1>
    %select_n3A_943 = arith.select %or3A_942, %gather3A_927, %select_n3A_916 : vector<16xi1>, vector<16xf32>
    %select_n3A_944 = arith.select %or3A_942, %gather3A_937, %select_n3A_917 : vector<16xi1>, vector<16xi32>
    %eq3A_945 = arith.constant 6 : i32
    %eq3A_946 = vector.broadcast %eq3A_945 : i32 to vector<16xi32>
    %eq3A_947 = arith.cmpi eq, %iota3A, %eq3A_946 : vector<16xi32>
    %select_n3A_948 = arith.select %eq3A_947, %select_n3A_944, %select_n3A_826 : vector<16xi1>, vector<16xi32>
    %eq3A_949 = arith.constant 6 : i32
    %eq3A_950 = vector.broadcast %eq3A_949 : i32 to vector<16xi32>
    %eq3A_951 = arith.cmpi eq, %iota3A, %eq3A_950 : vector<16xi32>
    %select_n3A_952 = arith.select %eq3A_951, %select_n3A_943, %select_n3A_830 : vector<16xi1>, vector<16xf32>
    %scan3A_953 = arith.constant 0 : i32
    %scan3A_954 = arith.constant 128 : i32
    %scan3A_955 = arith.addi %scan3A_953, %scan3A_954 : i32
    %scan3A_956 = arith.constant 1 : i32
    %scan3A_957:2 = scf.for %scan3A_2002 = %scan3A_953 to %scan3A_955 step %scan3A_956 iter_args(%scan3A_2003 = %broadcast_in_dim3A_1, %scan3A_2004 = %broadcast_in_dim3A_3) -> (vector<16xf32>, vector<16xi32>)  : i32 {
      %mul3A_2005 = arith.constant 16 : i32
      %mul3A_2006 = arith.muli %scan3A_2002, %mul3A_2005 : i32
      %get3A = arith.index_cast %mul3A_2006 : i32 to index
      %get3A_2007 = tpu.vector_load %arg5[%get3A] {strides = array<i32>} : memref<2048xf32, #tpu.memory_space<vmem>>, vector<16xf32>,
      %get3A_2008 = vector.shape_cast %get3A_2007 : vector<16xf32> to vector<16xf32>
      %mul3A_2009 = arith.constant 16 : i32
      %mul3A_2010 = arith.muli %scan3A_2002, %mul3A_2009 : i32
      %add3A_2011 = vector.broadcast %mul3A_2010 : i32 to vector<16xi32>
      %add3A_2012 = arith.addi %iota3A, %add3A_2011 : vector<16xi32>
      %lt3A_2013 = arith.cmpf olt, %get3A_2008, %select_n3A_943 : vector<16xf32>
      %eq3A_2014 = arith.cmpf oeq, %get3A_2008, %select_n3A_943 : vector<16xf32>
      %gt3A_2015 = arith.cmpi sgt, %add3A_2012, %select_n3A_944 : vector<16xi32>
      %and3A_2016 = arith.andi %eq3A_2014, %gt3A_2015 : vector<16xi1>
      %or3A_2017 = arith.ori %lt3A_2013, %and3A_2016 : vector<16xi1>
      %gt3A_2018 = arith.cmpf ogt, %get3A_2008, %scan3A_2003 : vector<16xf32>
      %and3A_2019 = arith.andi %or3A_2017, %gt3A_2018 : vector<16xi1>
      %select_n3A_2020 = arith.select %and3A_2019, %get3A_2008, %scan3A_2003 : vector<16xi1>, vector<16xf32>
      %select_n3A_2021 = arith.select %and3A_2019, %add3A_2012, %scan3A_2004 : vector<16xi1>, vector<16xi32>
      scf.yield %select_n3A_2020, %select_n3A_2021 : vector<16xf32>, vector<16xi32>
    }
    %scan3A_958 = arith.constant 128 : i32
    %lt3A_959 = arith.constant 0 : i32
    %lt3A_960 = vector.broadcast %lt3A_959 : i32 to vector<16xi32>
    %lt3A_961 = arith.cmpi slt, %select_n3A_21, %lt3A_960 : vector<16xi32>
    %add3A_962 = arith.constant 16 : i32
    %add3A_963 = vector.broadcast %add3A_962 : i32 to vector<16xi32>
    %add3A_964 = arith.addi %select_n3A_21, %add3A_963 : vector<16xi32>
    %select_n3A_965 = arith.select %lt3A_961, %add3A_964, %select_n3A_21 : vector<16xi1>, vector<16xi32>
    %broadcast_in_dim3A_966 = vector.shape_cast %select_n3A_965 : vector<16xi32> to vector<16x1xi32>
    %gather3A_967 = vector.shape_cast %broadcast_in_dim3A_966 : vector<16x1xi32> to vector<16xi32>
    %gather3A_968 = tpu.dynamic_gather %scan3A_957#0[%gather3A_967] in [0] : vector<16xf32>, vector<16xi32> -> vector<16xf32>
    %lt3A_969 = arith.constant 0 : i32
    %lt3A_970 = vector.broadcast %lt3A_969 : i32 to vector<16xi32>
    %lt3A_971 = arith.cmpi slt, %select_n3A_21, %lt3A_970 : vector<16xi32>
    %add3A_972 = arith.constant 16 : i32
    %add3A_973 = vector.broadcast %add3A_972 : i32 to vector<16xi32>
    %add3A_974 = arith.addi %select_n3A_21, %add3A_973 : vector<16xi32>
    %select_n3A_975 = arith.select %lt3A_971, %add3A_974, %select_n3A_21 : vector<16xi1>, vector<16xi32>
    %broadcast_in_dim3A_976 = vector.shape_cast %select_n3A_975 : vector<16xi32> to vector<16x1xi32>
    %gather3A_977 = vector.shape_cast %broadcast_in_dim3A_976 : vector<16x1xi32> to vector<16xi32>
    %gather3A_978 = tpu.dynamic_gather %scan3A_957#1[%gather3A_977] in [0] : vector<16xi32>, vector<16xi32> -> vector<16xi32>
    %gt3A_979 = arith.cmpf ogt, %gather3A_968, %scan3A_957#0 : vector<16xf32>
    %eq3A_980 = arith.cmpf oeq, %gather3A_968, %scan3A_957#0 : vector<16xf32>
    %lt3A_981 = arith.cmpi slt, %gather3A_978, %scan3A_957#1 : vector<16xi32>
    %and3A_982 = arith.andi %eq3A_980, %lt3A_981 : vector<16xi1>
    %or3A_983 = arith.ori %gt3A_979, %and3A_982 : vector<16xi1>
    %select_n3A_984 = arith.select %or3A_983, %gather3A_968, %scan3A_957#0 : vector<16xi1>, vector<16xf32>
    %select_n3A_985 = arith.select %or3A_983, %gather3A_978, %scan3A_957#1 : vector<16xi1>, vector<16xi32>
    %lt3A_986 = arith.constant 0 : i32
    %lt3A_987 = vector.broadcast %lt3A_986 : i32 to vector<16xi32>
    %lt3A_988 = arith.cmpi slt, %select_n3A_46, %lt3A_987 : vector<16xi32>
    %add3A_989 = arith.constant 16 : i32
    %add3A_990 = vector.broadcast %add3A_989 : i32 to vector<16xi32>
    %add3A_991 = arith.addi %select_n3A_46, %add3A_990 : vector<16xi32>
    %select_n3A_992 = arith.select %lt3A_988, %add3A_991, %select_n3A_46 : vector<16xi1>, vector<16xi32>
    %broadcast_in_dim3A_993 = vector.shape_cast %select_n3A_992 : vector<16xi32> to vector<16x1xi32>
    %gather3A_994 = vector.shape_cast %broadcast_in_dim3A_993 : vector<16x1xi32> to vector<16xi32>
    %gather3A_995 = tpu.dynamic_gather %select_n3A_984[%gather3A_994] in [0] : vector<16xf32>, vector<16xi32> -> vector<16xf32>
    %lt3A_996 = arith.constant 0 : i32
    %lt3A_997 = vector.broadcast %lt3A_996 : i32 to vector<16xi32>
    %lt3A_998 = arith.cmpi slt, %select_n3A_46, %lt3A_997 : vector<16xi32>
    %add3A_999 = arith.constant 16 : i32
    %add3A_1000 = vector.broadcast %add3A_999 : i32 to vector<16xi32>
    %add3A_1001 = arith.addi %select_n3A_46, %add3A_1000 : vector<16xi32>
    %select_n3A_1002 = arith.select %lt3A_998, %add3A_1001, %select_n3A_46 : vector<16xi1>, vector<16xi32>
    %broadcast_in_dim3A_1003 = vector.shape_cast %select_n3A_1002 : vector<16xi32> to vector<16x1xi32>
    %gather3A_1004 = vector.shape_cast %broadcast_in_dim3A_1003 : vector<16x1xi32> to vector<16xi32>
    %gather3A_1005 = tpu.dynamic_gather %select_n3A_985[%gather3A_1004] in [0] : vector<16xi32>, vector<16xi32> -> vector<16xi32>
    %gt3A_1006 = arith.cmpf ogt, %gather3A_995, %select_n3A_984 : vector<16xf32>
    %eq3A_1007 = arith.cmpf oeq, %gather3A_995, %select_n3A_984 : vector<16xf32>
    %lt3A_1008 = arith.cmpi slt, %gather3A_1005, %select_n3A_985 : vector<16xi32>
    %and3A_1009 = arith.andi %eq3A_1007, %lt3A_1008 : vector<16xi1>
    %or3A_1010 = arith.ori %gt3A_1006, %and3A_1009 : vector<16xi1>
    %select_n3A_1011 = arith.select %or3A_1010, %gather3A_995, %select_n3A_984 : vector<16xi1>, vector<16xf32>
    %select_n3A_1012 = arith.select %or3A_1010, %gather3A_1005, %select_n3A_985 : vector<16xi1>, vector<16xi32>
    %lt3A_1013 = arith.constant 0 : i32
    %lt3A_1014 = vector.broadcast %lt3A_1013 : i32 to vector<16xi32>
    %lt3A_1015 = arith.cmpi slt, %select_n3A_71, %lt3A_1014 : vector<16xi32>
    %add3A_1016 = arith.constant 16 : i32
    %add3A_1017 = vector.broadcast %add3A_1016 : i32 to vector<16xi32>
    %add3A_1018 = arith.addi %select_n3A_71, %add3A_1017 : vector<16xi32>
    %select_n3A_1019 = arith.select %lt3A_1015, %add3A_1018, %select_n3A_71 : vector<16xi1>, vector<16xi32>
    %broadcast_in_dim3A_1020 = vector.shape_cast %select_n3A_1019 : vector<16xi32> to vector<16x1xi32>
    %gather3A_1021 = vector.shape_cast %broadcast_in_dim3A_1020 : vector<16x1xi32> to vector<16xi32>
    %gather3A_1022 = tpu.dynamic_gather %select_n3A_1011[%gather3A_1021] in [0] : vector<16xf32>, vector<16xi32> -> vector<16xf32>
    %lt3A_1023 = arith.constant 0 : i32
    %lt3A_1024 = vector.broadcast %lt3A_1023 : i32 to vector<16xi32>
    %lt3A_1025 = arith.cmpi slt, %select_n3A_71, %lt3A_1024 : vector<16xi32>
    %add3A_1026 = arith.constant 16 : i32
    %add3A_1027 = vector.broadcast %add3A_1026 : i32 to vector<16xi32>
    %add3A_1028 = arith.addi %select_n3A_71, %add3A_1027 : vector<16xi32>
    %select_n3A_1029 = arith.select %lt3A_1025, %add3A_1028, %select_n3A_71 : vector<16xi1>, vector<16xi32>
    %broadcast_in_dim3A_1030 = vector.shape_cast %select_n3A_1029 : vector<16xi32> to vector<16x1xi32>
    %gather3A_1031 = vector.shape_cast %broadcast_in_dim3A_1030 : vector<16x1xi32> to vector<16xi32>
    %gather3A_1032 = tpu.dynamic_gather %select_n3A_1012[%gather3A_1031] in [0] : vector<16xi32>, vector<16xi32> -> vector<16xi32>
    %gt3A_1033 = arith.cmpf ogt, %gather3A_1022, %select_n3A_1011 : vector<16xf32>
    %eq3A_1034 = arith.cmpf oeq, %gather3A_1022, %select_n3A_1011 : vector<16xf32>
    %lt3A_1035 = arith.cmpi slt, %gather3A_1032, %select_n3A_1012 : vector<16xi32>
    %and3A_1036 = arith.andi %eq3A_1034, %lt3A_1035 : vector<16xi1>
    %or3A_1037 = arith.ori %gt3A_1033, %and3A_1036 : vector<16xi1>
    %select_n3A_1038 = arith.select %or3A_1037, %gather3A_1022, %select_n3A_1011 : vector<16xi1>, vector<16xf32>
    %select_n3A_1039 = arith.select %or3A_1037, %gather3A_1032, %select_n3A_1012 : vector<16xi1>, vector<16xi32>
    %lt3A_1040 = arith.constant 0 : i32
    %lt3A_1041 = vector.broadcast %lt3A_1040 : i32 to vector<16xi32>
    %lt3A_1042 = arith.cmpi slt, %select_n3A_96, %lt3A_1041 : vector<16xi32>
    %add3A_1043 = arith.constant 16 : i32
    %add3A_1044 = vector.broadcast %add3A_1043 : i32 to vector<16xi32>
    %add3A_1045 = arith.addi %select_n3A_96, %add3A_1044 : vector<16xi32>
    %select_n3A_1046 = arith.select %lt3A_1042, %add3A_1045, %select_n3A_96 : vector<16xi1>, vector<16xi32>
    %broadcast_in_dim3A_1047 = vector.shape_cast %select_n3A_1046 : vector<16xi32> to vector<16x1xi32>
    %gather3A_1048 = vector.shape_cast %broadcast_in_dim3A_1047 : vector<16x1xi32> to vector<16xi32>
    %gather3A_1049 = tpu.dynamic_gather %select_n3A_1038[%gather3A_1048] in [0] : vector<16xf32>, vector<16xi32> -> vector<16xf32>
    %lt3A_1050 = arith.constant 0 : i32
    %lt3A_1051 = vector.broadcast %lt3A_1050 : i32 to vector<16xi32>
    %lt3A_1052 = arith.cmpi slt, %select_n3A_96, %lt3A_1051 : vector<16xi32>
    %add3A_1053 = arith.constant 16 : i32
    %add3A_1054 = vector.broadcast %add3A_1053 : i32 to vector<16xi32>
    %add3A_1055 = arith.addi %select_n3A_96, %add3A_1054 : vector<16xi32>
    %select_n3A_1056 = arith.select %lt3A_1052, %add3A_1055, %select_n3A_96 : vector<16xi1>, vector<16xi32>
    %broadcast_in_dim3A_1057 = vector.shape_cast %select_n3A_1056 : vector<16xi32> to vector<16x1xi32>
    %gather3A_1058 = vector.shape_cast %broadcast_in_dim3A_1057 : vector<16x1xi32> to vector<16xi32>
    %gather3A_1059 = tpu.dynamic_gather %select_n3A_1039[%gather3A_1058] in [0] : vector<16xi32>, vector<16xi32> -> vector<16xi32>
    %gt3A_1060 = arith.cmpf ogt, %gather3A_1049, %select_n3A_1038 : vector<16xf32>
    %eq3A_1061 = arith.cmpf oeq, %gather3A_1049, %select_n3A_1038 : vector<16xf32>
    %lt3A_1062 = arith.cmpi slt, %gather3A_1059, %select_n3A_1039 : vector<16xi32>
    %and3A_1063 = arith.andi %eq3A_1061, %lt3A_1062 : vector<16xi1>
    %or3A_1064 = arith.ori %gt3A_1060, %and3A_1063 : vector<16xi1>
    %select_n3A_1065 = arith.select %or3A_1064, %gather3A_1049, %select_n3A_1038 : vector<16xi1>, vector<16xf32>
    %select_n3A_1066 = arith.select %or3A_1064, %gather3A_1059, %select_n3A_1039 : vector<16xi1>, vector<16xi32>
    %eq3A_1067 = arith.constant 7 : i32
    %eq3A_1068 = vector.broadcast %eq3A_1067 : i32 to vector<16xi32>
    %eq3A_1069 = arith.cmpi eq, %iota3A, %eq3A_1068 : vector<16xi32>
    %select_n3A_1070 = arith.select %eq3A_1069, %select_n3A_1066, %select_n3A_948 : vector<16xi1>, vector<16xi32>
    %eq3A_1071 = arith.constant 7 : i32
    %eq3A_1072 = vector.broadcast %eq3A_1071 : i32 to vector<16xi32>
    %eq3A_1073 = arith.cmpi eq, %iota3A, %eq3A_1072 : vector<16xi32>
    %select_n3A_1074 = arith.select %eq3A_1073, %select_n3A_1065, %select_n3A_952 : vector<16xi1>, vector<16xf32>
    %scan3A_1075 = arith.constant 0 : i32
    %scan3A_1076 = arith.constant 128 : i32
    %scan3A_1077 = arith.addi %scan3A_1075, %scan3A_1076 : i32
    %scan3A_1078 = arith.constant 1 : i32
    %scan3A_1079:2 = scf.for %scan3A_2002 = %scan3A_1075 to %scan3A_1077 step %scan3A_1078 iter_args(%scan3A_2003 = %broadcast_in_dim3A_1, %scan3A_2004 = %broadcast_in_dim3A_3) -> (vector<16xf32>, vector<16xi32>)  : i32 {
      %mul3A_2005 = arith.constant 16 : i32
      %mul3A_2006 = arith.muli %scan3A_2002, %mul3A_2005 : i32
      %get3A = arith.index_cast %mul3A_2006 : i32 to index
      %get3A_2007 = tpu.vector_load %arg5[%get3A] {strides = array<i32>} : memref<2048xf32, #tpu.memory_space<vmem>>, vector<16xf32>,
      %get3A_2008 = vector.shape_cast %get3A_2007 : vector<16xf32> to vector<16xf32>
      %mul3A_2009 = arith.constant 16 : i32
      %mul3A_2010 = arith.muli %scan3A_2002, %mul3A_2009 : i32
      %add3A_2011 = vector.broadcast %mul3A_2010 : i32 to vector<16xi32>
      %add3A_2012 = arith.addi %iota3A, %add3A_2011 : vector<16xi32>
      %lt3A_2013 = arith.cmpf olt, %get3A_2008, %select_n3A_1065 : vector<16xf32>
      %eq3A_2014 = arith.cmpf oeq, %get3A_2008, %select_n3A_1065 : vector<16xf32>
      %gt3A_2015 = arith.cmpi sgt, %add3A_2012, %select_n3A_1066 : vector<16xi32>
      %and3A_2016 = arith.andi %eq3A_2014, %gt3A_2015 : vector<16xi1>
      %or3A_2017 = arith.ori %lt3A_2013, %and3A_2016 : vector<16xi1>
      %gt3A_2018 = arith.cmpf ogt, %get3A_2008, %scan3A_2003 : vector<16xf32>
      %and3A_2019 = arith.andi %or3A_2017, %gt3A_2018 : vector<16xi1>
      %select_n3A_2020 = arith.select %and3A_2019, %get3A_2008, %scan3A_2003 : vector<16xi1>, vector<16xf32>
      %select_n3A_2021 = arith.select %and3A_2019, %add3A_2012, %scan3A_2004 : vector<16xi1>, vector<16xi32>
      scf.yield %select_n3A_2020, %select_n3A_2021 : vector<16xf32>, vector<16xi32>
    }
    %scan3A_1080 = arith.constant 128 : i32
    %lt3A_1081 = arith.constant 0 : i32
    %lt3A_1082 = vector.broadcast %lt3A_1081 : i32 to vector<16xi32>
    %lt3A_1083 = arith.cmpi slt, %select_n3A_21, %lt3A_1082 : vector<16xi32>
    %add3A_1084 = arith.constant 16 : i32
    %add3A_1085 = vector.broadcast %add3A_1084 : i32 to vector<16xi32>
    %add3A_1086 = arith.addi %select_n3A_21, %add3A_1085 : vector<16xi32>
    %select_n3A_1087 = arith.select %lt3A_1083, %add3A_1086, %select_n3A_21 : vector<16xi1>, vector<16xi32>
    %broadcast_in_dim3A_1088 = vector.shape_cast %select_n3A_1087 : vector<16xi32> to vector<16x1xi32>
    %gather3A_1089 = vector.shape_cast %broadcast_in_dim3A_1088 : vector<16x1xi32> to vector<16xi32>
    %gather3A_1090 = tpu.dynamic_gather %scan3A_1079#0[%gather3A_1089] in [0] : vector<16xf32>, vector<16xi32> -> vector<16xf32>
    %lt3A_1091 = arith.constant 0 : i32
    %lt3A_1092 = vector.broadcast %lt3A_1091 : i32 to vector<16xi32>
    %lt3A_1093 = arith.cmpi slt, %select_n3A_21, %lt3A_1092 : vector<16xi32>
    %add3A_1094 = arith.constant 16 : i32
    %add3A_1095 = vector.broadcast %add3A_1094 : i32 to vector<16xi32>
    %add3A_1096 = arith.addi %select_n3A_21, %add3A_1095 : vector<16xi32>
    %select_n3A_1097 = arith.select %lt3A_1093, %add3A_1096, %select_n3A_21 : vector<16xi1>, vector<16xi32>
    %broadcast_in_dim3A_1098 = vector.shape_cast %select_n3A_1097 : vector<16xi32> to vector<16x1xi32>
    %gather3A_1099 = vector.shape_cast %broadcast_in_dim3A_1098 : vector<16x1xi32> to vector<16xi32>
    %gather3A_1100 = tpu.dynamic_gather %scan3A_1079#1[%gather3A_1099] in [0] : vector<16xi32>, vector<16xi32> -> vector<16xi32>
    %gt3A_1101 = arith.cmpf ogt, %gather3A_1090, %scan3A_1079#0 : vector<16xf32>
    %eq3A_1102 = arith.cmpf oeq, %gather3A_1090, %scan3A_1079#0 : vector<16xf32>
    %lt3A_1103 = arith.cmpi slt, %gather3A_1100, %scan3A_1079#1 : vector<16xi32>
    %and3A_1104 = arith.andi %eq3A_1102, %lt3A_1103 : vector<16xi1>
    %or3A_1105 = arith.ori %gt3A_1101, %and3A_1104 : vector<16xi1>
    %select_n3A_1106 = arith.select %or3A_1105, %gather3A_1090, %scan3A_1079#0 : vector<16xi1>, vector<16xf32>
    %select_n3A_1107 = arith.select %or3A_1105, %gather3A_1100, %scan3A_1079#1 : vector<16xi1>, vector<16xi32>
    %lt3A_1108 = arith.constant 0 : i32
    %lt3A_1109 = vector.broadcast %lt3A_1108 : i32 to vector<16xi32>
    %lt3A_1110 = arith.cmpi slt, %select_n3A_46, %lt3A_1109 : vector<16xi32>
    %add3A_1111 = arith.constant 16 : i32
    %add3A_1112 = vector.broadcast %add3A_1111 : i32 to vector<16xi32>
    %add3A_1113 = arith.addi %select_n3A_46, %add3A_1112 : vector<16xi32>
    %select_n3A_1114 = arith.select %lt3A_1110, %add3A_1113, %select_n3A_46 : vector<16xi1>, vector<16xi32>
    %broadcast_in_dim3A_1115 = vector.shape_cast %select_n3A_1114 : vector<16xi32> to vector<16x1xi32>
    %gather3A_1116 = vector.shape_cast %broadcast_in_dim3A_1115 : vector<16x1xi32> to vector<16xi32>
    %gather3A_1117 = tpu.dynamic_gather %select_n3A_1106[%gather3A_1116] in [0] : vector<16xf32>, vector<16xi32> -> vector<16xf32>
    %lt3A_1118 = arith.constant 0 : i32
    %lt3A_1119 = vector.broadcast %lt3A_1118 : i32 to vector<16xi32>
    %lt3A_1120 = arith.cmpi slt, %select_n3A_46, %lt3A_1119 : vector<16xi32>
    %add3A_1121 = arith.constant 16 : i32
    %add3A_1122 = vector.broadcast %add3A_1121 : i32 to vector<16xi32>
    %add3A_1123 = arith.addi %select_n3A_46, %add3A_1122 : vector<16xi32>
    %select_n3A_1124 = arith.select %lt3A_1120, %add3A_1123, %select_n3A_46 : vector<16xi1>, vector<16xi32>
    %broadcast_in_dim3A_1125 = vector.shape_cast %select_n3A_1124 : vector<16xi32> to vector<16x1xi32>
    %gather3A_1126 = vector.shape_cast %broadcast_in_dim3A_1125 : vector<16x1xi32> to vector<16xi32>
    %gather3A_1127 = tpu.dynamic_gather %select_n3A_1107[%gather3A_1126] in [0] : vector<16xi32>, vector<16xi32> -> vector<16xi32>
    %gt3A_1128 = arith.cmpf ogt, %gather3A_1117, %select_n3A_1106 : vector<16xf32>
    %eq3A_1129 = arith.cmpf oeq, %gather3A_1117, %select_n3A_1106 : vector<16xf32>
    %lt3A_1130 = arith.cmpi slt, %gather3A_1127, %select_n3A_1107 : vector<16xi32>
    %and3A_1131 = arith.andi %eq3A_1129, %lt3A_1130 : vector<16xi1>
    %or3A_1132 = arith.ori %gt3A_1128, %and3A_1131 : vector<16xi1>
    %select_n3A_1133 = arith.select %or3A_1132, %gather3A_1117, %select_n3A_1106 : vector<16xi1>, vector<16xf32>
    %select_n3A_1134 = arith.select %or3A_1132, %gather3A_1127, %select_n3A_1107 : vector<16xi1>, vector<16xi32>
    %lt3A_1135 = arith.constant 0 : i32
    %lt3A_1136 = vector.broadcast %lt3A_1135 : i32 to vector<16xi32>
    %lt3A_1137 = arith.cmpi slt, %select_n3A_71, %lt3A_1136 : vector<16xi32>
    %add3A_1138 = arith.constant 16 : i32
    %add3A_1139 = vector.broadcast %add3A_1138 : i32 to vector<16xi32>
    %add3A_1140 = arith.addi %select_n3A_71, %add3A_1139 : vector<16xi32>
    %select_n3A_1141 = arith.select %lt3A_1137, %add3A_1140, %select_n3A_71 : vector<16xi1>, vector<16xi32>
    %broadcast_in_dim3A_1142 = vector.shape_cast %select_n3A_1141 : vector<16xi32> to vector<16x1xi32>
    %gather3A_1143 = vector.shape_cast %broadcast_in_dim3A_1142 : vector<16x1xi32> to vector<16xi32>
    %gather3A_1144 = tpu.dynamic_gather %select_n3A_1133[%gather3A_1143] in [0] : vector<16xf32>, vector<16xi32> -> vector<16xf32>
    %lt3A_1145 = arith.constant 0 : i32
    %lt3A_1146 = vector.broadcast %lt3A_1145 : i32 to vector<16xi32>
    %lt3A_1147 = arith.cmpi slt, %select_n3A_71, %lt3A_1146 : vector<16xi32>
    %add3A_1148 = arith.constant 16 : i32
    %add3A_1149 = vector.broadcast %add3A_1148 : i32 to vector<16xi32>
    %add3A_1150 = arith.addi %select_n3A_71, %add3A_1149 : vector<16xi32>
    %select_n3A_1151 = arith.select %lt3A_1147, %add3A_1150, %select_n3A_71 : vector<16xi1>, vector<16xi32>
    %broadcast_in_dim3A_1152 = vector.shape_cast %select_n3A_1151 : vector<16xi32> to vector<16x1xi32>
    %gather3A_1153 = vector.shape_cast %broadcast_in_dim3A_1152 : vector<16x1xi32> to vector<16xi32>
    %gather3A_1154 = tpu.dynamic_gather %select_n3A_1134[%gather3A_1153] in [0] : vector<16xi32>, vector<16xi32> -> vector<16xi32>
    %gt3A_1155 = arith.cmpf ogt, %gather3A_1144, %select_n3A_1133 : vector<16xf32>
    %eq3A_1156 = arith.cmpf oeq, %gather3A_1144, %select_n3A_1133 : vector<16xf32>
    %lt3A_1157 = arith.cmpi slt, %gather3A_1154, %select_n3A_1134 : vector<16xi32>
    %and3A_1158 = arith.andi %eq3A_1156, %lt3A_1157 : vector<16xi1>
    %or3A_1159 = arith.ori %gt3A_1155, %and3A_1158 : vector<16xi1>
    %select_n3A_1160 = arith.select %or3A_1159, %gather3A_1144, %select_n3A_1133 : vector<16xi1>, vector<16xf32>
    %select_n3A_1161 = arith.select %or3A_1159, %gather3A_1154, %select_n3A_1134 : vector<16xi1>, vector<16xi32>
    %lt3A_1162 = arith.constant 0 : i32
    %lt3A_1163 = vector.broadcast %lt3A_1162 : i32 to vector<16xi32>
    %lt3A_1164 = arith.cmpi slt, %select_n3A_96, %lt3A_1163 : vector<16xi32>
    %add3A_1165 = arith.constant 16 : i32
    %add3A_1166 = vector.broadcast %add3A_1165 : i32 to vector<16xi32>
    %add3A_1167 = arith.addi %select_n3A_96, %add3A_1166 : vector<16xi32>
    %select_n3A_1168 = arith.select %lt3A_1164, %add3A_1167, %select_n3A_96 : vector<16xi1>, vector<16xi32>
    %broadcast_in_dim3A_1169 = vector.shape_cast %select_n3A_1168 : vector<16xi32> to vector<16x1xi32>
    %gather3A_1170 = vector.shape_cast %broadcast_in_dim3A_1169 : vector<16x1xi32> to vector<16xi32>
    %gather3A_1171 = tpu.dynamic_gather %select_n3A_1160[%gather3A_1170] in [0] : vector<16xf32>, vector<16xi32> -> vector<16xf32>
    %lt3A_1172 = arith.constant 0 : i32
    %lt3A_1173 = vector.broadcast %lt3A_1172 : i32 to vector<16xi32>
    %lt3A_1174 = arith.cmpi slt, %select_n3A_96, %lt3A_1173 : vector<16xi32>
    %add3A_1175 = arith.constant 16 : i32
    %add3A_1176 = vector.broadcast %add3A_1175 : i32 to vector<16xi32>
    %add3A_1177 = arith.addi %select_n3A_96, %add3A_1176 : vector<16xi32>
    %select_n3A_1178 = arith.select %lt3A_1174, %add3A_1177, %select_n3A_96 : vector<16xi1>, vector<16xi32>
    %broadcast_in_dim3A_1179 = vector.shape_cast %select_n3A_1178 : vector<16xi32> to vector<16x1xi32>
    %gather3A_1180 = vector.shape_cast %broadcast_in_dim3A_1179 : vector<16x1xi32> to vector<16xi32>
    %gather3A_1181 = tpu.dynamic_gather %select_n3A_1161[%gather3A_1180] in [0] : vector<16xi32>, vector<16xi32> -> vector<16xi32>
    %gt3A_1182 = arith.cmpf ogt, %gather3A_1171, %select_n3A_1160 : vector<16xf32>
    %eq3A_1183 = arith.cmpf oeq, %gather3A_1171, %select_n3A_1160 : vector<16xf32>
    %lt3A_1184 = arith.cmpi slt, %gather3A_1181, %select_n3A_1161 : vector<16xi32>
    %and3A_1185 = arith.andi %eq3A_1183, %lt3A_1184 : vector<16xi1>
    %or3A_1186 = arith.ori %gt3A_1182, %and3A_1185 : vector<16xi1>
    %select_n3A_1187 = arith.select %or3A_1186, %gather3A_1171, %select_n3A_1160 : vector<16xi1>, vector<16xf32>
    %select_n3A_1188 = arith.select %or3A_1186, %gather3A_1181, %select_n3A_1161 : vector<16xi1>, vector<16xi32>
    %eq3A_1189 = arith.constant 8 : i32
    %eq3A_1190 = vector.broadcast %eq3A_1189 : i32 to vector<16xi32>
    %eq3A_1191 = arith.cmpi eq, %iota3A, %eq3A_1190 : vector<16xi32>
    %select_n3A_1192 = arith.select %eq3A_1191, %select_n3A_1188, %select_n3A_1070 : vector<16xi1>, vector<16xi32>
    %eq3A_1193 = arith.constant 8 : i32
    %eq3A_1194 = vector.broadcast %eq3A_1193 : i32 to vector<16xi32>
    %eq3A_1195 = arith.cmpi eq, %iota3A, %eq3A_1194 : vector<16xi32>
    %select_n3A_1196 = arith.select %eq3A_1195, %select_n3A_1187, %select_n3A_1074 : vector<16xi1>, vector<16xf32>
    %scan3A_1197 = arith.constant 0 : i32
    %scan3A_1198 = arith.constant 128 : i32
    %scan3A_1199 = arith.addi %scan3A_1197, %scan3A_1198 : i32
    %scan3A_1200 = arith.constant 1 : i32
    %scan3A_1201:2 = scf.for %scan3A_2002 = %scan3A_1197 to %scan3A_1199 step %scan3A_1200 iter_args(%scan3A_2003 = %broadcast_in_dim3A_1, %scan3A_2004 = %broadcast_in_dim3A_3) -> (vector<16xf32>, vector<16xi32>)  : i32 {
      %mul3A_2005 = arith.constant 16 : i32
      %mul3A_2006 = arith.muli %scan3A_2002, %mul3A_2005 : i32
      %get3A = arith.index_cast %mul3A_2006 : i32 to index
      %get3A_2007 = tpu.vector_load %arg5[%get3A] {strides = array<i32>} : memref<2048xf32, #tpu.memory_space<vmem>>, vector<16xf32>,
      %get3A_2008 = vector.shape_cast %get3A_2007 : vector<16xf32> to vector<16xf32>
      %mul3A_2009 = arith.constant 16 : i32
      %mul3A_2010 = arith.muli %scan3A_2002, %mul3A_2009 : i32
      %add3A_2011 = vector.broadcast %mul3A_2010 : i32 to vector<16xi32>
      %add3A_2012 = arith.addi %iota3A, %add3A_2011 : vector<16xi32>
      %lt3A_2013 = arith.cmpf olt, %get3A_2008, %select_n3A_1187 : vector<16xf32>
      %eq3A_2014 = arith.cmpf oeq, %get3A_2008, %select_n3A_1187 : vector<16xf32>
      %gt3A_2015 = arith.cmpi sgt, %add3A_2012, %select_n3A_1188 : vector<16xi32>
      %and3A_2016 = arith.andi %eq3A_2014, %gt3A_2015 : vector<16xi1>
      %or3A_2017 = arith.ori %lt3A_2013, %and3A_2016 : vector<16xi1>
      %gt3A_2018 = arith.cmpf ogt, %get3A_2008, %scan3A_2003 : vector<16xf32>
      %and3A_2019 = arith.andi %or3A_2017, %gt3A_2018 : vector<16xi1>
      %select_n3A_2020 = arith.select %and3A_2019, %get3A_2008, %scan3A_2003 : vector<16xi1>, vector<16xf32>
      %select_n3A_2021 = arith.select %and3A_2019, %add3A_2012, %scan3A_2004 : vector<16xi1>, vector<16xi32>
      scf.yield %select_n3A_2020, %select_n3A_2021 : vector<16xf32>, vector<16xi32>
    }
    %scan3A_1202 = arith.constant 128 : i32
    %lt3A_1203 = arith.constant 0 : i32
    %lt3A_1204 = vector.broadcast %lt3A_1203 : i32 to vector<16xi32>
    %lt3A_1205 = arith.cmpi slt, %select_n3A_21, %lt3A_1204 : vector<16xi32>
    %add3A_1206 = arith.constant 16 : i32
    %add3A_1207 = vector.broadcast %add3A_1206 : i32 to vector<16xi32>
    %add3A_1208 = arith.addi %select_n3A_21, %add3A_1207 : vector<16xi32>
    %select_n3A_1209 = arith.select %lt3A_1205, %add3A_1208, %select_n3A_21 : vector<16xi1>, vector<16xi32>
    %broadcast_in_dim3A_1210 = vector.shape_cast %select_n3A_1209 : vector<16xi32> to vector<16x1xi32>
    %gather3A_1211 = vector.shape_cast %broadcast_in_dim3A_1210 : vector<16x1xi32> to vector<16xi32>
    %gather3A_1212 = tpu.dynamic_gather %scan3A_1201#0[%gather3A_1211] in [0] : vector<16xf32>, vector<16xi32> -> vector<16xf32>
    %lt3A_1213 = arith.constant 0 : i32
    %lt3A_1214 = vector.broadcast %lt3A_1213 : i32 to vector<16xi32>
    %lt3A_1215 = arith.cmpi slt, %select_n3A_21, %lt3A_1214 : vector<16xi32>
    %add3A_1216 = arith.constant 16 : i32
    %add3A_1217 = vector.broadcast %add3A_1216 : i32 to vector<16xi32>
    %add3A_1218 = arith.addi %select_n3A_21, %add3A_1217 : vector<16xi32>
    %select_n3A_1219 = arith.select %lt3A_1215, %add3A_1218, %select_n3A_21 : vector<16xi1>, vector<16xi32>
    %broadcast_in_dim3A_1220 = vector.shape_cast %select_n3A_1219 : vector<16xi32> to vector<16x1xi32>
    %gather3A_1221 = vector.shape_cast %broadcast_in_dim3A_1220 : vector<16x1xi32> to vector<16xi32>
    %gather3A_1222 = tpu.dynamic_gather %scan3A_1201#1[%gather3A_1221] in [0] : vector<16xi32>, vector<16xi32> -> vector<16xi32>
    %gt3A_1223 = arith.cmpf ogt, %gather3A_1212, %scan3A_1201#0 : vector<16xf32>
    %eq3A_1224 = arith.cmpf oeq, %gather3A_1212, %scan3A_1201#0 : vector<16xf32>
    %lt3A_1225 = arith.cmpi slt, %gather3A_1222, %scan3A_1201#1 : vector<16xi32>
    %and3A_1226 = arith.andi %eq3A_1224, %lt3A_1225 : vector<16xi1>
    %or3A_1227 = arith.ori %gt3A_1223, %and3A_1226 : vector<16xi1>
    %select_n3A_1228 = arith.select %or3A_1227, %gather3A_1212, %scan3A_1201#0 : vector<16xi1>, vector<16xf32>
    %select_n3A_1229 = arith.select %or3A_1227, %gather3A_1222, %scan3A_1201#1 : vector<16xi1>, vector<16xi32>
    %lt3A_1230 = arith.constant 0 : i32
    %lt3A_1231 = vector.broadcast %lt3A_1230 : i32 to vector<16xi32>
    %lt3A_1232 = arith.cmpi slt, %select_n3A_46, %lt3A_1231 : vector<16xi32>
    %add3A_1233 = arith.constant 16 : i32
    %add3A_1234 = vector.broadcast %add3A_1233 : i32 to vector<16xi32>
    %add3A_1235 = arith.addi %select_n3A_46, %add3A_1234 : vector<16xi32>
    %select_n3A_1236 = arith.select %lt3A_1232, %add3A_1235, %select_n3A_46 : vector<16xi1>, vector<16xi32>
    %broadcast_in_dim3A_1237 = vector.shape_cast %select_n3A_1236 : vector<16xi32> to vector<16x1xi32>
    %gather3A_1238 = vector.shape_cast %broadcast_in_dim3A_1237 : vector<16x1xi32> to vector<16xi32>
    %gather3A_1239 = tpu.dynamic_gather %select_n3A_1228[%gather3A_1238] in [0] : vector<16xf32>, vector<16xi32> -> vector<16xf32>
    %lt3A_1240 = arith.constant 0 : i32
    %lt3A_1241 = vector.broadcast %lt3A_1240 : i32 to vector<16xi32>
    %lt3A_1242 = arith.cmpi slt, %select_n3A_46, %lt3A_1241 : vector<16xi32>
    %add3A_1243 = arith.constant 16 : i32
    %add3A_1244 = vector.broadcast %add3A_1243 : i32 to vector<16xi32>
    %add3A_1245 = arith.addi %select_n3A_46, %add3A_1244 : vector<16xi32>
    %select_n3A_1246 = arith.select %lt3A_1242, %add3A_1245, %select_n3A_46 : vector<16xi1>, vector<16xi32>
    %broadcast_in_dim3A_1247 = vector.shape_cast %select_n3A_1246 : vector<16xi32> to vector<16x1xi32>
    %gather3A_1248 = vector.shape_cast %broadcast_in_dim3A_1247 : vector<16x1xi32> to vector<16xi32>
    %gather3A_1249 = tpu.dynamic_gather %select_n3A_1229[%gather3A_1248] in [0] : vector<16xi32>, vector<16xi32> -> vector<16xi32>
    %gt3A_1250 = arith.cmpf ogt, %gather3A_1239, %select_n3A_1228 : vector<16xf32>
    %eq3A_1251 = arith.cmpf oeq, %gather3A_1239, %select_n3A_1228 : vector<16xf32>
    %lt3A_1252 = arith.cmpi slt, %gather3A_1249, %select_n3A_1229 : vector<16xi32>
    %and3A_1253 = arith.andi %eq3A_1251, %lt3A_1252 : vector<16xi1>
    %or3A_1254 = arith.ori %gt3A_1250, %and3A_1253 : vector<16xi1>
    %select_n3A_1255 = arith.select %or3A_1254, %gather3A_1239, %select_n3A_1228 : vector<16xi1>, vector<16xf32>
    %select_n3A_1256 = arith.select %or3A_1254, %gather3A_1249, %select_n3A_1229 : vector<16xi1>, vector<16xi32>
    %lt3A_1257 = arith.constant 0 : i32
    %lt3A_1258 = vector.broadcast %lt3A_1257 : i32 to vector<16xi32>
    %lt3A_1259 = arith.cmpi slt, %select_n3A_71, %lt3A_1258 : vector<16xi32>
    %add3A_1260 = arith.constant 16 : i32
    %add3A_1261 = vector.broadcast %add3A_1260 : i32 to vector<16xi32>
    %add3A_1262 = arith.addi %select_n3A_71, %add3A_1261 : vector<16xi32>
    %select_n3A_1263 = arith.select %lt3A_1259, %add3A_1262, %select_n3A_71 : vector<16xi1>, vector<16xi32>
    %broadcast_in_dim3A_1264 = vector.shape_cast %select_n3A_1263 : vector<16xi32> to vector<16x1xi32>
    %gather3A_1265 = vector.shape_cast %broadcast_in_dim3A_1264 : vector<16x1xi32> to vector<16xi32>
    %gather3A_1266 = tpu.dynamic_gather %select_n3A_1255[%gather3A_1265] in [0] : vector<16xf32>, vector<16xi32> -> vector<16xf32>
    %lt3A_1267 = arith.constant 0 : i32
    %lt3A_1268 = vector.broadcast %lt3A_1267 : i32 to vector<16xi32>
    %lt3A_1269 = arith.cmpi slt, %select_n3A_71, %lt3A_1268 : vector<16xi32>
    %add3A_1270 = arith.constant 16 : i32
    %add3A_1271 = vector.broadcast %add3A_1270 : i32 to vector<16xi32>
    %add3A_1272 = arith.addi %select_n3A_71, %add3A_1271 : vector<16xi32>
    %select_n3A_1273 = arith.select %lt3A_1269, %add3A_1272, %select_n3A_71 : vector<16xi1>, vector<16xi32>
    %broadcast_in_dim3A_1274 = vector.shape_cast %select_n3A_1273 : vector<16xi32> to vector<16x1xi32>
    %gather3A_1275 = vector.shape_cast %broadcast_in_dim3A_1274 : vector<16x1xi32> to vector<16xi32>
    %gather3A_1276 = tpu.dynamic_gather %select_n3A_1256[%gather3A_1275] in [0] : vector<16xi32>, vector<16xi32> -> vector<16xi32>
    %gt3A_1277 = arith.cmpf ogt, %gather3A_1266, %select_n3A_1255 : vector<16xf32>
    %eq3A_1278 = arith.cmpf oeq, %gather3A_1266, %select_n3A_1255 : vector<16xf32>
    %lt3A_1279 = arith.cmpi slt, %gather3A_1276, %select_n3A_1256 : vector<16xi32>
    %and3A_1280 = arith.andi %eq3A_1278, %lt3A_1279 : vector<16xi1>
    %or3A_1281 = arith.ori %gt3A_1277, %and3A_1280 : vector<16xi1>
    %select_n3A_1282 = arith.select %or3A_1281, %gather3A_1266, %select_n3A_1255 : vector<16xi1>, vector<16xf32>
    %select_n3A_1283 = arith.select %or3A_1281, %gather3A_1276, %select_n3A_1256 : vector<16xi1>, vector<16xi32>
    %lt3A_1284 = arith.constant 0 : i32
    %lt3A_1285 = vector.broadcast %lt3A_1284 : i32 to vector<16xi32>
    %lt3A_1286 = arith.cmpi slt, %select_n3A_96, %lt3A_1285 : vector<16xi32>
    %add3A_1287 = arith.constant 16 : i32
    %add3A_1288 = vector.broadcast %add3A_1287 : i32 to vector<16xi32>
    %add3A_1289 = arith.addi %select_n3A_96, %add3A_1288 : vector<16xi32>
    %select_n3A_1290 = arith.select %lt3A_1286, %add3A_1289, %select_n3A_96 : vector<16xi1>, vector<16xi32>
    %broadcast_in_dim3A_1291 = vector.shape_cast %select_n3A_1290 : vector<16xi32> to vector<16x1xi32>
    %gather3A_1292 = vector.shape_cast %broadcast_in_dim3A_1291 : vector<16x1xi32> to vector<16xi32>
    %gather3A_1293 = tpu.dynamic_gather %select_n3A_1282[%gather3A_1292] in [0] : vector<16xf32>, vector<16xi32> -> vector<16xf32>
    %lt3A_1294 = arith.constant 0 : i32
    %lt3A_1295 = vector.broadcast %lt3A_1294 : i32 to vector<16xi32>
    %lt3A_1296 = arith.cmpi slt, %select_n3A_96, %lt3A_1295 : vector<16xi32>
    %add3A_1297 = arith.constant 16 : i32
    %add3A_1298 = vector.broadcast %add3A_1297 : i32 to vector<16xi32>
    %add3A_1299 = arith.addi %select_n3A_96, %add3A_1298 : vector<16xi32>
    %select_n3A_1300 = arith.select %lt3A_1296, %add3A_1299, %select_n3A_96 : vector<16xi1>, vector<16xi32>
    %broadcast_in_dim3A_1301 = vector.shape_cast %select_n3A_1300 : vector<16xi32> to vector<16x1xi32>
    %gather3A_1302 = vector.shape_cast %broadcast_in_dim3A_1301 : vector<16x1xi32> to vector<16xi32>
    %gather3A_1303 = tpu.dynamic_gather %select_n3A_1283[%gather3A_1302] in [0] : vector<16xi32>, vector<16xi32> -> vector<16xi32>
    %gt3A_1304 = arith.cmpf ogt, %gather3A_1293, %select_n3A_1282 : vector<16xf32>
    %eq3A_1305 = arith.cmpf oeq, %gather3A_1293, %select_n3A_1282 : vector<16xf32>
    %lt3A_1306 = arith.cmpi slt, %gather3A_1303, %select_n3A_1283 : vector<16xi32>
    %and3A_1307 = arith.andi %eq3A_1305, %lt3A_1306 : vector<16xi1>
    %or3A_1308 = arith.ori %gt3A_1304, %and3A_1307 : vector<16xi1>
    %select_n3A_1309 = arith.select %or3A_1308, %gather3A_1293, %select_n3A_1282 : vector<16xi1>, vector<16xf32>
    %select_n3A_1310 = arith.select %or3A_1308, %gather3A_1303, %select_n3A_1283 : vector<16xi1>, vector<16xi32>
    %eq3A_1311 = arith.constant 9 : i32
    %eq3A_1312 = vector.broadcast %eq3A_1311 : i32 to vector<16xi32>
    %eq3A_1313 = arith.cmpi eq, %iota3A, %eq3A_1312 : vector<16xi32>
    %select_n3A_1314 = arith.select %eq3A_1313, %select_n3A_1310, %select_n3A_1192 : vector<16xi1>, vector<16xi32>
    %eq3A_1315 = arith.constant 9 : i32
    %eq3A_1316 = vector.broadcast %eq3A_1315 : i32 to vector<16xi32>
    %eq3A_1317 = arith.cmpi eq, %iota3A, %eq3A_1316 : vector<16xi32>
    %select_n3A_1318 = arith.select %eq3A_1317, %select_n3A_1309, %select_n3A_1196 : vector<16xi1>, vector<16xf32>
    %scan3A_1319 = arith.constant 0 : i32
    %scan3A_1320 = arith.constant 128 : i32
    %scan3A_1321 = arith.addi %scan3A_1319, %scan3A_1320 : i32
    %scan3A_1322 = arith.constant 1 : i32
    %scan3A_1323:2 = scf.for %scan3A_2002 = %scan3A_1319 to %scan3A_1321 step %scan3A_1322 iter_args(%scan3A_2003 = %broadcast_in_dim3A_1, %scan3A_2004 = %broadcast_in_dim3A_3) -> (vector<16xf32>, vector<16xi32>)  : i32 {
      %mul3A_2005 = arith.constant 16 : i32
      %mul3A_2006 = arith.muli %scan3A_2002, %mul3A_2005 : i32
      %get3A = arith.index_cast %mul3A_2006 : i32 to index
      %get3A_2007 = tpu.vector_load %arg5[%get3A] {strides = array<i32>} : memref<2048xf32, #tpu.memory_space<vmem>>, vector<16xf32>,
      %get3A_2008 = vector.shape_cast %get3A_2007 : vector<16xf32> to vector<16xf32>
      %mul3A_2009 = arith.constant 16 : i32
      %mul3A_2010 = arith.muli %scan3A_2002, %mul3A_2009 : i32
      %add3A_2011 = vector.broadcast %mul3A_2010 : i32 to vector<16xi32>
      %add3A_2012 = arith.addi %iota3A, %add3A_2011 : vector<16xi32>
      %lt3A_2013 = arith.cmpf olt, %get3A_2008, %select_n3A_1309 : vector<16xf32>
      %eq3A_2014 = arith.cmpf oeq, %get3A_2008, %select_n3A_1309 : vector<16xf32>
      %gt3A_2015 = arith.cmpi sgt, %add3A_2012, %select_n3A_1310 : vector<16xi32>
      %and3A_2016 = arith.andi %eq3A_2014, %gt3A_2015 : vector<16xi1>
      %or3A_2017 = arith.ori %lt3A_2013, %and3A_2016 : vector<16xi1>
      %gt3A_2018 = arith.cmpf ogt, %get3A_2008, %scan3A_2003 : vector<16xf32>
      %and3A_2019 = arith.andi %or3A_2017, %gt3A_2018 : vector<16xi1>
      %select_n3A_2020 = arith.select %and3A_2019, %get3A_2008, %scan3A_2003 : vector<16xi1>, vector<16xf32>
      %select_n3A_2021 = arith.select %and3A_2019, %add3A_2012, %scan3A_2004 : vector<16xi1>, vector<16xi32>
      scf.yield %select_n3A_2020, %select_n3A_2021 : vector<16xf32>, vector<16xi32>
    }
    %scan3A_1324 = arith.constant 128 : i32
    %lt3A_1325 = arith.constant 0 : i32
    %lt3A_1326 = vector.broadcast %lt3A_1325 : i32 to vector<16xi32>
    %lt3A_1327 = arith.cmpi slt, %select_n3A_21, %lt3A_1326 : vector<16xi32>
    %add3A_1328 = arith.constant 16 : i32
    %add3A_1329 = vector.broadcast %add3A_1328 : i32 to vector<16xi32>
    %add3A_1330 = arith.addi %select_n3A_21, %add3A_1329 : vector<16xi32>
    %select_n3A_1331 = arith.select %lt3A_1327, %add3A_1330, %select_n3A_21 : vector<16xi1>, vector<16xi32>
    %broadcast_in_dim3A_1332 = vector.shape_cast %select_n3A_1331 : vector<16xi32> to vector<16x1xi32>
    %gather3A_1333 = vector.shape_cast %broadcast_in_dim3A_1332 : vector<16x1xi32> to vector<16xi32>
    %gather3A_1334 = tpu.dynamic_gather %scan3A_1323#0[%gather3A_1333] in [0] : vector<16xf32>, vector<16xi32> -> vector<16xf32>
    %lt3A_1335 = arith.constant 0 : i32
    %lt3A_1336 = vector.broadcast %lt3A_1335 : i32 to vector<16xi32>
    %lt3A_1337 = arith.cmpi slt, %select_n3A_21, %lt3A_1336 : vector<16xi32>
    %add3A_1338 = arith.constant 16 : i32
    %add3A_1339 = vector.broadcast %add3A_1338 : i32 to vector<16xi32>
    %add3A_1340 = arith.addi %select_n3A_21, %add3A_1339 : vector<16xi32>
    %select_n3A_1341 = arith.select %lt3A_1337, %add3A_1340, %select_n3A_21 : vector<16xi1>, vector<16xi32>
    %broadcast_in_dim3A_1342 = vector.shape_cast %select_n3A_1341 : vector<16xi32> to vector<16x1xi32>
    %gather3A_1343 = vector.shape_cast %broadcast_in_dim3A_1342 : vector<16x1xi32> to vector<16xi32>
    %gather3A_1344 = tpu.dynamic_gather %scan3A_1323#1[%gather3A_1343] in [0] : vector<16xi32>, vector<16xi32> -> vector<16xi32>
    %gt3A_1345 = arith.cmpf ogt, %gather3A_1334, %scan3A_1323#0 : vector<16xf32>
    %eq3A_1346 = arith.cmpf oeq, %gather3A_1334, %scan3A_1323#0 : vector<16xf32>
    %lt3A_1347 = arith.cmpi slt, %gather3A_1344, %scan3A_1323#1 : vector<16xi32>
    %and3A_1348 = arith.andi %eq3A_1346, %lt3A_1347 : vector<16xi1>
    %or3A_1349 = arith.ori %gt3A_1345, %and3A_1348 : vector<16xi1>
    %select_n3A_1350 = arith.select %or3A_1349, %gather3A_1334, %scan3A_1323#0 : vector<16xi1>, vector<16xf32>
    %select_n3A_1351 = arith.select %or3A_1349, %gather3A_1344, %scan3A_1323#1 : vector<16xi1>, vector<16xi32>
    %lt3A_1352 = arith.constant 0 : i32
    %lt3A_1353 = vector.broadcast %lt3A_1352 : i32 to vector<16xi32>
    %lt3A_1354 = arith.cmpi slt, %select_n3A_46, %lt3A_1353 : vector<16xi32>
    %add3A_1355 = arith.constant 16 : i32
    %add3A_1356 = vector.broadcast %add3A_1355 : i32 to vector<16xi32>
    %add3A_1357 = arith.addi %select_n3A_46, %add3A_1356 : vector<16xi32>
    %select_n3A_1358 = arith.select %lt3A_1354, %add3A_1357, %select_n3A_46 : vector<16xi1>, vector<16xi32>
    %broadcast_in_dim3A_1359 = vector.shape_cast %select_n3A_1358 : vector<16xi32> to vector<16x1xi32>
    %gather3A_1360 = vector.shape_cast %broadcast_in_dim3A_1359 : vector<16x1xi32> to vector<16xi32>
    %gather3A_1361 = tpu.dynamic_gather %select_n3A_1350[%gather3A_1360] in [0] : vector<16xf32>, vector<16xi32> -> vector<16xf32>
    %lt3A_1362 = arith.constant 0 : i32
    %lt3A_1363 = vector.broadcast %lt3A_1362 : i32 to vector<16xi32>
    %lt3A_1364 = arith.cmpi slt, %select_n3A_46, %lt3A_1363 : vector<16xi32>
    %add3A_1365 = arith.constant 16 : i32
    %add3A_1366 = vector.broadcast %add3A_1365 : i32 to vector<16xi32>
    %add3A_1367 = arith.addi %select_n3A_46, %add3A_1366 : vector<16xi32>
    %select_n3A_1368 = arith.select %lt3A_1364, %add3A_1367, %select_n3A_46 : vector<16xi1>, vector<16xi32>
    %broadcast_in_dim3A_1369 = vector.shape_cast %select_n3A_1368 : vector<16xi32> to vector<16x1xi32>
    %gather3A_1370 = vector.shape_cast %broadcast_in_dim3A_1369 : vector<16x1xi32> to vector<16xi32>
    %gather3A_1371 = tpu.dynamic_gather %select_n3A_1351[%gather3A_1370] in [0] : vector<16xi32>, vector<16xi32> -> vector<16xi32>
    %gt3A_1372 = arith.cmpf ogt, %gather3A_1361, %select_n3A_1350 : vector<16xf32>
    %eq3A_1373 = arith.cmpf oeq, %gather3A_1361, %select_n3A_1350 : vector<16xf32>
    %lt3A_1374 = arith.cmpi slt, %gather3A_1371, %select_n3A_1351 : vector<16xi32>
    %and3A_1375 = arith.andi %eq3A_1373, %lt3A_1374 : vector<16xi1>
    %or3A_1376 = arith.ori %gt3A_1372, %and3A_1375 : vector<16xi1>
    %select_n3A_1377 = arith.select %or3A_1376, %gather3A_1361, %select_n3A_1350 : vector<16xi1>, vector<16xf32>
    %select_n3A_1378 = arith.select %or3A_1376, %gather3A_1371, %select_n3A_1351 : vector<16xi1>, vector<16xi32>
    %lt3A_1379 = arith.constant 0 : i32
    %lt3A_1380 = vector.broadcast %lt3A_1379 : i32 to vector<16xi32>
    %lt3A_1381 = arith.cmpi slt, %select_n3A_71, %lt3A_1380 : vector<16xi32>
    %add3A_1382 = arith.constant 16 : i32
    %add3A_1383 = vector.broadcast %add3A_1382 : i32 to vector<16xi32>
    %add3A_1384 = arith.addi %select_n3A_71, %add3A_1383 : vector<16xi32>
    %select_n3A_1385 = arith.select %lt3A_1381, %add3A_1384, %select_n3A_71 : vector<16xi1>, vector<16xi32>
    %broadcast_in_dim3A_1386 = vector.shape_cast %select_n3A_1385 : vector<16xi32> to vector<16x1xi32>
    %gather3A_1387 = vector.shape_cast %broadcast_in_dim3A_1386 : vector<16x1xi32> to vector<16xi32>
    %gather3A_1388 = tpu.dynamic_gather %select_n3A_1377[%gather3A_1387] in [0] : vector<16xf32>, vector<16xi32> -> vector<16xf32>
    %lt3A_1389 = arith.constant 0 : i32
    %lt3A_1390 = vector.broadcast %lt3A_1389 : i32 to vector<16xi32>
    %lt3A_1391 = arith.cmpi slt, %select_n3A_71, %lt3A_1390 : vector<16xi32>
    %add3A_1392 = arith.constant 16 : i32
    %add3A_1393 = vector.broadcast %add3A_1392 : i32 to vector<16xi32>
    %add3A_1394 = arith.addi %select_n3A_71, %add3A_1393 : vector<16xi32>
    %select_n3A_1395 = arith.select %lt3A_1391, %add3A_1394, %select_n3A_71 : vector<16xi1>, vector<16xi32>
    %broadcast_in_dim3A_1396 = vector.shape_cast %select_n3A_1395 : vector<16xi32> to vector<16x1xi32>
    %gather3A_1397 = vector.shape_cast %broadcast_in_dim3A_1396 : vector<16x1xi32> to vector<16xi32>
    %gather3A_1398 = tpu.dynamic_gather %select_n3A_1378[%gather3A_1397] in [0] : vector<16xi32>, vector<16xi32> -> vector<16xi32>
    %gt3A_1399 = arith.cmpf ogt, %gather3A_1388, %select_n3A_1377 : vector<16xf32>
    %eq3A_1400 = arith.cmpf oeq, %gather3A_1388, %select_n3A_1377 : vector<16xf32>
    %lt3A_1401 = arith.cmpi slt, %gather3A_1398, %select_n3A_1378 : vector<16xi32>
    %and3A_1402 = arith.andi %eq3A_1400, %lt3A_1401 : vector<16xi1>
    %or3A_1403 = arith.ori %gt3A_1399, %and3A_1402 : vector<16xi1>
    %select_n3A_1404 = arith.select %or3A_1403, %gather3A_1388, %select_n3A_1377 : vector<16xi1>, vector<16xf32>
    %select_n3A_1405 = arith.select %or3A_1403, %gather3A_1398, %select_n3A_1378 : vector<16xi1>, vector<16xi32>
    %lt3A_1406 = arith.constant 0 : i32
    %lt3A_1407 = vector.broadcast %lt3A_1406 : i32 to vector<16xi32>
    %lt3A_1408 = arith.cmpi slt, %select_n3A_96, %lt3A_1407 : vector<16xi32>
    %add3A_1409 = arith.constant 16 : i32
    %add3A_1410 = vector.broadcast %add3A_1409 : i32 to vector<16xi32>
    %add3A_1411 = arith.addi %select_n3A_96, %add3A_1410 : vector<16xi32>
    %select_n3A_1412 = arith.select %lt3A_1408, %add3A_1411, %select_n3A_96 : vector<16xi1>, vector<16xi32>
    %broadcast_in_dim3A_1413 = vector.shape_cast %select_n3A_1412 : vector<16xi32> to vector<16x1xi32>
    %gather3A_1414 = vector.shape_cast %broadcast_in_dim3A_1413 : vector<16x1xi32> to vector<16xi32>
    %gather3A_1415 = tpu.dynamic_gather %select_n3A_1404[%gather3A_1414] in [0] : vector<16xf32>, vector<16xi32> -> vector<16xf32>
    %lt3A_1416 = arith.constant 0 : i32
    %lt3A_1417 = vector.broadcast %lt3A_1416 : i32 to vector<16xi32>
    %lt3A_1418 = arith.cmpi slt, %select_n3A_96, %lt3A_1417 : vector<16xi32>
    %add3A_1419 = arith.constant 16 : i32
    %add3A_1420 = vector.broadcast %add3A_1419 : i32 to vector<16xi32>
    %add3A_1421 = arith.addi %select_n3A_96, %add3A_1420 : vector<16xi32>
    %select_n3A_1422 = arith.select %lt3A_1418, %add3A_1421, %select_n3A_96 : vector<16xi1>, vector<16xi32>
    %broadcast_in_dim3A_1423 = vector.shape_cast %select_n3A_1422 : vector<16xi32> to vector<16x1xi32>
    %gather3A_1424 = vector.shape_cast %broadcast_in_dim3A_1423 : vector<16x1xi32> to vector<16xi32>
    %gather3A_1425 = tpu.dynamic_gather %select_n3A_1405[%gather3A_1424] in [0] : vector<16xi32>, vector<16xi32> -> vector<16xi32>
    %gt3A_1426 = arith.cmpf ogt, %gather3A_1415, %select_n3A_1404 : vector<16xf32>
    %eq3A_1427 = arith.cmpf oeq, %gather3A_1415, %select_n3A_1404 : vector<16xf32>
    %lt3A_1428 = arith.cmpi slt, %gather3A_1425, %select_n3A_1405 : vector<16xi32>
    %and3A_1429 = arith.andi %eq3A_1427, %lt3A_1428 : vector<16xi1>
    %or3A_1430 = arith.ori %gt3A_1426, %and3A_1429 : vector<16xi1>
    %select_n3A_1431 = arith.select %or3A_1430, %gather3A_1415, %select_n3A_1404 : vector<16xi1>, vector<16xf32>
    %select_n3A_1432 = arith.select %or3A_1430, %gather3A_1425, %select_n3A_1405 : vector<16xi1>, vector<16xi32>
    %eq3A_1433 = arith.constant 10 : i32
    %eq3A_1434 = vector.broadcast %eq3A_1433 : i32 to vector<16xi32>
    %eq3A_1435 = arith.cmpi eq, %iota3A, %eq3A_1434 : vector<16xi32>
    %select_n3A_1436 = arith.select %eq3A_1435, %select_n3A_1432, %select_n3A_1314 : vector<16xi1>, vector<16xi32>
    %eq3A_1437 = arith.constant 10 : i32
    %eq3A_1438 = vector.broadcast %eq3A_1437 : i32 to vector<16xi32>
    %eq3A_1439 = arith.cmpi eq, %iota3A, %eq3A_1438 : vector<16xi32>
    %select_n3A_1440 = arith.select %eq3A_1439, %select_n3A_1431, %select_n3A_1318 : vector<16xi1>, vector<16xf32>
    %scan3A_1441 = arith.constant 0 : i32
    %scan3A_1442 = arith.constant 128 : i32
    %scan3A_1443 = arith.addi %scan3A_1441, %scan3A_1442 : i32
    %scan3A_1444 = arith.constant 1 : i32
    %scan3A_1445:2 = scf.for %scan3A_2002 = %scan3A_1441 to %scan3A_1443 step %scan3A_1444 iter_args(%scan3A_2003 = %broadcast_in_dim3A_1, %scan3A_2004 = %broadcast_in_dim3A_3) -> (vector<16xf32>, vector<16xi32>)  : i32 {
      %mul3A_2005 = arith.constant 16 : i32
      %mul3A_2006 = arith.muli %scan3A_2002, %mul3A_2005 : i32
      %get3A = arith.index_cast %mul3A_2006 : i32 to index
      %get3A_2007 = tpu.vector_load %arg5[%get3A] {strides = array<i32>} : memref<2048xf32, #tpu.memory_space<vmem>>, vector<16xf32>,
      %get3A_2008 = vector.shape_cast %get3A_2007 : vector<16xf32> to vector<16xf32>
      %mul3A_2009 = arith.constant 16 : i32
      %mul3A_2010 = arith.muli %scan3A_2002, %mul3A_2009 : i32
      %add3A_2011 = vector.broadcast %mul3A_2010 : i32 to vector<16xi32>
      %add3A_2012 = arith.addi %iota3A, %add3A_2011 : vector<16xi32>
      %lt3A_2013 = arith.cmpf olt, %get3A_2008, %select_n3A_1431 : vector<16xf32>
      %eq3A_2014 = arith.cmpf oeq, %get3A_2008, %select_n3A_1431 : vector<16xf32>
      %gt3A_2015 = arith.cmpi sgt, %add3A_2012, %select_n3A_1432 : vector<16xi32>
      %and3A_2016 = arith.andi %eq3A_2014, %gt3A_2015 : vector<16xi1>
      %or3A_2017 = arith.ori %lt3A_2013, %and3A_2016 : vector<16xi1>
      %gt3A_2018 = arith.cmpf ogt, %get3A_2008, %scan3A_2003 : vector<16xf32>
      %and3A_2019 = arith.andi %or3A_2017, %gt3A_2018 : vector<16xi1>
      %select_n3A_2020 = arith.select %and3A_2019, %get3A_2008, %scan3A_2003 : vector<16xi1>, vector<16xf32>
      %select_n3A_2021 = arith.select %and3A_2019, %add3A_2012, %scan3A_2004 : vector<16xi1>, vector<16xi32>
      scf.yield %select_n3A_2020, %select_n3A_2021 : vector<16xf32>, vector<16xi32>
    }
    %scan3A_1446 = arith.constant 128 : i32
    %lt3A_1447 = arith.constant 0 : i32
    %lt3A_1448 = vector.broadcast %lt3A_1447 : i32 to vector<16xi32>
    %lt3A_1449 = arith.cmpi slt, %select_n3A_21, %lt3A_1448 : vector<16xi32>
    %add3A_1450 = arith.constant 16 : i32
    %add3A_1451 = vector.broadcast %add3A_1450 : i32 to vector<16xi32>
    %add3A_1452 = arith.addi %select_n3A_21, %add3A_1451 : vector<16xi32>
    %select_n3A_1453 = arith.select %lt3A_1449, %add3A_1452, %select_n3A_21 : vector<16xi1>, vector<16xi32>
    %broadcast_in_dim3A_1454 = vector.shape_cast %select_n3A_1453 : vector<16xi32> to vector<16x1xi32>
    %gather3A_1455 = vector.shape_cast %broadcast_in_dim3A_1454 : vector<16x1xi32> to vector<16xi32>
    %gather3A_1456 = tpu.dynamic_gather %scan3A_1445#0[%gather3A_1455] in [0] : vector<16xf32>, vector<16xi32> -> vector<16xf32>
    %lt3A_1457 = arith.constant 0 : i32
    %lt3A_1458 = vector.broadcast %lt3A_1457 : i32 to vector<16xi32>
    %lt3A_1459 = arith.cmpi slt, %select_n3A_21, %lt3A_1458 : vector<16xi32>
    %add3A_1460 = arith.constant 16 : i32
    %add3A_1461 = vector.broadcast %add3A_1460 : i32 to vector<16xi32>
    %add3A_1462 = arith.addi %select_n3A_21, %add3A_1461 : vector<16xi32>
    %select_n3A_1463 = arith.select %lt3A_1459, %add3A_1462, %select_n3A_21 : vector<16xi1>, vector<16xi32>
    %broadcast_in_dim3A_1464 = vector.shape_cast %select_n3A_1463 : vector<16xi32> to vector<16x1xi32>
    %gather3A_1465 = vector.shape_cast %broadcast_in_dim3A_1464 : vector<16x1xi32> to vector<16xi32>
    %gather3A_1466 = tpu.dynamic_gather %scan3A_1445#1[%gather3A_1465] in [0] : vector<16xi32>, vector<16xi32> -> vector<16xi32>
    %gt3A_1467 = arith.cmpf ogt, %gather3A_1456, %scan3A_1445#0 : vector<16xf32>
    %eq3A_1468 = arith.cmpf oeq, %gather3A_1456, %scan3A_1445#0 : vector<16xf32>
    %lt3A_1469 = arith.cmpi slt, %gather3A_1466, %scan3A_1445#1 : vector<16xi32>
    %and3A_1470 = arith.andi %eq3A_1468, %lt3A_1469 : vector<16xi1>
    %or3A_1471 = arith.ori %gt3A_1467, %and3A_1470 : vector<16xi1>
    %select_n3A_1472 = arith.select %or3A_1471, %gather3A_1456, %scan3A_1445#0 : vector<16xi1>, vector<16xf32>
    %select_n3A_1473 = arith.select %or3A_1471, %gather3A_1466, %scan3A_1445#1 : vector<16xi1>, vector<16xi32>
    %lt3A_1474 = arith.constant 0 : i32
    %lt3A_1475 = vector.broadcast %lt3A_1474 : i32 to vector<16xi32>
    %lt3A_1476 = arith.cmpi slt, %select_n3A_46, %lt3A_1475 : vector<16xi32>
    %add3A_1477 = arith.constant 16 : i32
    %add3A_1478 = vector.broadcast %add3A_1477 : i32 to vector<16xi32>
    %add3A_1479 = arith.addi %select_n3A_46, %add3A_1478 : vector<16xi32>
    %select_n3A_1480 = arith.select %lt3A_1476, %add3A_1479, %select_n3A_46 : vector<16xi1>, vector<16xi32>
    %broadcast_in_dim3A_1481 = vector.shape_cast %select_n3A_1480 : vector<16xi32> to vector<16x1xi32>
    %gather3A_1482 = vector.shape_cast %broadcast_in_dim3A_1481 : vector<16x1xi32> to vector<16xi32>
    %gather3A_1483 = tpu.dynamic_gather %select_n3A_1472[%gather3A_1482] in [0] : vector<16xf32>, vector<16xi32> -> vector<16xf32>
    %lt3A_1484 = arith.constant 0 : i32
    %lt3A_1485 = vector.broadcast %lt3A_1484 : i32 to vector<16xi32>
    %lt3A_1486 = arith.cmpi slt, %select_n3A_46, %lt3A_1485 : vector<16xi32>
    %add3A_1487 = arith.constant 16 : i32
    %add3A_1488 = vector.broadcast %add3A_1487 : i32 to vector<16xi32>
    %add3A_1489 = arith.addi %select_n3A_46, %add3A_1488 : vector<16xi32>
    %select_n3A_1490 = arith.select %lt3A_1486, %add3A_1489, %select_n3A_46 : vector<16xi1>, vector<16xi32>
    %broadcast_in_dim3A_1491 = vector.shape_cast %select_n3A_1490 : vector<16xi32> to vector<16x1xi32>
    %gather3A_1492 = vector.shape_cast %broadcast_in_dim3A_1491 : vector<16x1xi32> to vector<16xi32>
    %gather3A_1493 = tpu.dynamic_gather %select_n3A_1473[%gather3A_1492] in [0] : vector<16xi32>, vector<16xi32> -> vector<16xi32>
    %gt3A_1494 = arith.cmpf ogt, %gather3A_1483, %select_n3A_1472 : vector<16xf32>
    %eq3A_1495 = arith.cmpf oeq, %gather3A_1483, %select_n3A_1472 : vector<16xf32>
    %lt3A_1496 = arith.cmpi slt, %gather3A_1493, %select_n3A_1473 : vector<16xi32>
    %and3A_1497 = arith.andi %eq3A_1495, %lt3A_1496 : vector<16xi1>
    %or3A_1498 = arith.ori %gt3A_1494, %and3A_1497 : vector<16xi1>
    %select_n3A_1499 = arith.select %or3A_1498, %gather3A_1483, %select_n3A_1472 : vector<16xi1>, vector<16xf32>
    %select_n3A_1500 = arith.select %or3A_1498, %gather3A_1493, %select_n3A_1473 : vector<16xi1>, vector<16xi32>
    %lt3A_1501 = arith.constant 0 : i32
    %lt3A_1502 = vector.broadcast %lt3A_1501 : i32 to vector<16xi32>
    %lt3A_1503 = arith.cmpi slt, %select_n3A_71, %lt3A_1502 : vector<16xi32>
    %add3A_1504 = arith.constant 16 : i32
    %add3A_1505 = vector.broadcast %add3A_1504 : i32 to vector<16xi32>
    %add3A_1506 = arith.addi %select_n3A_71, %add3A_1505 : vector<16xi32>
    %select_n3A_1507 = arith.select %lt3A_1503, %add3A_1506, %select_n3A_71 : vector<16xi1>, vector<16xi32>
    %broadcast_in_dim3A_1508 = vector.shape_cast %select_n3A_1507 : vector<16xi32> to vector<16x1xi32>
    %gather3A_1509 = vector.shape_cast %broadcast_in_dim3A_1508 : vector<16x1xi32> to vector<16xi32>
    %gather3A_1510 = tpu.dynamic_gather %select_n3A_1499[%gather3A_1509] in [0] : vector<16xf32>, vector<16xi32> -> vector<16xf32>
    %lt3A_1511 = arith.constant 0 : i32
    %lt3A_1512 = vector.broadcast %lt3A_1511 : i32 to vector<16xi32>
    %lt3A_1513 = arith.cmpi slt, %select_n3A_71, %lt3A_1512 : vector<16xi32>
    %add3A_1514 = arith.constant 16 : i32
    %add3A_1515 = vector.broadcast %add3A_1514 : i32 to vector<16xi32>
    %add3A_1516 = arith.addi %select_n3A_71, %add3A_1515 : vector<16xi32>
    %select_n3A_1517 = arith.select %lt3A_1513, %add3A_1516, %select_n3A_71 : vector<16xi1>, vector<16xi32>
    %broadcast_in_dim3A_1518 = vector.shape_cast %select_n3A_1517 : vector<16xi32> to vector<16x1xi32>
    %gather3A_1519 = vector.shape_cast %broadcast_in_dim3A_1518 : vector<16x1xi32> to vector<16xi32>
    %gather3A_1520 = tpu.dynamic_gather %select_n3A_1500[%gather3A_1519] in [0] : vector<16xi32>, vector<16xi32> -> vector<16xi32>
    %gt3A_1521 = arith.cmpf ogt, %gather3A_1510, %select_n3A_1499 : vector<16xf32>
    %eq3A_1522 = arith.cmpf oeq, %gather3A_1510, %select_n3A_1499 : vector<16xf32>
    %lt3A_1523 = arith.cmpi slt, %gather3A_1520, %select_n3A_1500 : vector<16xi32>
    %and3A_1524 = arith.andi %eq3A_1522, %lt3A_1523 : vector<16xi1>
    %or3A_1525 = arith.ori %gt3A_1521, %and3A_1524 : vector<16xi1>
    %select_n3A_1526 = arith.select %or3A_1525, %gather3A_1510, %select_n3A_1499 : vector<16xi1>, vector<16xf32>
    %select_n3A_1527 = arith.select %or3A_1525, %gather3A_1520, %select_n3A_1500 : vector<16xi1>, vector<16xi32>
    %lt3A_1528 = arith.constant 0 : i32
    %lt3A_1529 = vector.broadcast %lt3A_1528 : i32 to vector<16xi32>
    %lt3A_1530 = arith.cmpi slt, %select_n3A_96, %lt3A_1529 : vector<16xi32>
    %add3A_1531 = arith.constant 16 : i32
    %add3A_1532 = vector.broadcast %add3A_1531 : i32 to vector<16xi32>
    %add3A_1533 = arith.addi %select_n3A_96, %add3A_1532 : vector<16xi32>
    %select_n3A_1534 = arith.select %lt3A_1530, %add3A_1533, %select_n3A_96 : vector<16xi1>, vector<16xi32>
    %broadcast_in_dim3A_1535 = vector.shape_cast %select_n3A_1534 : vector<16xi32> to vector<16x1xi32>
    %gather3A_1536 = vector.shape_cast %broadcast_in_dim3A_1535 : vector<16x1xi32> to vector<16xi32>
    %gather3A_1537 = tpu.dynamic_gather %select_n3A_1526[%gather3A_1536] in [0] : vector<16xf32>, vector<16xi32> -> vector<16xf32>
    %lt3A_1538 = arith.constant 0 : i32
    %lt3A_1539 = vector.broadcast %lt3A_1538 : i32 to vector<16xi32>
    %lt3A_1540 = arith.cmpi slt, %select_n3A_96, %lt3A_1539 : vector<16xi32>
    %add3A_1541 = arith.constant 16 : i32
    %add3A_1542 = vector.broadcast %add3A_1541 : i32 to vector<16xi32>
    %add3A_1543 = arith.addi %select_n3A_96, %add3A_1542 : vector<16xi32>
    %select_n3A_1544 = arith.select %lt3A_1540, %add3A_1543, %select_n3A_96 : vector<16xi1>, vector<16xi32>
    %broadcast_in_dim3A_1545 = vector.shape_cast %select_n3A_1544 : vector<16xi32> to vector<16x1xi32>
    %gather3A_1546 = vector.shape_cast %broadcast_in_dim3A_1545 : vector<16x1xi32> to vector<16xi32>
    %gather3A_1547 = tpu.dynamic_gather %select_n3A_1527[%gather3A_1546] in [0] : vector<16xi32>, vector<16xi32> -> vector<16xi32>
    %gt3A_1548 = arith.cmpf ogt, %gather3A_1537, %select_n3A_1526 : vector<16xf32>
    %eq3A_1549 = arith.cmpf oeq, %gather3A_1537, %select_n3A_1526 : vector<16xf32>
    %lt3A_1550 = arith.cmpi slt, %gather3A_1547, %select_n3A_1527 : vector<16xi32>
    %and3A_1551 = arith.andi %eq3A_1549, %lt3A_1550 : vector<16xi1>
    %or3A_1552 = arith.ori %gt3A_1548, %and3A_1551 : vector<16xi1>
    %select_n3A_1553 = arith.select %or3A_1552, %gather3A_1537, %select_n3A_1526 : vector<16xi1>, vector<16xf32>
    %select_n3A_1554 = arith.select %or3A_1552, %gather3A_1547, %select_n3A_1527 : vector<16xi1>, vector<16xi32>
    %eq3A_1555 = arith.constant 11 : i32
    %eq3A_1556 = vector.broadcast %eq3A_1555 : i32 to vector<16xi32>
    %eq3A_1557 = arith.cmpi eq, %iota3A, %eq3A_1556 : vector<16xi32>
    %select_n3A_1558 = arith.select %eq3A_1557, %select_n3A_1554, %select_n3A_1436 : vector<16xi1>, vector<16xi32>
    %eq3A_1559 = arith.constant 11 : i32
    %eq3A_1560 = vector.broadcast %eq3A_1559 : i32 to vector<16xi32>
    %eq3A_1561 = arith.cmpi eq, %iota3A, %eq3A_1560 : vector<16xi32>
    %select_n3A_1562 = arith.select %eq3A_1561, %select_n3A_1553, %select_n3A_1440 : vector<16xi1>, vector<16xf32>
    %scan3A_1563 = arith.constant 0 : i32
    %scan3A_1564 = arith.constant 128 : i32
    %scan3A_1565 = arith.addi %scan3A_1563, %scan3A_1564 : i32
    %scan3A_1566 = arith.constant 1 : i32
    %scan3A_1567:2 = scf.for %scan3A_2002 = %scan3A_1563 to %scan3A_1565 step %scan3A_1566 iter_args(%scan3A_2003 = %broadcast_in_dim3A_1, %scan3A_2004 = %broadcast_in_dim3A_3) -> (vector<16xf32>, vector<16xi32>)  : i32 {
      %mul3A_2005 = arith.constant 16 : i32
      %mul3A_2006 = arith.muli %scan3A_2002, %mul3A_2005 : i32
      %get3A = arith.index_cast %mul3A_2006 : i32 to index
      %get3A_2007 = tpu.vector_load %arg5[%get3A] {strides = array<i32>} : memref<2048xf32, #tpu.memory_space<vmem>>, vector<16xf32>,
      %get3A_2008 = vector.shape_cast %get3A_2007 : vector<16xf32> to vector<16xf32>
      %mul3A_2009 = arith.constant 16 : i32
      %mul3A_2010 = arith.muli %scan3A_2002, %mul3A_2009 : i32
      %add3A_2011 = vector.broadcast %mul3A_2010 : i32 to vector<16xi32>
      %add3A_2012 = arith.addi %iota3A, %add3A_2011 : vector<16xi32>
      %lt3A_2013 = arith.cmpf olt, %get3A_2008, %select_n3A_1553 : vector<16xf32>
      %eq3A_2014 = arith.cmpf oeq, %get3A_2008, %select_n3A_1553 : vector<16xf32>
      %gt3A_2015 = arith.cmpi sgt, %add3A_2012, %select_n3A_1554 : vector<16xi32>
      %and3A_2016 = arith.andi %eq3A_2014, %gt3A_2015 : vector<16xi1>
      %or3A_2017 = arith.ori %lt3A_2013, %and3A_2016 : vector<16xi1>
      %gt3A_2018 = arith.cmpf ogt, %get3A_2008, %scan3A_2003 : vector<16xf32>
      %and3A_2019 = arith.andi %or3A_2017, %gt3A_2018 : vector<16xi1>
      %select_n3A_2020 = arith.select %and3A_2019, %get3A_2008, %scan3A_2003 : vector<16xi1>, vector<16xf32>
      %select_n3A_2021 = arith.select %and3A_2019, %add3A_2012, %scan3A_2004 : vector<16xi1>, vector<16xi32>
      scf.yield %select_n3A_2020, %select_n3A_2021 : vector<16xf32>, vector<16xi32>
    }
    %scan3A_1568 = arith.constant 128 : i32
    %lt3A_1569 = arith.constant 0 : i32
    %lt3A_1570 = vector.broadcast %lt3A_1569 : i32 to vector<16xi32>
    %lt3A_1571 = arith.cmpi slt, %select_n3A_21, %lt3A_1570 : vector<16xi32>
    %add3A_1572 = arith.constant 16 : i32
    %add3A_1573 = vector.broadcast %add3A_1572 : i32 to vector<16xi32>
    %add3A_1574 = arith.addi %select_n3A_21, %add3A_1573 : vector<16xi32>
    %select_n3A_1575 = arith.select %lt3A_1571, %add3A_1574, %select_n3A_21 : vector<16xi1>, vector<16xi32>
    %broadcast_in_dim3A_1576 = vector.shape_cast %select_n3A_1575 : vector<16xi32> to vector<16x1xi32>
    %gather3A_1577 = vector.shape_cast %broadcast_in_dim3A_1576 : vector<16x1xi32> to vector<16xi32>
    %gather3A_1578 = tpu.dynamic_gather %scan3A_1567#0[%gather3A_1577] in [0] : vector<16xf32>, vector<16xi32> -> vector<16xf32>
    %lt3A_1579 = arith.constant 0 : i32
    %lt3A_1580 = vector.broadcast %lt3A_1579 : i32 to vector<16xi32>
    %lt3A_1581 = arith.cmpi slt, %select_n3A_21, %lt3A_1580 : vector<16xi32>
    %add3A_1582 = arith.constant 16 : i32
    %add3A_1583 = vector.broadcast %add3A_1582 : i32 to vector<16xi32>
    %add3A_1584 = arith.addi %select_n3A_21, %add3A_1583 : vector<16xi32>
    %select_n3A_1585 = arith.select %lt3A_1581, %add3A_1584, %select_n3A_21 : vector<16xi1>, vector<16xi32>
    %broadcast_in_dim3A_1586 = vector.shape_cast %select_n3A_1585 : vector<16xi32> to vector<16x1xi32>
    %gather3A_1587 = vector.shape_cast %broadcast_in_dim3A_1586 : vector<16x1xi32> to vector<16xi32>
    %gather3A_1588 = tpu.dynamic_gather %scan3A_1567#1[%gather3A_1587] in [0] : vector<16xi32>, vector<16xi32> -> vector<16xi32>
    %gt3A_1589 = arith.cmpf ogt, %gather3A_1578, %scan3A_1567#0 : vector<16xf32>
    %eq3A_1590 = arith.cmpf oeq, %gather3A_1578, %scan3A_1567#0 : vector<16xf32>
    %lt3A_1591 = arith.cmpi slt, %gather3A_1588, %scan3A_1567#1 : vector<16xi32>
    %and3A_1592 = arith.andi %eq3A_1590, %lt3A_1591 : vector<16xi1>
    %or3A_1593 = arith.ori %gt3A_1589, %and3A_1592 : vector<16xi1>
    %select_n3A_1594 = arith.select %or3A_1593, %gather3A_1578, %scan3A_1567#0 : vector<16xi1>, vector<16xf32>
    %select_n3A_1595 = arith.select %or3A_1593, %gather3A_1588, %scan3A_1567#1 : vector<16xi1>, vector<16xi32>
    %lt3A_1596 = arith.constant 0 : i32
    %lt3A_1597 = vector.broadcast %lt3A_1596 : i32 to vector<16xi32>
    %lt3A_1598 = arith.cmpi slt, %select_n3A_46, %lt3A_1597 : vector<16xi32>
    %add3A_1599 = arith.constant 16 : i32
    %add3A_1600 = vector.broadcast %add3A_1599 : i32 to vector<16xi32>
    %add3A_1601 = arith.addi %select_n3A_46, %add3A_1600 : vector<16xi32>
    %select_n3A_1602 = arith.select %lt3A_1598, %add3A_1601, %select_n3A_46 : vector<16xi1>, vector<16xi32>
    %broadcast_in_dim3A_1603 = vector.shape_cast %select_n3A_1602 : vector<16xi32> to vector<16x1xi32>
    %gather3A_1604 = vector.shape_cast %broadcast_in_dim3A_1603 : vector<16x1xi32> to vector<16xi32>
    %gather3A_1605 = tpu.dynamic_gather %select_n3A_1594[%gather3A_1604] in [0] : vector<16xf32>, vector<16xi32> -> vector<16xf32>
    %lt3A_1606 = arith.constant 0 : i32
    %lt3A_1607 = vector.broadcast %lt3A_1606 : i32 to vector<16xi32>
    %lt3A_1608 = arith.cmpi slt, %select_n3A_46, %lt3A_1607 : vector<16xi32>
    %add3A_1609 = arith.constant 16 : i32
    %add3A_1610 = vector.broadcast %add3A_1609 : i32 to vector<16xi32>
    %add3A_1611 = arith.addi %select_n3A_46, %add3A_1610 : vector<16xi32>
    %select_n3A_1612 = arith.select %lt3A_1608, %add3A_1611, %select_n3A_46 : vector<16xi1>, vector<16xi32>
    %broadcast_in_dim3A_1613 = vector.shape_cast %select_n3A_1612 : vector<16xi32> to vector<16x1xi32>
    %gather3A_1614 = vector.shape_cast %broadcast_in_dim3A_1613 : vector<16x1xi32> to vector<16xi32>
    %gather3A_1615 = tpu.dynamic_gather %select_n3A_1595[%gather3A_1614] in [0] : vector<16xi32>, vector<16xi32> -> vector<16xi32>
    %gt3A_1616 = arith.cmpf ogt, %gather3A_1605, %select_n3A_1594 : vector<16xf32>
    %eq3A_1617 = arith.cmpf oeq, %gather3A_1605, %select_n3A_1594 : vector<16xf32>
    %lt3A_1618 = arith.cmpi slt, %gather3A_1615, %select_n3A_1595 : vector<16xi32>
    %and3A_1619 = arith.andi %eq3A_1617, %lt3A_1618 : vector<16xi1>
    %or3A_1620 = arith.ori %gt3A_1616, %and3A_1619 : vector<16xi1>
    %select_n3A_1621 = arith.select %or3A_1620, %gather3A_1605, %select_n3A_1594 : vector<16xi1>, vector<16xf32>
    %select_n3A_1622 = arith.select %or3A_1620, %gather3A_1615, %select_n3A_1595 : vector<16xi1>, vector<16xi32>
    %lt3A_1623 = arith.constant 0 : i32
    %lt3A_1624 = vector.broadcast %lt3A_1623 : i32 to vector<16xi32>
    %lt3A_1625 = arith.cmpi slt, %select_n3A_71, %lt3A_1624 : vector<16xi32>
    %add3A_1626 = arith.constant 16 : i32
    %add3A_1627 = vector.broadcast %add3A_1626 : i32 to vector<16xi32>
    %add3A_1628 = arith.addi %select_n3A_71, %add3A_1627 : vector<16xi32>
    %select_n3A_1629 = arith.select %lt3A_1625, %add3A_1628, %select_n3A_71 : vector<16xi1>, vector<16xi32>
    %broadcast_in_dim3A_1630 = vector.shape_cast %select_n3A_1629 : vector<16xi32> to vector<16x1xi32>
    %gather3A_1631 = vector.shape_cast %broadcast_in_dim3A_1630 : vector<16x1xi32> to vector<16xi32>
    %gather3A_1632 = tpu.dynamic_gather %select_n3A_1621[%gather3A_1631] in [0] : vector<16xf32>, vector<16xi32> -> vector<16xf32>
    %lt3A_1633 = arith.constant 0 : i32
    %lt3A_1634 = vector.broadcast %lt3A_1633 : i32 to vector<16xi32>
    %lt3A_1635 = arith.cmpi slt, %select_n3A_71, %lt3A_1634 : vector<16xi32>
    %add3A_1636 = arith.constant 16 : i32
    %add3A_1637 = vector.broadcast %add3A_1636 : i32 to vector<16xi32>
    %add3A_1638 = arith.addi %select_n3A_71, %add3A_1637 : vector<16xi32>
    %select_n3A_1639 = arith.select %lt3A_1635, %add3A_1638, %select_n3A_71 : vector<16xi1>, vector<16xi32>
    %broadcast_in_dim3A_1640 = vector.shape_cast %select_n3A_1639 : vector<16xi32> to vector<16x1xi32>
    %gather3A_1641 = vector.shape_cast %broadcast_in_dim3A_1640 : vector<16x1xi32> to vector<16xi32>
    %gather3A_1642 = tpu.dynamic_gather %select_n3A_1622[%gather3A_1641] in [0] : vector<16xi32>, vector<16xi32> -> vector<16xi32>
    %gt3A_1643 = arith.cmpf ogt, %gather3A_1632, %select_n3A_1621 : vector<16xf32>
    %eq3A_1644 = arith.cmpf oeq, %gather3A_1632, %select_n3A_1621 : vector<16xf32>
    %lt3A_1645 = arith.cmpi slt, %gather3A_1642, %select_n3A_1622 : vector<16xi32>
    %and3A_1646 = arith.andi %eq3A_1644, %lt3A_1645 : vector<16xi1>
    %or3A_1647 = arith.ori %gt3A_1643, %and3A_1646 : vector<16xi1>
    %select_n3A_1648 = arith.select %or3A_1647, %gather3A_1632, %select_n3A_1621 : vector<16xi1>, vector<16xf32>
    %select_n3A_1649 = arith.select %or3A_1647, %gather3A_1642, %select_n3A_1622 : vector<16xi1>, vector<16xi32>
    %lt3A_1650 = arith.constant 0 : i32
    %lt3A_1651 = vector.broadcast %lt3A_1650 : i32 to vector<16xi32>
    %lt3A_1652 = arith.cmpi slt, %select_n3A_96, %lt3A_1651 : vector<16xi32>
    %add3A_1653 = arith.constant 16 : i32
    %add3A_1654 = vector.broadcast %add3A_1653 : i32 to vector<16xi32>
    %add3A_1655 = arith.addi %select_n3A_96, %add3A_1654 : vector<16xi32>
    %select_n3A_1656 = arith.select %lt3A_1652, %add3A_1655, %select_n3A_96 : vector<16xi1>, vector<16xi32>
    %broadcast_in_dim3A_1657 = vector.shape_cast %select_n3A_1656 : vector<16xi32> to vector<16x1xi32>
    %gather3A_1658 = vector.shape_cast %broadcast_in_dim3A_1657 : vector<16x1xi32> to vector<16xi32>
    %gather3A_1659 = tpu.dynamic_gather %select_n3A_1648[%gather3A_1658] in [0] : vector<16xf32>, vector<16xi32> -> vector<16xf32>
    %lt3A_1660 = arith.constant 0 : i32
    %lt3A_1661 = vector.broadcast %lt3A_1660 : i32 to vector<16xi32>
    %lt3A_1662 = arith.cmpi slt, %select_n3A_96, %lt3A_1661 : vector<16xi32>
    %add3A_1663 = arith.constant 16 : i32
    %add3A_1664 = vector.broadcast %add3A_1663 : i32 to vector<16xi32>
    %add3A_1665 = arith.addi %select_n3A_96, %add3A_1664 : vector<16xi32>
    %select_n3A_1666 = arith.select %lt3A_1662, %add3A_1665, %select_n3A_96 : vector<16xi1>, vector<16xi32>
    %broadcast_in_dim3A_1667 = vector.shape_cast %select_n3A_1666 : vector<16xi32> to vector<16x1xi32>
    %gather3A_1668 = vector.shape_cast %broadcast_in_dim3A_1667 : vector<16x1xi32> to vector<16xi32>
    %gather3A_1669 = tpu.dynamic_gather %select_n3A_1649[%gather3A_1668] in [0] : vector<16xi32>, vector<16xi32> -> vector<16xi32>
    %gt3A_1670 = arith.cmpf ogt, %gather3A_1659, %select_n3A_1648 : vector<16xf32>
    %eq3A_1671 = arith.cmpf oeq, %gather3A_1659, %select_n3A_1648 : vector<16xf32>
    %lt3A_1672 = arith.cmpi slt, %gather3A_1669, %select_n3A_1649 : vector<16xi32>
    %and3A_1673 = arith.andi %eq3A_1671, %lt3A_1672 : vector<16xi1>
    %or3A_1674 = arith.ori %gt3A_1670, %and3A_1673 : vector<16xi1>
    %select_n3A_1675 = arith.select %or3A_1674, %gather3A_1659, %select_n3A_1648 : vector<16xi1>, vector<16xf32>
    %select_n3A_1676 = arith.select %or3A_1674, %gather3A_1669, %select_n3A_1649 : vector<16xi1>, vector<16xi32>
    %eq3A_1677 = arith.constant 12 : i32
    %eq3A_1678 = vector.broadcast %eq3A_1677 : i32 to vector<16xi32>
    %eq3A_1679 = arith.cmpi eq, %iota3A, %eq3A_1678 : vector<16xi32>
    %select_n3A_1680 = arith.select %eq3A_1679, %select_n3A_1676, %select_n3A_1558 : vector<16xi1>, vector<16xi32>
    %eq3A_1681 = arith.constant 12 : i32
    %eq3A_1682 = vector.broadcast %eq3A_1681 : i32 to vector<16xi32>
    %eq3A_1683 = arith.cmpi eq, %iota3A, %eq3A_1682 : vector<16xi32>
    %select_n3A_1684 = arith.select %eq3A_1683, %select_n3A_1675, %select_n3A_1562 : vector<16xi1>, vector<16xf32>
    %scan3A_1685 = arith.constant 0 : i32
    %scan3A_1686 = arith.constant 128 : i32
    %scan3A_1687 = arith.addi %scan3A_1685, %scan3A_1686 : i32
    %scan3A_1688 = arith.constant 1 : i32
    %scan3A_1689:2 = scf.for %scan3A_2002 = %scan3A_1685 to %scan3A_1687 step %scan3A_1688 iter_args(%scan3A_2003 = %broadcast_in_dim3A_1, %scan3A_2004 = %broadcast_in_dim3A_3) -> (vector<16xf32>, vector<16xi32>)  : i32 {
      %mul3A_2005 = arith.constant 16 : i32
      %mul3A_2006 = arith.muli %scan3A_2002, %mul3A_2005 : i32
      %get3A = arith.index_cast %mul3A_2006 : i32 to index
      %get3A_2007 = tpu.vector_load %arg5[%get3A] {strides = array<i32>} : memref<2048xf32, #tpu.memory_space<vmem>>, vector<16xf32>,
      %get3A_2008 = vector.shape_cast %get3A_2007 : vector<16xf32> to vector<16xf32>
      %mul3A_2009 = arith.constant 16 : i32
      %mul3A_2010 = arith.muli %scan3A_2002, %mul3A_2009 : i32
      %add3A_2011 = vector.broadcast %mul3A_2010 : i32 to vector<16xi32>
      %add3A_2012 = arith.addi %iota3A, %add3A_2011 : vector<16xi32>
      %lt3A_2013 = arith.cmpf olt, %get3A_2008, %select_n3A_1675 : vector<16xf32>
      %eq3A_2014 = arith.cmpf oeq, %get3A_2008, %select_n3A_1675 : vector<16xf32>
      %gt3A_2015 = arith.cmpi sgt, %add3A_2012, %select_n3A_1676 : vector<16xi32>
      %and3A_2016 = arith.andi %eq3A_2014, %gt3A_2015 : vector<16xi1>
      %or3A_2017 = arith.ori %lt3A_2013, %and3A_2016 : vector<16xi1>
      %gt3A_2018 = arith.cmpf ogt, %get3A_2008, %scan3A_2003 : vector<16xf32>
      %and3A_2019 = arith.andi %or3A_2017, %gt3A_2018 : vector<16xi1>
      %select_n3A_2020 = arith.select %and3A_2019, %get3A_2008, %scan3A_2003 : vector<16xi1>, vector<16xf32>
      %select_n3A_2021 = arith.select %and3A_2019, %add3A_2012, %scan3A_2004 : vector<16xi1>, vector<16xi32>
      scf.yield %select_n3A_2020, %select_n3A_2021 : vector<16xf32>, vector<16xi32>
    }
    %scan3A_1690 = arith.constant 128 : i32
    %lt3A_1691 = arith.constant 0 : i32
    %lt3A_1692 = vector.broadcast %lt3A_1691 : i32 to vector<16xi32>
    %lt3A_1693 = arith.cmpi slt, %select_n3A_21, %lt3A_1692 : vector<16xi32>
    %add3A_1694 = arith.constant 16 : i32
    %add3A_1695 = vector.broadcast %add3A_1694 : i32 to vector<16xi32>
    %add3A_1696 = arith.addi %select_n3A_21, %add3A_1695 : vector<16xi32>
    %select_n3A_1697 = arith.select %lt3A_1693, %add3A_1696, %select_n3A_21 : vector<16xi1>, vector<16xi32>
    %broadcast_in_dim3A_1698 = vector.shape_cast %select_n3A_1697 : vector<16xi32> to vector<16x1xi32>
    %gather3A_1699 = vector.shape_cast %broadcast_in_dim3A_1698 : vector<16x1xi32> to vector<16xi32>
    %gather3A_1700 = tpu.dynamic_gather %scan3A_1689#0[%gather3A_1699] in [0] : vector<16xf32>, vector<16xi32> -> vector<16xf32>
    %lt3A_1701 = arith.constant 0 : i32
    %lt3A_1702 = vector.broadcast %lt3A_1701 : i32 to vector<16xi32>
    %lt3A_1703 = arith.cmpi slt, %select_n3A_21, %lt3A_1702 : vector<16xi32>
    %add3A_1704 = arith.constant 16 : i32
    %add3A_1705 = vector.broadcast %add3A_1704 : i32 to vector<16xi32>
    %add3A_1706 = arith.addi %select_n3A_21, %add3A_1705 : vector<16xi32>
    %select_n3A_1707 = arith.select %lt3A_1703, %add3A_1706, %select_n3A_21 : vector<16xi1>, vector<16xi32>
    %broadcast_in_dim3A_1708 = vector.shape_cast %select_n3A_1707 : vector<16xi32> to vector<16x1xi32>
    %gather3A_1709 = vector.shape_cast %broadcast_in_dim3A_1708 : vector<16x1xi32> to vector<16xi32>
    %gather3A_1710 = tpu.dynamic_gather %scan3A_1689#1[%gather3A_1709] in [0] : vector<16xi32>, vector<16xi32> -> vector<16xi32>
    %gt3A_1711 = arith.cmpf ogt, %gather3A_1700, %scan3A_1689#0 : vector<16xf32>
    %eq3A_1712 = arith.cmpf oeq, %gather3A_1700, %scan3A_1689#0 : vector<16xf32>
    %lt3A_1713 = arith.cmpi slt, %gather3A_1710, %scan3A_1689#1 : vector<16xi32>
    %and3A_1714 = arith.andi %eq3A_1712, %lt3A_1713 : vector<16xi1>
    %or3A_1715 = arith.ori %gt3A_1711, %and3A_1714 : vector<16xi1>
    %select_n3A_1716 = arith.select %or3A_1715, %gather3A_1700, %scan3A_1689#0 : vector<16xi1>, vector<16xf32>
    %select_n3A_1717 = arith.select %or3A_1715, %gather3A_1710, %scan3A_1689#1 : vector<16xi1>, vector<16xi32>
    %lt3A_1718 = arith.constant 0 : i32
    %lt3A_1719 = vector.broadcast %lt3A_1718 : i32 to vector<16xi32>
    %lt3A_1720 = arith.cmpi slt, %select_n3A_46, %lt3A_1719 : vector<16xi32>
    %add3A_1721 = arith.constant 16 : i32
    %add3A_1722 = vector.broadcast %add3A_1721 : i32 to vector<16xi32>
    %add3A_1723 = arith.addi %select_n3A_46, %add3A_1722 : vector<16xi32>
    %select_n3A_1724 = arith.select %lt3A_1720, %add3A_1723, %select_n3A_46 : vector<16xi1>, vector<16xi32>
    %broadcast_in_dim3A_1725 = vector.shape_cast %select_n3A_1724 : vector<16xi32> to vector<16x1xi32>
    %gather3A_1726 = vector.shape_cast %broadcast_in_dim3A_1725 : vector<16x1xi32> to vector<16xi32>
    %gather3A_1727 = tpu.dynamic_gather %select_n3A_1716[%gather3A_1726] in [0] : vector<16xf32>, vector<16xi32> -> vector<16xf32>
    %lt3A_1728 = arith.constant 0 : i32
    %lt3A_1729 = vector.broadcast %lt3A_1728 : i32 to vector<16xi32>
    %lt3A_1730 = arith.cmpi slt, %select_n3A_46, %lt3A_1729 : vector<16xi32>
    %add3A_1731 = arith.constant 16 : i32
    %add3A_1732 = vector.broadcast %add3A_1731 : i32 to vector<16xi32>
    %add3A_1733 = arith.addi %select_n3A_46, %add3A_1732 : vector<16xi32>
    %select_n3A_1734 = arith.select %lt3A_1730, %add3A_1733, %select_n3A_46 : vector<16xi1>, vector<16xi32>
    %broadcast_in_dim3A_1735 = vector.shape_cast %select_n3A_1734 : vector<16xi32> to vector<16x1xi32>
    %gather3A_1736 = vector.shape_cast %broadcast_in_dim3A_1735 : vector<16x1xi32> to vector<16xi32>
    %gather3A_1737 = tpu.dynamic_gather %select_n3A_1717[%gather3A_1736] in [0] : vector<16xi32>, vector<16xi32> -> vector<16xi32>
    %gt3A_1738 = arith.cmpf ogt, %gather3A_1727, %select_n3A_1716 : vector<16xf32>
    %eq3A_1739 = arith.cmpf oeq, %gather3A_1727, %select_n3A_1716 : vector<16xf32>
    %lt3A_1740 = arith.cmpi slt, %gather3A_1737, %select_n3A_1717 : vector<16xi32>
    %and3A_1741 = arith.andi %eq3A_1739, %lt3A_1740 : vector<16xi1>
    %or3A_1742 = arith.ori %gt3A_1738, %and3A_1741 : vector<16xi1>
    %select_n3A_1743 = arith.select %or3A_1742, %gather3A_1727, %select_n3A_1716 : vector<16xi1>, vector<16xf32>
    %select_n3A_1744 = arith.select %or3A_1742, %gather3A_1737, %select_n3A_1717 : vector<16xi1>, vector<16xi32>
    %lt3A_1745 = arith.constant 0 : i32
    %lt3A_1746 = vector.broadcast %lt3A_1745 : i32 to vector<16xi32>
    %lt3A_1747 = arith.cmpi slt, %select_n3A_71, %lt3A_1746 : vector<16xi32>
    %add3A_1748 = arith.constant 16 : i32
    %add3A_1749 = vector.broadcast %add3A_1748 : i32 to vector<16xi32>
    %add3A_1750 = arith.addi %select_n3A_71, %add3A_1749 : vector<16xi32>
    %select_n3A_1751 = arith.select %lt3A_1747, %add3A_1750, %select_n3A_71 : vector<16xi1>, vector<16xi32>
    %broadcast_in_dim3A_1752 = vector.shape_cast %select_n3A_1751 : vector<16xi32> to vector<16x1xi32>
    %gather3A_1753 = vector.shape_cast %broadcast_in_dim3A_1752 : vector<16x1xi32> to vector<16xi32>
    %gather3A_1754 = tpu.dynamic_gather %select_n3A_1743[%gather3A_1753] in [0] : vector<16xf32>, vector<16xi32> -> vector<16xf32>
    %lt3A_1755 = arith.constant 0 : i32
    %lt3A_1756 = vector.broadcast %lt3A_1755 : i32 to vector<16xi32>
    %lt3A_1757 = arith.cmpi slt, %select_n3A_71, %lt3A_1756 : vector<16xi32>
    %add3A_1758 = arith.constant 16 : i32
    %add3A_1759 = vector.broadcast %add3A_1758 : i32 to vector<16xi32>
    %add3A_1760 = arith.addi %select_n3A_71, %add3A_1759 : vector<16xi32>
    %select_n3A_1761 = arith.select %lt3A_1757, %add3A_1760, %select_n3A_71 : vector<16xi1>, vector<16xi32>
    %broadcast_in_dim3A_1762 = vector.shape_cast %select_n3A_1761 : vector<16xi32> to vector<16x1xi32>
    %gather3A_1763 = vector.shape_cast %broadcast_in_dim3A_1762 : vector<16x1xi32> to vector<16xi32>
    %gather3A_1764 = tpu.dynamic_gather %select_n3A_1744[%gather3A_1763] in [0] : vector<16xi32>, vector<16xi32> -> vector<16xi32>
    %gt3A_1765 = arith.cmpf ogt, %gather3A_1754, %select_n3A_1743 : vector<16xf32>
    %eq3A_1766 = arith.cmpf oeq, %gather3A_1754, %select_n3A_1743 : vector<16xf32>
    %lt3A_1767 = arith.cmpi slt, %gather3A_1764, %select_n3A_1744 : vector<16xi32>
    %and3A_1768 = arith.andi %eq3A_1766, %lt3A_1767 : vector<16xi1>
    %or3A_1769 = arith.ori %gt3A_1765, %and3A_1768 : vector<16xi1>
    %select_n3A_1770 = arith.select %or3A_1769, %gather3A_1754, %select_n3A_1743 : vector<16xi1>, vector<16xf32>
    %select_n3A_1771 = arith.select %or3A_1769, %gather3A_1764, %select_n3A_1744 : vector<16xi1>, vector<16xi32>
    %lt3A_1772 = arith.constant 0 : i32
    %lt3A_1773 = vector.broadcast %lt3A_1772 : i32 to vector<16xi32>
    %lt3A_1774 = arith.cmpi slt, %select_n3A_96, %lt3A_1773 : vector<16xi32>
    %add3A_1775 = arith.constant 16 : i32
    %add3A_1776 = vector.broadcast %add3A_1775 : i32 to vector<16xi32>
    %add3A_1777 = arith.addi %select_n3A_96, %add3A_1776 : vector<16xi32>
    %select_n3A_1778 = arith.select %lt3A_1774, %add3A_1777, %select_n3A_96 : vector<16xi1>, vector<16xi32>
    %broadcast_in_dim3A_1779 = vector.shape_cast %select_n3A_1778 : vector<16xi32> to vector<16x1xi32>
    %gather3A_1780 = vector.shape_cast %broadcast_in_dim3A_1779 : vector<16x1xi32> to vector<16xi32>
    %gather3A_1781 = tpu.dynamic_gather %select_n3A_1770[%gather3A_1780] in [0] : vector<16xf32>, vector<16xi32> -> vector<16xf32>
    %lt3A_1782 = arith.constant 0 : i32
    %lt3A_1783 = vector.broadcast %lt3A_1782 : i32 to vector<16xi32>
    %lt3A_1784 = arith.cmpi slt, %select_n3A_96, %lt3A_1783 : vector<16xi32>
    %add3A_1785 = arith.constant 16 : i32
    %add3A_1786 = vector.broadcast %add3A_1785 : i32 to vector<16xi32>
    %add3A_1787 = arith.addi %select_n3A_96, %add3A_1786 : vector<16xi32>
    %select_n3A_1788 = arith.select %lt3A_1784, %add3A_1787, %select_n3A_96 : vector<16xi1>, vector<16xi32>
    %broadcast_in_dim3A_1789 = vector.shape_cast %select_n3A_1788 : vector<16xi32> to vector<16x1xi32>
    %gather3A_1790 = vector.shape_cast %broadcast_in_dim3A_1789 : vector<16x1xi32> to vector<16xi32>
    %gather3A_1791 = tpu.dynamic_gather %select_n3A_1771[%gather3A_1790] in [0] : vector<16xi32>, vector<16xi32> -> vector<16xi32>
    %gt3A_1792 = arith.cmpf ogt, %gather3A_1781, %select_n3A_1770 : vector<16xf32>
    %eq3A_1793 = arith.cmpf oeq, %gather3A_1781, %select_n3A_1770 : vector<16xf32>
    %lt3A_1794 = arith.cmpi slt, %gather3A_1791, %select_n3A_1771 : vector<16xi32>
    %and3A_1795 = arith.andi %eq3A_1793, %lt3A_1794 : vector<16xi1>
    %or3A_1796 = arith.ori %gt3A_1792, %and3A_1795 : vector<16xi1>
    %select_n3A_1797 = arith.select %or3A_1796, %gather3A_1781, %select_n3A_1770 : vector<16xi1>, vector<16xf32>
    %select_n3A_1798 = arith.select %or3A_1796, %gather3A_1791, %select_n3A_1771 : vector<16xi1>, vector<16xi32>
    %eq3A_1799 = arith.constant 13 : i32
    %eq3A_1800 = vector.broadcast %eq3A_1799 : i32 to vector<16xi32>
    %eq3A_1801 = arith.cmpi eq, %iota3A, %eq3A_1800 : vector<16xi32>
    %select_n3A_1802 = arith.select %eq3A_1801, %select_n3A_1798, %select_n3A_1680 : vector<16xi1>, vector<16xi32>
    %eq3A_1803 = arith.constant 13 : i32
    %eq3A_1804 = vector.broadcast %eq3A_1803 : i32 to vector<16xi32>
    %eq3A_1805 = arith.cmpi eq, %iota3A, %eq3A_1804 : vector<16xi32>
    %select_n3A_1806 = arith.select %eq3A_1805, %select_n3A_1797, %select_n3A_1684 : vector<16xi1>, vector<16xf32>
    %scan3A_1807 = arith.constant 0 : i32
    %scan3A_1808 = arith.constant 128 : i32
    %scan3A_1809 = arith.addi %scan3A_1807, %scan3A_1808 : i32
    %scan3A_1810 = arith.constant 1 : i32
    %scan3A_1811:2 = scf.for %scan3A_2002 = %scan3A_1807 to %scan3A_1809 step %scan3A_1810 iter_args(%scan3A_2003 = %broadcast_in_dim3A_1, %scan3A_2004 = %broadcast_in_dim3A_3) -> (vector<16xf32>, vector<16xi32>)  : i32 {
      %mul3A_2005 = arith.constant 16 : i32
      %mul3A_2006 = arith.muli %scan3A_2002, %mul3A_2005 : i32
      %get3A = arith.index_cast %mul3A_2006 : i32 to index
      %get3A_2007 = tpu.vector_load %arg5[%get3A] {strides = array<i32>} : memref<2048xf32, #tpu.memory_space<vmem>>, vector<16xf32>,
      %get3A_2008 = vector.shape_cast %get3A_2007 : vector<16xf32> to vector<16xf32>
      %mul3A_2009 = arith.constant 16 : i32
      %mul3A_2010 = arith.muli %scan3A_2002, %mul3A_2009 : i32
      %add3A_2011 = vector.broadcast %mul3A_2010 : i32 to vector<16xi32>
      %add3A_2012 = arith.addi %iota3A, %add3A_2011 : vector<16xi32>
      %lt3A_2013 = arith.cmpf olt, %get3A_2008, %select_n3A_1797 : vector<16xf32>
      %eq3A_2014 = arith.cmpf oeq, %get3A_2008, %select_n3A_1797 : vector<16xf32>
      %gt3A_2015 = arith.cmpi sgt, %add3A_2012, %select_n3A_1798 : vector<16xi32>
      %and3A_2016 = arith.andi %eq3A_2014, %gt3A_2015 : vector<16xi1>
      %or3A_2017 = arith.ori %lt3A_2013, %and3A_2016 : vector<16xi1>
      %gt3A_2018 = arith.cmpf ogt, %get3A_2008, %scan3A_2003 : vector<16xf32>
      %and3A_2019 = arith.andi %or3A_2017, %gt3A_2018 : vector<16xi1>
      %select_n3A_2020 = arith.select %and3A_2019, %get3A_2008, %scan3A_2003 : vector<16xi1>, vector<16xf32>
      %select_n3A_2021 = arith.select %and3A_2019, %add3A_2012, %scan3A_2004 : vector<16xi1>, vector<16xi32>
      scf.yield %select_n3A_2020, %select_n3A_2021 : vector<16xf32>, vector<16xi32>
    }
    %scan3A_1812 = arith.constant 128 : i32
    %lt3A_1813 = arith.constant 0 : i32
    %lt3A_1814 = vector.broadcast %lt3A_1813 : i32 to vector<16xi32>
    %lt3A_1815 = arith.cmpi slt, %select_n3A_21, %lt3A_1814 : vector<16xi32>
    %add3A_1816 = arith.constant 16 : i32
    %add3A_1817 = vector.broadcast %add3A_1816 : i32 to vector<16xi32>
    %add3A_1818 = arith.addi %select_n3A_21, %add3A_1817 : vector<16xi32>
    %select_n3A_1819 = arith.select %lt3A_1815, %add3A_1818, %select_n3A_21 : vector<16xi1>, vector<16xi32>
    %broadcast_in_dim3A_1820 = vector.shape_cast %select_n3A_1819 : vector<16xi32> to vector<16x1xi32>
    %gather3A_1821 = vector.shape_cast %broadcast_in_dim3A_1820 : vector<16x1xi32> to vector<16xi32>
    %gather3A_1822 = tpu.dynamic_gather %scan3A_1811#0[%gather3A_1821] in [0] : vector<16xf32>, vector<16xi32> -> vector<16xf32>
    %lt3A_1823 = arith.constant 0 : i32
    %lt3A_1824 = vector.broadcast %lt3A_1823 : i32 to vector<16xi32>
    %lt3A_1825 = arith.cmpi slt, %select_n3A_21, %lt3A_1824 : vector<16xi32>
    %add3A_1826 = arith.constant 16 : i32
    %add3A_1827 = vector.broadcast %add3A_1826 : i32 to vector<16xi32>
    %add3A_1828 = arith.addi %select_n3A_21, %add3A_1827 : vector<16xi32>
    %select_n3A_1829 = arith.select %lt3A_1825, %add3A_1828, %select_n3A_21 : vector<16xi1>, vector<16xi32>
    %broadcast_in_dim3A_1830 = vector.shape_cast %select_n3A_1829 : vector<16xi32> to vector<16x1xi32>
    %gather3A_1831 = vector.shape_cast %broadcast_in_dim3A_1830 : vector<16x1xi32> to vector<16xi32>
    %gather3A_1832 = tpu.dynamic_gather %scan3A_1811#1[%gather3A_1831] in [0] : vector<16xi32>, vector<16xi32> -> vector<16xi32>
    %gt3A_1833 = arith.cmpf ogt, %gather3A_1822, %scan3A_1811#0 : vector<16xf32>
    %eq3A_1834 = arith.cmpf oeq, %gather3A_1822, %scan3A_1811#0 : vector<16xf32>
    %lt3A_1835 = arith.cmpi slt, %gather3A_1832, %scan3A_1811#1 : vector<16xi32>
    %and3A_1836 = arith.andi %eq3A_1834, %lt3A_1835 : vector<16xi1>
    %or3A_1837 = arith.ori %gt3A_1833, %and3A_1836 : vector<16xi1>
    %select_n3A_1838 = arith.select %or3A_1837, %gather3A_1822, %scan3A_1811#0 : vector<16xi1>, vector<16xf32>
    %select_n3A_1839 = arith.select %or3A_1837, %gather3A_1832, %scan3A_1811#1 : vector<16xi1>, vector<16xi32>
    %lt3A_1840 = arith.constant 0 : i32
    %lt3A_1841 = vector.broadcast %lt3A_1840 : i32 to vector<16xi32>
    %lt3A_1842 = arith.cmpi slt, %select_n3A_46, %lt3A_1841 : vector<16xi32>
    %add3A_1843 = arith.constant 16 : i32
    %add3A_1844 = vector.broadcast %add3A_1843 : i32 to vector<16xi32>
    %add3A_1845 = arith.addi %select_n3A_46, %add3A_1844 : vector<16xi32>
    %select_n3A_1846 = arith.select %lt3A_1842, %add3A_1845, %select_n3A_46 : vector<16xi1>, vector<16xi32>
    %broadcast_in_dim3A_1847 = vector.shape_cast %select_n3A_1846 : vector<16xi32> to vector<16x1xi32>
    %gather3A_1848 = vector.shape_cast %broadcast_in_dim3A_1847 : vector<16x1xi32> to vector<16xi32>
    %gather3A_1849 = tpu.dynamic_gather %select_n3A_1838[%gather3A_1848] in [0] : vector<16xf32>, vector<16xi32> -> vector<16xf32>
    %lt3A_1850 = arith.constant 0 : i32
    %lt3A_1851 = vector.broadcast %lt3A_1850 : i32 to vector<16xi32>
    %lt3A_1852 = arith.cmpi slt, %select_n3A_46, %lt3A_1851 : vector<16xi32>
    %add3A_1853 = arith.constant 16 : i32
    %add3A_1854 = vector.broadcast %add3A_1853 : i32 to vector<16xi32>
    %add3A_1855 = arith.addi %select_n3A_46, %add3A_1854 : vector<16xi32>
    %select_n3A_1856 = arith.select %lt3A_1852, %add3A_1855, %select_n3A_46 : vector<16xi1>, vector<16xi32>
    %broadcast_in_dim3A_1857 = vector.shape_cast %select_n3A_1856 : vector<16xi32> to vector<16x1xi32>
    %gather3A_1858 = vector.shape_cast %broadcast_in_dim3A_1857 : vector<16x1xi32> to vector<16xi32>
    %gather3A_1859 = tpu.dynamic_gather %select_n3A_1839[%gather3A_1858] in [0] : vector<16xi32>, vector<16xi32> -> vector<16xi32>
    %gt3A_1860 = arith.cmpf ogt, %gather3A_1849, %select_n3A_1838 : vector<16xf32>
    %eq3A_1861 = arith.cmpf oeq, %gather3A_1849, %select_n3A_1838 : vector<16xf32>
    %lt3A_1862 = arith.cmpi slt, %gather3A_1859, %select_n3A_1839 : vector<16xi32>
    %and3A_1863 = arith.andi %eq3A_1861, %lt3A_1862 : vector<16xi1>
    %or3A_1864 = arith.ori %gt3A_1860, %and3A_1863 : vector<16xi1>
    %select_n3A_1865 = arith.select %or3A_1864, %gather3A_1849, %select_n3A_1838 : vector<16xi1>, vector<16xf32>
    %select_n3A_1866 = arith.select %or3A_1864, %gather3A_1859, %select_n3A_1839 : vector<16xi1>, vector<16xi32>
    %lt3A_1867 = arith.constant 0 : i32
    %lt3A_1868 = vector.broadcast %lt3A_1867 : i32 to vector<16xi32>
    %lt3A_1869 = arith.cmpi slt, %select_n3A_71, %lt3A_1868 : vector<16xi32>
    %add3A_1870 = arith.constant 16 : i32
    %add3A_1871 = vector.broadcast %add3A_1870 : i32 to vector<16xi32>
    %add3A_1872 = arith.addi %select_n3A_71, %add3A_1871 : vector<16xi32>
    %select_n3A_1873 = arith.select %lt3A_1869, %add3A_1872, %select_n3A_71 : vector<16xi1>, vector<16xi32>
    %broadcast_in_dim3A_1874 = vector.shape_cast %select_n3A_1873 : vector<16xi32> to vector<16x1xi32>
    %gather3A_1875 = vector.shape_cast %broadcast_in_dim3A_1874 : vector<16x1xi32> to vector<16xi32>
    %gather3A_1876 = tpu.dynamic_gather %select_n3A_1865[%gather3A_1875] in [0] : vector<16xf32>, vector<16xi32> -> vector<16xf32>
    %lt3A_1877 = arith.constant 0 : i32
    %lt3A_1878 = vector.broadcast %lt3A_1877 : i32 to vector<16xi32>
    %lt3A_1879 = arith.cmpi slt, %select_n3A_71, %lt3A_1878 : vector<16xi32>
    %add3A_1880 = arith.constant 16 : i32
    %add3A_1881 = vector.broadcast %add3A_1880 : i32 to vector<16xi32>
    %add3A_1882 = arith.addi %select_n3A_71, %add3A_1881 : vector<16xi32>
    %select_n3A_1883 = arith.select %lt3A_1879, %add3A_1882, %select_n3A_71 : vector<16xi1>, vector<16xi32>
    %broadcast_in_dim3A_1884 = vector.shape_cast %select_n3A_1883 : vector<16xi32> to vector<16x1xi32>
    %gather3A_1885 = vector.shape_cast %broadcast_in_dim3A_1884 : vector<16x1xi32> to vector<16xi32>
    %gather3A_1886 = tpu.dynamic_gather %select_n3A_1866[%gather3A_1885] in [0] : vector<16xi32>, vector<16xi32> -> vector<16xi32>
    %gt3A_1887 = arith.cmpf ogt, %gather3A_1876, %select_n3A_1865 : vector<16xf32>
    %eq3A_1888 = arith.cmpf oeq, %gather3A_1876, %select_n3A_1865 : vector<16xf32>
    %lt3A_1889 = arith.cmpi slt, %gather3A_1886, %select_n3A_1866 : vector<16xi32>
    %and3A_1890 = arith.andi %eq3A_1888, %lt3A_1889 : vector<16xi1>
    %or3A_1891 = arith.ori %gt3A_1887, %and3A_1890 : vector<16xi1>
    %select_n3A_1892 = arith.select %or3A_1891, %gather3A_1876, %select_n3A_1865 : vector<16xi1>, vector<16xf32>
    %select_n3A_1893 = arith.select %or3A_1891, %gather3A_1886, %select_n3A_1866 : vector<16xi1>, vector<16xi32>
    %lt3A_1894 = arith.constant 0 : i32
    %lt3A_1895 = vector.broadcast %lt3A_1894 : i32 to vector<16xi32>
    %lt3A_1896 = arith.cmpi slt, %select_n3A_96, %lt3A_1895 : vector<16xi32>
    %add3A_1897 = arith.constant 16 : i32
    %add3A_1898 = vector.broadcast %add3A_1897 : i32 to vector<16xi32>
    %add3A_1899 = arith.addi %select_n3A_96, %add3A_1898 : vector<16xi32>
    %select_n3A_1900 = arith.select %lt3A_1896, %add3A_1899, %select_n3A_96 : vector<16xi1>, vector<16xi32>
    %broadcast_in_dim3A_1901 = vector.shape_cast %select_n3A_1900 : vector<16xi32> to vector<16x1xi32>
    %gather3A_1902 = vector.shape_cast %broadcast_in_dim3A_1901 : vector<16x1xi32> to vector<16xi32>
    %gather3A_1903 = tpu.dynamic_gather %select_n3A_1892[%gather3A_1902] in [0] : vector<16xf32>, vector<16xi32> -> vector<16xf32>
    %lt3A_1904 = arith.constant 0 : i32
    %lt3A_1905 = vector.broadcast %lt3A_1904 : i32 to vector<16xi32>
    %lt3A_1906 = arith.cmpi slt, %select_n3A_96, %lt3A_1905 : vector<16xi32>
    %add3A_1907 = arith.constant 16 : i32
    %add3A_1908 = vector.broadcast %add3A_1907 : i32 to vector<16xi32>
    %add3A_1909 = arith.addi %select_n3A_96, %add3A_1908 : vector<16xi32>
    %select_n3A_1910 = arith.select %lt3A_1906, %add3A_1909, %select_n3A_96 : vector<16xi1>, vector<16xi32>
    %broadcast_in_dim3A_1911 = vector.shape_cast %select_n3A_1910 : vector<16xi32> to vector<16x1xi32>
    %gather3A_1912 = vector.shape_cast %broadcast_in_dim3A_1911 : vector<16x1xi32> to vector<16xi32>
    %gather3A_1913 = tpu.dynamic_gather %select_n3A_1893[%gather3A_1912] in [0] : vector<16xi32>, vector<16xi32> -> vector<16xi32>
    %gt3A_1914 = arith.cmpf ogt, %gather3A_1903, %select_n3A_1892 : vector<16xf32>
    %eq3A_1915 = arith.cmpf oeq, %gather3A_1903, %select_n3A_1892 : vector<16xf32>
    %lt3A_1916 = arith.cmpi slt, %gather3A_1913, %select_n3A_1893 : vector<16xi32>
    %and3A_1917 = arith.andi %eq3A_1915, %lt3A_1916 : vector<16xi1>
    %or3A_1918 = arith.ori %gt3A_1914, %and3A_1917 : vector<16xi1>
    %select_n3A_1919 = arith.select %or3A_1918, %gather3A_1903, %select_n3A_1892 : vector<16xi1>, vector<16xf32>
    %select_n3A_1920 = arith.select %or3A_1918, %gather3A_1913, %select_n3A_1893 : vector<16xi1>, vector<16xi32>
    %eq3A_1921 = arith.constant 14 : i32
    %eq3A_1922 = vector.broadcast %eq3A_1921 : i32 to vector<16xi32>
    %eq3A_1923 = arith.cmpi eq, %iota3A, %eq3A_1922 : vector<16xi32>
    %select_n3A_1924 = arith.select %eq3A_1923, %select_n3A_1920, %select_n3A_1802 : vector<16xi1>, vector<16xi32>
    %eq3A_1925 = arith.constant 14 : i32
    %eq3A_1926 = vector.broadcast %eq3A_1925 : i32 to vector<16xi32>
    %eq3A_1927 = arith.cmpi eq, %iota3A, %eq3A_1926 : vector<16xi32>
    %select_n3A_1928 = arith.select %eq3A_1927, %select_n3A_1919, %select_n3A_1806 : vector<16xi1>, vector<16xf32>
    %lt3A_1929 = arith.constant 0 : i32
    %lt3A_1930 = vector.broadcast %lt3A_1929 : i32 to vector<16xi32>
    %lt3A_1931 = arith.cmpi slt, %broadcast_in_dim3A_98, %lt3A_1930 : vector<16xi32>
    %add3A_1932 = arith.constant 16 : i32
    %add3A_1933 = vector.broadcast %add3A_1932 : i32 to vector<16xi32>
    %add3A_1934 = arith.addi %broadcast_in_dim3A_98, %add3A_1933 : vector<16xi32>
    %select_n3A_1935 = arith.select %lt3A_1931, %add3A_1934, %broadcast_in_dim3A_98 : vector<16xi1>, vector<16xi32>
    %broadcast_in_dim3A_1936 = vector.shape_cast %select_n3A_1935 : vector<16xi32> to vector<16x1xi32>
    %gather3A_1937 = vector.shape_cast %broadcast_in_dim3A_1936 : vector<16x1xi32> to vector<16xi32>
    %gather3A_1938 = tpu.dynamic_gather %select_n3A_1928[%gather3A_1937] in [0] : vector<16xf32>, vector<16xi32> -> vector<16xf32>
    %lt3A_1939 = arith.constant 15 : i32
    %lt3A_1940 = vector.broadcast %lt3A_1939 : i32 to vector<16xi32>
    %lt3A_1941 = arith.cmpi slt, %iota3A, %lt3A_1940 : vector<16xi32>
    %sub3A = arith.subf %select_n3A_1928, %gather3A_1938 : vector<16xf32>
    %exp3A = math.exp %sub3A : vector<16xf32>
    %jit3A_1942 = arith.constant 0.000000e+00 : f32
    %broadcast_in_dim3A_1943 = vector.broadcast %jit3A_1942 : f32 to vector<16xf32>
    %select_n3A_1944 = arith.select %lt3A_1941, %exp3A, %broadcast_in_dim3A_1943 : vector<16xi1>, vector<16xf32>
    %lt3A_1945 = arith.constant 0 : i32
    %lt3A_1946 = vector.broadcast %lt3A_1945 : i32 to vector<16xi32>
    %lt3A_1947 = arith.cmpi slt, %select_n3A_21, %lt3A_1946 : vector<16xi32>
    %add3A_1948 = arith.constant 16 : i32
    %add3A_1949 = vector.broadcast %add3A_1948 : i32 to vector<16xi32>
    %add3A_1950 = arith.addi %select_n3A_21, %add3A_1949 : vector<16xi32>
    %select_n3A_1951 = arith.select %lt3A_1947, %add3A_1950, %select_n3A_21 : vector<16xi1>, vector<16xi32>
    %broadcast_in_dim3A_1952 = vector.shape_cast %select_n3A_1951 : vector<16xi32> to vector<16x1xi32>
    %gather3A_1953 = vector.shape_cast %broadcast_in_dim3A_1952 : vector<16x1xi32> to vector<16xi32>
    %gather3A_1954 = tpu.dynamic_gather %select_n3A_1944[%gather3A_1953] in [0] : vector<16xf32>, vector<16xi32> -> vector<16xf32>
    %add3A_1955 = arith.addf %select_n3A_1944, %gather3A_1954 : vector<16xf32>
    %lt3A_1956 = arith.constant 0 : i32
    %lt3A_1957 = vector.broadcast %lt3A_1956 : i32 to vector<16xi32>
    %lt3A_1958 = arith.cmpi slt, %select_n3A_46, %lt3A_1957 : vector<16xi32>
    %add3A_1959 = arith.constant 16 : i32
    %add3A_1960 = vector.broadcast %add3A_1959 : i32 to vector<16xi32>
    %add3A_1961 = arith.addi %select_n3A_46, %add3A_1960 : vector<16xi32>
    %select_n3A_1962 = arith.select %lt3A_1958, %add3A_1961, %select_n3A_46 : vector<16xi1>, vector<16xi32>
    %broadcast_in_dim3A_1963 = vector.shape_cast %select_n3A_1962 : vector<16xi32> to vector<16x1xi32>
    %gather3A_1964 = vector.shape_cast %broadcast_in_dim3A_1963 : vector<16x1xi32> to vector<16xi32>
    %gather3A_1965 = tpu.dynamic_gather %add3A_1955[%gather3A_1964] in [0] : vector<16xf32>, vector<16xi32> -> vector<16xf32>
    %add3A_1966 = arith.addf %add3A_1955, %gather3A_1965 : vector<16xf32>
    %lt3A_1967 = arith.constant 0 : i32
    %lt3A_1968 = vector.broadcast %lt3A_1967 : i32 to vector<16xi32>
    %lt3A_1969 = arith.cmpi slt, %select_n3A_71, %lt3A_1968 : vector<16xi32>
    %add3A_1970 = arith.constant 16 : i32
    %add3A_1971 = vector.broadcast %add3A_1970 : i32 to vector<16xi32>
    %add3A_1972 = arith.addi %select_n3A_71, %add3A_1971 : vector<16xi32>
    %select_n3A_1973 = arith.select %lt3A_1969, %add3A_1972, %select_n3A_71 : vector<16xi1>, vector<16xi32>
    %broadcast_in_dim3A_1974 = vector.shape_cast %select_n3A_1973 : vector<16xi32> to vector<16x1xi32>
    %gather3A_1975 = vector.shape_cast %broadcast_in_dim3A_1974 : vector<16x1xi32> to vector<16xi32>
    %gather3A_1976 = tpu.dynamic_gather %add3A_1966[%gather3A_1975] in [0] : vector<16xf32>, vector<16xi32> -> vector<16xf32>
    %add3A_1977 = arith.addf %add3A_1966, %gather3A_1976 : vector<16xf32>
    %lt3A_1978 = arith.constant 0 : i32
    %lt3A_1979 = vector.broadcast %lt3A_1978 : i32 to vector<16xi32>
    %lt3A_1980 = arith.cmpi slt, %select_n3A_96, %lt3A_1979 : vector<16xi32>
    %add3A_1981 = arith.constant 16 : i32
    %add3A_1982 = vector.broadcast %add3A_1981 : i32 to vector<16xi32>
    %add3A_1983 = arith.addi %select_n3A_96, %add3A_1982 : vector<16xi32>
    %select_n3A_1984 = arith.select %lt3A_1980, %add3A_1983, %select_n3A_96 : vector<16xi1>, vector<16xi32>
    %broadcast_in_dim3A_1985 = vector.shape_cast %select_n3A_1984 : vector<16xi32> to vector<16x1xi32>
    %gather3A_1986 = vector.shape_cast %broadcast_in_dim3A_1985 : vector<16x1xi32> to vector<16xi32>
    %gather3A_1987 = tpu.dynamic_gather %add3A_1977[%gather3A_1986] in [0] : vector<16xf32>, vector<16xi32> -> vector<16xf32>
    %add3A_1988 = arith.addf %add3A_1977, %gather3A_1987 : vector<16xf32>
    %lt3A_1989 = arith.constant 15 : i32
    %lt3A_1990 = vector.broadcast %lt3A_1989 : i32 to vector<16xi32>
    %lt3A_1991 = arith.cmpi slt, %iota3A, %lt3A_1990 : vector<16xi32>
    %jit3A_1992 = arith.constant 0 : i32
    %broadcast_in_dim3A_1993 = vector.broadcast %jit3A_1992 : i32 to vector<16xi32>
    %select_n3A_1994 = arith.select %lt3A_1991, %select_n3A_1924, %broadcast_in_dim3A_1993 : vector<16xi1>, vector<16xi32>
    %swap3A = arith.constant 0 : index
    %swap3A_1995 = tpu.vector_load %arg6[%swap3A] {strides = array<i32>} : memref<16xi32, #tpu.memory_space<vmem>>, vector<16xi32>,
    %swap3A_1996 = vector.shape_cast %swap3A_1995 : vector<16xi32> to vector<16xi32>
    %swap3A_1997 = vector.shape_cast %select_n3A_1994 : vector<16xi32> to vector<16xi32>
    tpu.vector_store %arg6[%swap3A], %swap3A_1997 {strides = array<i32>} : memref<16xi32, #tpu.memory_space<vmem>>, vector<16xi32>,
    %div3A = arith.divf %select_n3A_1944, %add3A_1988 : vector<16xf32>
    %swap3A_1998 = arith.constant 0 : index
    %swap3A_1999 = tpu.vector_load %arg7[%swap3A_1998] {strides = array<i32>} : memref<16xf32, #tpu.memory_space<vmem>>, vector<16xf32>,
    %swap3A_2000 = vector.shape_cast %swap3A_1999 : vector<16xf32> to vector<16xf32>
    %swap3A_2001 = vector.shape_cast %div3A : vector<16xf32> to vector<16xf32>
    tpu.vector_store %arg7[%swap3A_1998], %swap3A_2001 {strides = array<i32>} : memref<16xf32, #tpu.memory_space<vmem>>, vector<16xf32>,
    "tpu.region"() ({
      %run_scoped3A = tpu.sem_alloc : memref<!tpu.dma_semaphore, #tpu.memory_space<semaphore_mem>>
      %dma_start3A = arith.constant 0 : i32
      %dma_start3A_2002 = tpu.memref_slice %arg3[%add3A, %dma_start3A] : memref<32x16xi32, #tpu.memory_space<hbm>> -> memref<1x16xi32, #tpu.memory_space<hbm>>
      %dma_start3A_2003 = tpu.memref_squeeze %dma_start3A_2002 : memref<1x16xi32, #tpu.memory_space<hbm>> -> memref<16xi32, #tpu.memory_space<hbm>>
      %dma_start3A_2004 = arith.constant 0 : i32
      %dma_start3A_2005 = tpu.memref_slice %arg3[%add3A, %dma_start3A_2004] : memref<32x16xi32, #tpu.memory_space<hbm>> -> memref<1x16xi32, #tpu.memory_space<hbm>>
      %dma_start3A_2006 = tpu.memref_squeeze %dma_start3A_2005 : memref<1x16xi32, #tpu.memory_space<hbm>> -> memref<16xi32, #tpu.memory_space<hbm>>
      tpu.enqueue_dma source(%arg6 : memref<16xi32, #tpu.memory_space<vmem>>) target(%dma_start3A_2006 : memref<16xi32, #tpu.memory_space<hbm>>) target_semaphore(%run_scoped3A : memref<!tpu.dma_semaphore, #tpu.memory_space<semaphore_mem>>)
      %dma_wait3A = arith.constant 0 : i32
      %dma_wait3A_2007 = tpu.memref_slice %arg3[%add3A, %dma_wait3A] : memref<32x16xi32, #tpu.memory_space<hbm>> -> memref<1x16xi32, #tpu.memory_space<hbm>>
      %dma_wait3A_2008 = tpu.memref_squeeze %dma_wait3A_2007 : memref<1x16xi32, #tpu.memory_space<hbm>> -> memref<16xi32, #tpu.memory_space<hbm>>
      %dma_wait3A_2009 = arith.constant 0 : i32
      %dma_wait3A_2010 = tpu.memref_slice %arg3[%add3A, %dma_wait3A_2009] : memref<32x16xi32, #tpu.memory_space<hbm>> -> memref<1x16xi32, #tpu.memory_space<hbm>>
      %dma_wait3A_2011 = tpu.memref_squeeze %dma_wait3A_2010 : memref<1x16xi32, #tpu.memory_space<hbm>> -> memref<16xi32, #tpu.memory_space<hbm>>
      tpu.wait_dma2 semaphore(%run_scoped3A : memref<!tpu.dma_semaphore, #tpu.memory_space<semaphore_mem>>) src(%arg6 : memref<16xi32, #tpu.memory_space<vmem>>) dst(%dma_wait3A_2011 : memref<16xi32, #tpu.memory_space<hbm>>)
      tpu.yield
    }) : () -> ()
    "tpu.region"() ({
      %run_scoped3A = tpu.sem_alloc : memref<!tpu.dma_semaphore, #tpu.memory_space<semaphore_mem>>
      %dma_start3A = arith.constant 0 : i32
      %dma_start3A_2002 = tpu.memref_slice %arg4[%add3A, %dma_start3A] : memref<32x16xf32, #tpu.memory_space<hbm>> -> memref<1x16xf32, #tpu.memory_space<hbm>>
      %dma_start3A_2003 = tpu.memref_squeeze %dma_start3A_2002 : memref<1x16xf32, #tpu.memory_space<hbm>> -> memref<16xf32, #tpu.memory_space<hbm>>
      %dma_start3A_2004 = arith.constant 0 : i32
      %dma_start3A_2005 = tpu.memref_slice %arg4[%add3A, %dma_start3A_2004] : memref<32x16xf32, #tpu.memory_space<hbm>> -> memref<1x16xf32, #tpu.memory_space<hbm>>
      %dma_start3A_2006 = tpu.memref_squeeze %dma_start3A_2005 : memref<1x16xf32, #tpu.memory_space<hbm>> -> memref<16xf32, #tpu.memory_space<hbm>>
      tpu.enqueue_dma source(%arg7 : memref<16xf32, #tpu.memory_space<vmem>>) target(%dma_start3A_2006 : memref<16xf32, #tpu.memory_space<hbm>>) target_semaphore(%run_scoped3A : memref<!tpu.dma_semaphore, #tpu.memory_space<semaphore_mem>>)
      %dma_wait3A = arith.constant 0 : i32
      %dma_wait3A_2007 = tpu.memref_slice %arg4[%add3A, %dma_wait3A] : memref<32x16xf32, #tpu.memory_space<hbm>> -> memref<1x16xf32, #tpu.memory_space<hbm>>
      %dma_wait3A_2008 = tpu.memref_squeeze %dma_wait3A_2007 : memref<1x16xf32, #tpu.memory_space<hbm>> -> memref<16xf32, #tpu.memory_space<hbm>>
      %dma_wait3A_2009 = arith.constant 0 : i32
      %dma_wait3A_2010 = tpu.memref_slice %arg4[%add3A, %dma_wait3A_2009] : memref<32x16xf32, #tpu.memory_space<hbm>> -> memref<1x16xf32, #tpu.memory_space<hbm>>
      %dma_wait3A_2011 = tpu.memref_squeeze %dma_wait3A_2010 : memref<1x16xf32, #tpu.memory_space<hbm>> -> memref<16xf32, #tpu.memory_space<hbm>>
      tpu.wait_dma2 semaphore(%run_scoped3A : memref<!tpu.dma_semaphore, #tpu.memory_space<semaphore_mem>>) src(%arg7 : memref<16xf32, #tpu.memory_space<vmem>>) dst(%dma_wait3A_2011 : memref<16xf32, #tpu.memory_space<hbm>>)
      tpu.yield
    }) : () -> ()
    return
  }
}

module attributes {stable_mosaic.version = 14 : i64} {
  func.func @_matmul_body(%arg0: i32, %arg1: i32, %arg2: memref<1024x1024xf32, #tpu.memory_space<vmem>>, %arg3: memref<1024x512xf32, #tpu.memory_space<vmem>>, %arg4: memref<1x512xf32, #tpu.memory_space<vmem>>, %arg5: memref<1024x512xf32, #tpu.memory_space<vmem>>) attributes {dimension_semantics = [#tpu.dimension_semantics<arbitrary>, #tpu.dimension_semantics<arbitrary>], iteration_bounds = array<i64: 4, 6>, scalar_prefetch = 0 : i64, scratch_operands = 0 : i64, tpu.core_type = #tpu.core_type<tc>, window_params = [{transform_indices = @transform_0, window_bounds = array<i64: 1024, 1024>}, {transform_indices = @transform_1, window_bounds = array<i64: 1024, 512>}, {transform_indices = @transform_2, window_bounds = array<i64: 1, 512>}, {transform_indices = @transform_3, window_bounds = array<i64: 1024, 512>}]} {
    %get3A = arith.constant 0 : index
    %get3A_0 = arith.constant 0 : index
    %get3A_1 = vector.load %arg2[%get3A, %get3A_0] : memref<1024x1024xf32, #tpu.memory_space<vmem>>, vector<1024x1024xf32>
    %get3A_2 = arith.constant 0 : index
    %get3A_3 = arith.constant 0 : index
    %get3A_4 = vector.load %arg3[%get3A_2, %get3A_3] : memref<1024x512xf32, #tpu.memory_space<vmem>>, vector<1024x512xf32>
    %dot_general3A = arith.constant dense<0.000000e+00> : vector<1024x512xf32>
    %dot_general3A_5 = tpu.matmul %get3A_1, %get3A_4, %dot_general3A {dimension_numbers = #tpu.dot_dimension_numbers<[1], [0], [0], [1], [0, 0, 1, 1], [], []>, transpose_lhs_hint = false} : vector<1024x1024xf32>, vector<1024x512xf32>, vector<1024x512xf32> -> vector<1024x512xf32>
    %get3A_6 = arith.constant 0 : index
    %get3A_7 = arith.constant 0 : index
    %get3A_8 = vector.load %arg4[%get3A_6, %get3A_7] : memref<1x512xf32, #tpu.memory_space<vmem>>, vector<1x512xf32>
    %add3A = vector.broadcast %get3A_8 : vector<1x512xf32> to vector<1024x512xf32>
    %add3A_9 = arith.addf %dot_general3A_5, %add3A : vector<1024x512xf32>
    %swap3A = arith.constant 0 : index
    %swap3A_10 = arith.constant 0 : index
    %swap3A_11 = vector.load %arg5[%swap3A, %swap3A_10] : memref<1024x512xf32, #tpu.memory_space<vmem>>, vector<1024x512xf32>
    tpu.vector_store %arg5[%swap3A, %swap3A_10], %add3A_9 {strides = array<i32>} : memref<1024x512xf32, #tpu.memory_space<vmem>>, vector<1024x512xf32>,
    return
  }
  func.func @transform_0(%arg0: i32, %arg1: i32) -> (i32, i32) {
    %c0_i32 = arith.constant 0 : i32
    %c0_i32_0 = arith.constant 0 : i32
    return %arg0, %c0_i32 : i32, i32
  }
  func.func @transform_1(%arg0: i32, %arg1: i32) -> (i32, i32) {
    %c0_i32 = arith.constant 0 : i32
    %c0_i32_0 = arith.constant 0 : i32
    return %c0_i32, %arg1 : i32, i32
  }
  func.func @transform_2(%arg0: i32, %arg1: i32) -> (i32, i32) {
    %c0_i32 = arith.constant 0 : i32
    %c0_i32_0 = arith.constant 0 : i32
    return %c0_i32, %arg1 : i32, i32
  }
  func.func @transform_3(%arg0: i32, %arg1: i32) -> (i32, i32) {
    %c0_i32 = arith.constant 0 : i32
    return %arg0, %arg1 : i32, i32
  }
}

module attributes {stable_mosaic.version = 14 : i64} {
  func.func @_dft_body(%arg0: i32, %arg1: i32, %arg2: i32, %arg3: memref<2048x256xf32, #tpu.memory_space<vmem>>, %arg4: memref<1024x2048xf32, #tpu.memory_space<vmem>>, %arg5: memref<1x1024x256xf32, #tpu.memory_space<vmem>>) attributes {dimension_semantics = [#tpu.dimension_semantics<arbitrary>, #tpu.dimension_semantics<arbitrary>, #tpu.dimension_semantics<arbitrary>], iteration_bounds = array<i64: 2, 2, 8>, scalar_prefetch = 0 : i64, scratch_operands = 0 : i64, tpu.core_type = #tpu.core_type<tc>, window_params = [{transform_indices = @transform_0, window_bounds = array<i64: 2048, 256>}, {transform_indices = @transform_1, window_bounds = array<i64: 1024, 2048>}, {transform_indices = @transform_2, window_bounds = array<i64: 1, 1024, 256>}]} {
    %get3A = arith.constant 0 : index
    %get3A_0 = arith.constant 0 : index
    %get3A_1 = vector.load %arg4[%get3A, %get3A_0] : memref<1024x2048xf32, #tpu.memory_space<vmem>>, vector<1024x2048xf32>
    %get3A_2 = arith.constant 0 : index
    %get3A_3 = arith.constant 0 : index
    %get3A_4 = vector.load %arg3[%get3A_2, %get3A_3] : memref<2048x256xf32, #tpu.memory_space<vmem>>, vector<2048x256xf32>
    %dot_general3A = arith.constant dense<0.000000e+00> : vector<1024x256xf32>
    %dot_general3A_5 = tpu.matmul %get3A_1, %get3A_4, %dot_general3A {dimension_numbers = #tpu.dot_dimension_numbers<[1], [0], [0], [1], [0, 0, 1, 1], [], []>, precision = #tpu.contract_precision<fp32>, transpose_lhs_hint = false} : vector<1024x2048xf32>, vector<2048x256xf32>, vector<1024x256xf32> -> vector<1024x256xf32>
    %swap3A = arith.constant 0 : index
    %swap3A_6 = arith.constant 0 : index
    %swap3A_7 = arith.constant 0 : index
    %swap3A_8 = vector.load %arg5[%swap3A, %swap3A_6, %swap3A_7] : memref<1x1024x256xf32, #tpu.memory_space<vmem>>, vector<1x1024x256xf32>
    %swap3A_9 = vector.shape_cast %swap3A_8 : vector<1x1024x256xf32> to vector<1024x256xf32>
    %swap3A_10 = vector.shape_cast %dot_general3A_5 : vector<1024x256xf32> to vector<1x1024x256xf32>
    tpu.vector_store %arg5[%swap3A, %swap3A_6, %swap3A_7], %swap3A_10 {strides = array<i32>} : memref<1x1024x256xf32, #tpu.memory_space<vmem>>, vector<1x1024x256xf32>,
    return
  }
  func.func @transform_0(%arg0: i32, %arg1: i32, %arg2: i32) -> (i32, i32) {
    %c0_i32 = arith.constant 0 : i32
    return %arg0, %arg2 : i32, i32
  }
  func.func @transform_1(%arg0: i32, %arg1: i32, %arg2: i32) -> (i32, i32) {
    %c0_i32 = arith.constant 0 : i32
    %c0_i32_0 = arith.constant 0 : i32
    return %arg1, %c0_i32 : i32, i32
  }
  func.func @transform_2(%arg0: i32, %arg1: i32, %arg2: i32) -> (i32, i32, i32) {
    %c0_i32 = arith.constant 0 : i32
    return %arg0, %arg1, %arg2 : i32, i32, i32
  }
}

module attributes {stable_mosaic.version = 14 : i64} {
  func.func @_xspec_body(%arg0: i32, %arg1: i32, %arg2: memref<1x2048x256xf32, #tpu.memory_space<vmem>>, %arg3: memref<1x2048x256xf32, #tpu.memory_space<vmem>>, %arg4: memref<256x4xf32, #tpu.memory_space<vmem>>, %arg5: memref<1x1x2048x4xf32, #tpu.memory_space<vmem>>) attributes {dimension_semantics = [#tpu.dimension_semantics<arbitrary>, #tpu.dimension_semantics<arbitrary>], iteration_bounds = array<i64: 2, 4>, scalar_prefetch = 0 : i64, scratch_operands = 0 : i64, tpu.core_type = #tpu.core_type<tc>, window_params = [{transform_indices = @transform_0, window_bounds = array<i64: 1, 2048, 256>}, {transform_indices = @transform_1, window_bounds = array<i64: 1, 2048, 256>}, {pipeline_mode = #tpu.pipeline_mode<synchronous>, transform_indices = @transform_2, window_bounds = array<i64: 256, 4>}, {transform_indices = @transform_3, window_bounds = array<i64: 1, 1, 2048, 4>}]} {
    %get3A = arith.constant 0 : index
    %get3A_0 = arith.constant 0 : index
    %get3A_1 = arith.constant 0 : index
    %get3A_2 = vector.load %arg2[%get3A, %get3A_0, %get3A_1] : memref<1x2048x256xf32, #tpu.memory_space<vmem>>, vector<1x2048x256xf32>
    %get3A_3 = vector.shape_cast %get3A_2 : vector<1x2048x256xf32> to vector<2048x256xf32>
    %get3A_4 = arith.constant 0 : index
    %get3A_5 = arith.constant 0 : index
    %get3A_6 = arith.constant 0 : index
    %get3A_7 = vector.load %arg3[%get3A_4, %get3A_5, %get3A_6] : memref<1x2048x256xf32, #tpu.memory_space<vmem>>, vector<1x2048x256xf32>
    %get3A_8 = vector.shape_cast %get3A_7 : vector<1x2048x256xf32> to vector<2048x256xf32>
    %slice3A = vector.extract_strided_slice %get3A_3 {offsets = [0, 0], sizes = [1024, 256], strides = [1, 1]} : vector<2048x256xf32> to vector<1024x256xf32>
    %slice3A_9 = vector.extract_strided_slice %get3A_3 {offsets = [1024, 0], sizes = [1024, 256], strides = [1, 1]} : vector<2048x256xf32> to vector<1024x256xf32>
    %slice3A_10 = vector.extract_strided_slice %get3A_8 {offsets = [0, 0], sizes = [1024, 256], strides = [1, 1]} : vector<2048x256xf32> to vector<1024x256xf32>
    %slice3A_11 = vector.extract_strided_slice %get3A_8 {offsets = [1024, 0], sizes = [1024, 256], strides = [1, 1]} : vector<2048x256xf32> to vector<1024x256xf32>
    %get3A_12 = arith.constant 0 : index
    %get3A_13 = arith.constant 0 : index
    %get3A_14 = vector.load %arg4[%get3A_12, %get3A_13] : memref<256x4xf32, #tpu.memory_space<vmem>>, vector<256x4xf32>
    %mul3A = arith.mulf %slice3A, %slice3A_10 : vector<1024x256xf32>
    %dot_general3A = arith.constant dense<0.000000e+00> : vector<1024x4xf32>
    %dot_general3A_15 = tpu.matmul %mul3A, %get3A_14, %dot_general3A {dimension_numbers = #tpu.dot_dimension_numbers<[1], [0], [0], [1], [0, 0, 1, 1], [], []>, precision = #tpu.contract_precision<fp32>, transpose_lhs_hint = false} : vector<1024x256xf32>, vector<256x4xf32>, vector<1024x4xf32> -> vector<1024x4xf32>
    %mul3A_16 = arith.mulf %slice3A_9, %slice3A_11 : vector<1024x256xf32>
    %dot_general3A_17 = arith.constant dense<0.000000e+00> : vector<1024x4xf32>
    %dot_general3A_18 = tpu.matmul %mul3A_16, %get3A_14, %dot_general3A_17 {dimension_numbers = #tpu.dot_dimension_numbers<[1], [0], [0], [1], [0, 0, 1, 1], [], []>, precision = #tpu.contract_precision<fp32>, transpose_lhs_hint = false} : vector<1024x256xf32>, vector<256x4xf32>, vector<1024x4xf32> -> vector<1024x4xf32>
    %mul3A_19 = arith.mulf %slice3A, %slice3A_11 : vector<1024x256xf32>
    %mul3A_20 = arith.mulf %slice3A_9, %slice3A_10 : vector<1024x256xf32>
    %sub3A = arith.subf %mul3A_19, %mul3A_20 : vector<1024x256xf32>
    %dot_general3A_21 = arith.constant dense<0.000000e+00> : vector<1024x4xf32>
    %dot_general3A_22 = tpu.matmul %sub3A, %get3A_14, %dot_general3A_21 {dimension_numbers = #tpu.dot_dimension_numbers<[1], [0], [0], [1], [0, 0, 1, 1], [], []>, precision = #tpu.contract_precision<fp32>, transpose_lhs_hint = false} : vector<1024x256xf32>, vector<256x4xf32>, vector<1024x4xf32> -> vector<1024x4xf32>
    %iota3A = tpu.iota {dimensions = array<i32: 0>} : vector<1024x4xi32>
    %eq3A = arith.constant 0 : i32
    %eq3A_23 = vector.broadcast %eq3A : i32 to vector<1024x4xi32>
    %eq3A_24 = arith.cmpi eq, %iota3A, %eq3A_23 : vector<1024x4xi32>
    %add3A = arith.addf %dot_general3A_15, %dot_general3A_18 : vector<1024x4xf32>
    %select_n3A = arith.select %eq3A_24, %dot_general3A_15, %add3A : vector<1024x4xi1>, vector<1024x4xf32>
    %select_n3A_25 = arith.select %eq3A_24, %dot_general3A_18, %dot_general3A_22 : vector<1024x4xi1>, vector<1024x4xf32>
    %concatenate3A = tpu.concatenate %select_n3A, %select_n3A_25 in 0 : vector<1024x4xf32>, vector<1024x4xf32> -> vector<2048x4xf32>
    %swap3A = arith.constant 0 : index
    %swap3A_26 = arith.constant 0 : index
    %swap3A_27 = arith.constant 0 : index
    %swap3A_28 = arith.constant 0 : index
    %swap3A_29 = vector.load %arg5[%swap3A, %swap3A_26, %swap3A_27, %swap3A_28] : memref<1x1x2048x4xf32, #tpu.memory_space<vmem>>, vector<1x1x2048x4xf32>
    %swap3A_30 = vector.shape_cast %swap3A_29 : vector<1x1x2048x4xf32> to vector<2048x4xf32>
    %swap3A_31 = vector.shape_cast %concatenate3A : vector<2048x4xf32> to vector<1x1x2048x4xf32>
    tpu.vector_store %arg5[%swap3A, %swap3A_26, %swap3A_27, %swap3A_28], %swap3A_31 {strides = array<i32>} : memref<1x1x2048x4xf32, #tpu.memory_space<vmem>>, vector<1x1x2048x4xf32>,
    return
  }
  func.func @transform_0(%arg0: i32, %arg1: i32) -> (i32, i32, i32) {
    %c0_i32 = arith.constant 0 : i32
    %c0_i32_0 = arith.constant 0 : i32
    return %arg0, %c0_i32, %arg1 : i32, i32, i32
  }
  func.func @transform_1(%arg0: i32, %arg1: i32) -> (i32, i32, i32) {
    %add3A = arith.constant 4 : i32
    %add3A_0 = arith.addi %arg1, %add3A : i32
    %c0_i32 = arith.constant 0 : i32
    %c0_i32_1 = arith.constant 0 : i32
    return %arg0, %c0_i32, %add3A_0 : i32, i32, i32
  }
  func.func @transform_2(%arg0: i32, %arg1: i32) -> (i32, i32) {
    %c0_i32 = arith.constant 0 : i32
    %c0_i32_0 = arith.constant 0 : i32
    %c0_i32_1 = arith.constant 0 : i32
    return %c0_i32, %c0_i32_0 : i32, i32
  }
  func.func @transform_3(%arg0: i32, %arg1: i32) -> (i32, i32, i32, i32) {
    %c0_i32 = arith.constant 0 : i32
    %c0_i32_0 = arith.constant 0 : i32
    %c0_i32_1 = arith.constant 0 : i32
    return %arg0, %arg1, %c0_i32, %c0_i32_0 : i32, i32, i32, i32
  }
}

module attributes {stable_mosaic.version = 14 : i64} {
  func.func @_inv_body(%arg0: i32, %arg1: memref<2x4x2048x4xf32, #tpu.memory_space<vmem>>, %arg2: memref<256x2048xf32, #tpu.memory_space<vmem>>, %arg3: memref<32x256xf32, #tpu.memory_space<vmem>>) attributes {dimension_semantics = [#tpu.dimension_semantics<arbitrary>], iteration_bounds = array<i64: 8>, scalar_prefetch = 0 : i64, scratch_operands = 0 : i64, tpu.core_type = #tpu.core_type<tc>, window_params = [{pipeline_mode = #tpu.pipeline_mode<synchronous>, transform_indices = @transform_0, window_bounds = array<i64: 2, 4, 2048, 4>}, {transform_indices = @transform_1, window_bounds = array<i64: 256, 2048>}, {transform_indices = @transform_2, window_bounds = array<i64: 32, 256>}]} {
    %get3A = arith.constant 0 : index
    %get3A_0 = arith.constant 0 : index
    %get3A_1 = vector.load %arg2[%get3A, %get3A_0] : memref<256x2048xf32, #tpu.memory_space<vmem>>, vector<256x2048xf32>
    %get3A_2 = arith.constant 0 : index
    %get3A_3 = arith.constant 0 : index
    %get3A_4 = arith.constant 0 : index
    %get3A_5 = arith.constant 0 : index
    %get3A_6 = vector.load %arg1[%get3A_2, %get3A_3, %get3A_4, %get3A_5] : memref<2x4x2048x4xf32, #tpu.memory_space<vmem>>, vector<1x1x2048x4xf32>
    %get3A_7 = vector.shape_cast %get3A_6 : vector<1x1x2048x4xf32> to vector<2048x4xf32>
    %get3A_8 = arith.constant 0 : index
    %get3A_9 = arith.constant 1 : index
    %get3A_10 = arith.constant 0 : index
    %get3A_11 = arith.constant 0 : index
    %get3A_12 = vector.load %arg1[%get3A_8, %get3A_9, %get3A_10, %get3A_11] : memref<2x4x2048x4xf32, #tpu.memory_space<vmem>>, vector<1x1x2048x4xf32>
    %get3A_13 = vector.shape_cast %get3A_12 : vector<1x1x2048x4xf32> to vector<2048x4xf32>
    %get3A_14 = arith.constant 0 : index
    %get3A_15 = arith.constant 2 : index
    %get3A_16 = arith.constant 0 : index
    %get3A_17 = arith.constant 0 : index
    %get3A_18 = vector.load %arg1[%get3A_14, %get3A_15, %get3A_16, %get3A_17] : memref<2x4x2048x4xf32, #tpu.memory_space<vmem>>, vector<1x1x2048x4xf32>
    %get3A_19 = vector.shape_cast %get3A_18 : vector<1x1x2048x4xf32> to vector<2048x4xf32>
    %get3A_20 = arith.constant 0 : index
    %get3A_21 = arith.constant 3 : index
    %get3A_22 = arith.constant 0 : index
    %get3A_23 = arith.constant 0 : index
    %get3A_24 = vector.load %arg1[%get3A_20, %get3A_21, %get3A_22, %get3A_23] : memref<2x4x2048x4xf32, #tpu.memory_space<vmem>>, vector<1x1x2048x4xf32>
    %get3A_25 = vector.shape_cast %get3A_24 : vector<1x1x2048x4xf32> to vector<2048x4xf32>
    %get3A_26 = arith.constant 1 : index
    %get3A_27 = arith.constant 0 : index
    %get3A_28 = arith.constant 0 : index
    %get3A_29 = arith.constant 0 : index
    %get3A_30 = vector.load %arg1[%get3A_26, %get3A_27, %get3A_28, %get3A_29] : memref<2x4x2048x4xf32, #tpu.memory_space<vmem>>, vector<1x1x2048x4xf32>
    %get3A_31 = vector.shape_cast %get3A_30 : vector<1x1x2048x4xf32> to vector<2048x4xf32>
    %get3A_32 = arith.constant 1 : index
    %get3A_33 = arith.constant 1 : index
    %get3A_34 = arith.constant 0 : index
    %get3A_35 = arith.constant 0 : index
    %get3A_36 = vector.load %arg1[%get3A_32, %get3A_33, %get3A_34, %get3A_35] : memref<2x4x2048x4xf32, #tpu.memory_space<vmem>>, vector<1x1x2048x4xf32>
    %get3A_37 = vector.shape_cast %get3A_36 : vector<1x1x2048x4xf32> to vector<2048x4xf32>
    %get3A_38 = arith.constant 1 : index
    %get3A_39 = arith.constant 2 : index
    %get3A_40 = arith.constant 0 : index
    %get3A_41 = arith.constant 0 : index
    %get3A_42 = vector.load %arg1[%get3A_38, %get3A_39, %get3A_40, %get3A_41] : memref<2x4x2048x4xf32, #tpu.memory_space<vmem>>, vector<1x1x2048x4xf32>
    %get3A_43 = vector.shape_cast %get3A_42 : vector<1x1x2048x4xf32> to vector<2048x4xf32>
    %get3A_44 = arith.constant 1 : index
    %get3A_45 = arith.constant 3 : index
    %get3A_46 = arith.constant 0 : index
    %get3A_47 = arith.constant 0 : index
    %get3A_48 = vector.load %arg1[%get3A_44, %get3A_45, %get3A_46, %get3A_47] : memref<2x4x2048x4xf32, #tpu.memory_space<vmem>>, vector<1x1x2048x4xf32>
    %get3A_49 = vector.shape_cast %get3A_48 : vector<1x1x2048x4xf32> to vector<2048x4xf32>
    %concatenate3A = tpu.concatenate %get3A_7, %get3A_13, %get3A_19, %get3A_25, %get3A_31, %get3A_37, %get3A_43, %get3A_49 in 1 : vector<2048x4xf32>, vector<2048x4xf32>, vector<2048x4xf32>, vector<2048x4xf32>, vector<2048x4xf32>, vector<2048x4xf32>, vector<2048x4xf32>, vector<2048x4xf32> -> vector<2048x32xf32>
    %dot_general3A = arith.constant dense<0.000000e+00> : vector<256x32xf32>
    %dot_general3A_50 = tpu.matmul %get3A_1, %concatenate3A, %dot_general3A {dimension_numbers = #tpu.dot_dimension_numbers<[1], [0], [0], [1], [0, 0, 1, 1], [], []>, precision = #tpu.contract_precision<fp32>, transpose_lhs_hint = false} : vector<256x2048xf32>, vector<2048x32xf32>, vector<256x32xf32> -> vector<256x32xf32>
    %mul3A = arith.constant 1.562500e-02 : f32
    %mul3A_51 = vector.broadcast %mul3A : f32 to vector<256x32xf32>
    %mul3A_52 = arith.mulf %dot_general3A_50, %mul3A_51 : vector<256x32xf32>
    %transpose3A = tpu.transpose %mul3A_52, [1, 0] : vector<256x32xf32> -> vector<32x256xf32>
    %swap3A = arith.constant 0 : index
    %swap3A_53 = arith.constant 0 : index
    %swap3A_54 = vector.load %arg3[%swap3A, %swap3A_53] : memref<32x256xf32, #tpu.memory_space<vmem>>, vector<32x256xf32>
    tpu.vector_store %arg3[%swap3A, %swap3A_53], %transpose3A {strides = array<i32>} : memref<32x256xf32, #tpu.memory_space<vmem>>, vector<32x256xf32>,
    return
  }
  func.func @transform_0(%arg0: i32) -> (i32, i32, i32, i32) {
    %c0_i32 = arith.constant 0 : i32
    %c0_i32_0 = arith.constant 0 : i32
    %c0_i32_1 = arith.constant 0 : i32
    %c0_i32_2 = arith.constant 0 : i32
    %c0_i32_3 = arith.constant 0 : i32
    return %c0_i32, %c0_i32_0, %c0_i32_1, %c0_i32_2 : i32, i32, i32, i32
  }
  func.func @transform_1(%arg0: i32) -> (i32, i32) {
    %c0_i32 = arith.constant 0 : i32
    %c0_i32_0 = arith.constant 0 : i32
    return %arg0, %c0_i32 : i32, i32
  }
  func.func @transform_2(%arg0: i32) -> (i32, i32) {
    %c0_i32 = arith.constant 0 : i32
    %c0_i32_0 = arith.constant 0 : i32
    return %c0_i32, %arg0 : i32, i32
  }
}

module attributes {stable_mosaic.version = 14 : i64} {
  func.func @_agg_body(%arg0: i32, %arg1: i32, %arg2: memref<32x16xi32, #tpu.memory_space<smem>>, %arg3: memref<32x16xf32, #tpu.memory_space<smem>>, %arg4: memref<2048x128xf32, #tpu.memory_space<vmem>>, %arg5: memref<2048x128xf32, #tpu.memory_space<vmem>>, %arg6: memref<4096x64xf32, #tpu.memory_space<vmem>>, %arg7: memref<4096x64xf32, #tpu.memory_space<vmem>>) attributes {dimension_semantics = [#tpu.dimension_semantics<arbitrary>, #tpu.dimension_semantics<arbitrary>], iteration_bounds = array<i64: 2, 8>, scalar_prefetch = 2 : i64, scratch_operands = 2 : i64, tpu.core_type = #tpu.core_type<tc>, window_params = [{transform_indices = @transform_0, window_bounds = array<i64: 2048, 128>}, {transform_indices = @transform_1, window_bounds = array<i64: 2048, 128>}]} {
    %get3A = arith.constant 0 : index
    %get3A_0 = arith.constant 0 : index
    %get3A_1 = vector.load %arg4[%get3A, %get3A_0] : memref<2048x128xf32, #tpu.memory_space<vmem>>, vector<2048x128xf32>
    %slice3A = vector.extract_strided_slice %get3A_1 {offsets = [0, 0], sizes = [2048, 64], strides = [1, 1]} : vector<2048x128xf32> to vector<2048x64xf32>
    %swap3A = arith.constant 0 : index
    %swap3A_2 = arith.constant 0 : index
    %swap3A_3 = vector.load %arg6[%swap3A, %swap3A_2] : memref<4096x64xf32, #tpu.memory_space<vmem>>, vector<2048x64xf32>
    tpu.vector_store %arg6[%swap3A, %swap3A_2], %slice3A {strides = array<i32>} : memref<4096x64xf32, #tpu.memory_space<vmem>>, vector<2048x64xf32>,
    %slice3A_4 = vector.extract_strided_slice %get3A_1 {offsets = [0, 0], sizes = [2048, 64], strides = [1, 1]} : vector<2048x128xf32> to vector<2048x64xf32>
    %swap3A_5 = arith.constant 2048 : index
    %swap3A_6 = arith.constant 0 : index
    %swap3A_7 = vector.load %arg6[%swap3A_5, %swap3A_6] : memref<4096x64xf32, #tpu.memory_space<vmem>>, vector<2048x64xf32>
    tpu.vector_store %arg6[%swap3A_5, %swap3A_6], %slice3A_4 {strides = array<i32>} : memref<4096x64xf32, #tpu.memory_space<vmem>>, vector<2048x64xf32>,
    %slice3A_8 = vector.extract_strided_slice %get3A_1 {offsets = [0, 64], sizes = [2048, 64], strides = [1, 1]} : vector<2048x128xf32> to vector<2048x64xf32>
    %swap3A_9 = arith.constant 0 : index
    %swap3A_10 = arith.constant 0 : index
    %swap3A_11 = vector.load %arg7[%swap3A_9, %swap3A_10] : memref<4096x64xf32, #tpu.memory_space<vmem>>, vector<2048x64xf32>
    tpu.vector_store %arg7[%swap3A_9, %swap3A_10], %slice3A_8 {strides = array<i32>} : memref<4096x64xf32, #tpu.memory_space<vmem>>, vector<2048x64xf32>,
    %slice3A_12 = vector.extract_strided_slice %get3A_1 {offsets = [0, 64], sizes = [2048, 64], strides = [1, 1]} : vector<2048x128xf32> to vector<2048x64xf32>
    %swap3A_13 = arith.constant 2048 : index
    %swap3A_14 = arith.constant 0 : index
    %swap3A_15 = vector.load %arg7[%swap3A_13, %swap3A_14] : memref<4096x64xf32, #tpu.memory_space<vmem>>, vector<2048x64xf32>
    tpu.vector_store %arg7[%swap3A_13, %swap3A_14], %slice3A_12 {strides = array<i32>} : memref<4096x64xf32, #tpu.memory_space<vmem>>, vector<2048x64xf32>,
    %mul3A = arith.constant 16 : i32
    %mul3A_16 = arith.muli %arg0, %mul3A : i32
    %mul3A_17 = arith.constant 2 : i32
    %mul3A_18 = arith.muli %mul3A_17, %arg1 : i32
    %add3A = arith.addi %mul3A_16, %mul3A_18 : i32
    %broadcast_in_dim3A = arith.constant 0.000000e+00 : f32
    %broadcast_in_dim3A_19 = vector.broadcast %broadcast_in_dim3A : f32 to vector<2048x64xf32>
    %broadcast_in_dim3A_20 = arith.constant 0.000000e+00 : f32
    %broadcast_in_dim3A_21 = vector.broadcast %broadcast_in_dim3A_20 : f32 to vector<2048x64xf32>
    %get3A_22 = arith.index_cast %add3A : i32 to index
    %get3A_23 = arith.constant 0 : index
    %get3A_24 = memref.load %arg2[%get3A_22, %get3A_23] : memref<32x16xi32, #tpu.memory_space<smem>>
    %get3A_25 = arith.index_cast %add3A : i32 to index
    %get3A_26 = arith.constant 0 : index
    %get3A_27 = memref.load %arg3[%get3A_25, %get3A_26] : memref<32x16xf32, #tpu.memory_space<smem>>
    %add3A_28 = arith.constant 1 : i32
    %add3A_29 = arith.addi %add3A, %add3A_28 : i32
    %get3A_30 = arith.index_cast %add3A_29 : i32 to index
    %get3A_31 = arith.constant 0 : index
    %get3A_32 = memref.load %arg2[%get3A_30, %get3A_31] : memref<32x16xi32, #tpu.memory_space<smem>>
    %add3A_33 = arith.constant 1 : i32
    %add3A_34 = arith.addi %add3A, %add3A_33 : i32
    %get3A_35 = arith.index_cast %add3A_34 : i32 to index
    %get3A_36 = arith.constant 0 : index
    %get3A_37 = memref.load %arg3[%get3A_35, %get3A_36] : memref<32x16xf32, #tpu.memory_space<smem>>
    %sub3A = arith.constant 2048 : i32
    %sub3A_38 = arith.subi %sub3A, %get3A_24 : i32
    %get3A_39 = arith.index_cast %sub3A_38 : i32 to index
    %get3A_40 = arith.constant 0 : index
    %get3A_41 = vector.load %arg6[%get3A_39, %get3A_40] : memref<4096x64xf32, #tpu.memory_space<vmem>>, vector<2048x64xf32>
    %mul3A_42 = vector.broadcast %get3A_27 : f32 to vector<2048x64xf32>
    %mul3A_43 = arith.mulf %mul3A_42, %get3A_41 : vector<2048x64xf32>
    %add3A_44 = arith.addf %broadcast_in_dim3A_19, %mul3A_43 : vector<2048x64xf32>
    %sub3A_45 = arith.constant 2048 : i32
    %sub3A_46 = arith.subi %sub3A_45, %get3A_32 : i32
    %get3A_47 = arith.index_cast %sub3A_46 : i32 to index
    %get3A_48 = arith.constant 0 : index
    %get3A_49 = vector.load %arg7[%get3A_47, %get3A_48] : memref<4096x64xf32, #tpu.memory_space<vmem>>, vector<2048x64xf32>
    %mul3A_50 = vector.broadcast %get3A_37 : f32 to vector<2048x64xf32>
    %mul3A_51 = arith.mulf %mul3A_50, %get3A_49 : vector<2048x64xf32>
    %add3A_52 = arith.addf %broadcast_in_dim3A_21, %mul3A_51 : vector<2048x64xf32>
    %get3A_53 = arith.index_cast %add3A : i32 to index
    %get3A_54 = arith.constant 1 : index
    %get3A_55 = memref.load %arg2[%get3A_53, %get3A_54] : memref<32x16xi32, #tpu.memory_space<smem>>
    %get3A_56 = arith.index_cast %add3A : i32 to index
    %get3A_57 = arith.constant 1 : index
    %get3A_58 = memref.load %arg3[%get3A_56, %get3A_57] : memref<32x16xf32, #tpu.memory_space<smem>>
    %add3A_59 = arith.constant 1 : i32
    %add3A_60 = arith.addi %add3A, %add3A_59 : i32
    %get3A_61 = arith.index_cast %add3A_60 : i32 to index
    %get3A_62 = arith.constant 1 : index
    %get3A_63 = memref.load %arg2[%get3A_61, %get3A_62] : memref<32x16xi32, #tpu.memory_space<smem>>
    %add3A_64 = arith.constant 1 : i32
    %add3A_65 = arith.addi %add3A, %add3A_64 : i32
    %get3A_66 = arith.index_cast %add3A_65 : i32 to index
    %get3A_67 = arith.constant 1 : index
    %get3A_68 = memref.load %arg3[%get3A_66, %get3A_67] : memref<32x16xf32, #tpu.memory_space<smem>>
    %sub3A_69 = arith.constant 2048 : i32
    %sub3A_70 = arith.subi %sub3A_69, %get3A_55 : i32
    %get3A_71 = arith.index_cast %sub3A_70 : i32 to index
    %get3A_72 = arith.constant 0 : index
    %get3A_73 = vector.load %arg6[%get3A_71, %get3A_72] : memref<4096x64xf32, #tpu.memory_space<vmem>>, vector<2048x64xf32>
    %mul3A_74 = vector.broadcast %get3A_58 : f32 to vector<2048x64xf32>
    %mul3A_75 = arith.mulf %mul3A_74, %get3A_73 : vector<2048x64xf32>
    %add3A_76 = arith.addf %add3A_44, %mul3A_75 : vector<2048x64xf32>
    %sub3A_77 = arith.constant 2048 : i32
    %sub3A_78 = arith.subi %sub3A_77, %get3A_63 : i32
    %get3A_79 = arith.index_cast %sub3A_78 : i32 to index
    %get3A_80 = arith.constant 0 : index
    %get3A_81 = vector.load %arg7[%get3A_79, %get3A_80] : memref<4096x64xf32, #tpu.memory_space<vmem>>, vector<2048x64xf32>
    %mul3A_82 = vector.broadcast %get3A_68 : f32 to vector<2048x64xf32>
    %mul3A_83 = arith.mulf %mul3A_82, %get3A_81 : vector<2048x64xf32>
    %add3A_84 = arith.addf %add3A_52, %mul3A_83 : vector<2048x64xf32>
    %get3A_85 = arith.index_cast %add3A : i32 to index
    %get3A_86 = arith.constant 2 : index
    %get3A_87 = memref.load %arg2[%get3A_85, %get3A_86] : memref<32x16xi32, #tpu.memory_space<smem>>
    %get3A_88 = arith.index_cast %add3A : i32 to index
    %get3A_89 = arith.constant 2 : index
    %get3A_90 = memref.load %arg3[%get3A_88, %get3A_89] : memref<32x16xf32, #tpu.memory_space<smem>>
    %add3A_91 = arith.constant 1 : i32
    %add3A_92 = arith.addi %add3A, %add3A_91 : i32
    %get3A_93 = arith.index_cast %add3A_92 : i32 to index
    %get3A_94 = arith.constant 2 : index
    %get3A_95 = memref.load %arg2[%get3A_93, %get3A_94] : memref<32x16xi32, #tpu.memory_space<smem>>
    %add3A_96 = arith.constant 1 : i32
    %add3A_97 = arith.addi %add3A, %add3A_96 : i32
    %get3A_98 = arith.index_cast %add3A_97 : i32 to index
    %get3A_99 = arith.constant 2 : index
    %get3A_100 = memref.load %arg3[%get3A_98, %get3A_99] : memref<32x16xf32, #tpu.memory_space<smem>>
    %sub3A_101 = arith.constant 2048 : i32
    %sub3A_102 = arith.subi %sub3A_101, %get3A_87 : i32
    %get3A_103 = arith.index_cast %sub3A_102 : i32 to index
    %get3A_104 = arith.constant 0 : index
    %get3A_105 = vector.load %arg6[%get3A_103, %get3A_104] : memref<4096x64xf32, #tpu.memory_space<vmem>>, vector<2048x64xf32>
    %mul3A_106 = vector.broadcast %get3A_90 : f32 to vector<2048x64xf32>
    %mul3A_107 = arith.mulf %mul3A_106, %get3A_105 : vector<2048x64xf32>
    %add3A_108 = arith.addf %add3A_76, %mul3A_107 : vector<2048x64xf32>
    %sub3A_109 = arith.constant 2048 : i32
    %sub3A_110 = arith.subi %sub3A_109, %get3A_95 : i32
    %get3A_111 = arith.index_cast %sub3A_110 : i32 to index
    %get3A_112 = arith.constant 0 : index
    %get3A_113 = vector.load %arg7[%get3A_111, %get3A_112] : memref<4096x64xf32, #tpu.memory_space<vmem>>, vector<2048x64xf32>
    %mul3A_114 = vector.broadcast %get3A_100 : f32 to vector<2048x64xf32>
    %mul3A_115 = arith.mulf %mul3A_114, %get3A_113 : vector<2048x64xf32>
    %add3A_116 = arith.addf %add3A_84, %mul3A_115 : vector<2048x64xf32>
    %get3A_117 = arith.index_cast %add3A : i32 to index
    %get3A_118 = arith.constant 3 : index
    %get3A_119 = memref.load %arg2[%get3A_117, %get3A_118] : memref<32x16xi32, #tpu.memory_space<smem>>
    %get3A_120 = arith.index_cast %add3A : i32 to index
    %get3A_121 = arith.constant 3 : index
    %get3A_122 = memref.load %arg3[%get3A_120, %get3A_121] : memref<32x16xf32, #tpu.memory_space<smem>>
    %add3A_123 = arith.constant 1 : i32
    %add3A_124 = arith.addi %add3A, %add3A_123 : i32
    %get3A_125 = arith.index_cast %add3A_124 : i32 to index
    %get3A_126 = arith.constant 3 : index
    %get3A_127 = memref.load %arg2[%get3A_125, %get3A_126] : memref<32x16xi32, #tpu.memory_space<smem>>
    %add3A_128 = arith.constant 1 : i32
    %add3A_129 = arith.addi %add3A, %add3A_128 : i32
    %get3A_130 = arith.index_cast %add3A_129 : i32 to index
    %get3A_131 = arith.constant 3 : index
    %get3A_132 = memref.load %arg3[%get3A_130, %get3A_131] : memref<32x16xf32, #tpu.memory_space<smem>>
    %sub3A_133 = arith.constant 2048 : i32
    %sub3A_134 = arith.subi %sub3A_133, %get3A_119 : i32
    %get3A_135 = arith.index_cast %sub3A_134 : i32 to index
    %get3A_136 = arith.constant 0 : index
    %get3A_137 = vector.load %arg6[%get3A_135, %get3A_136] : memref<4096x64xf32, #tpu.memory_space<vmem>>, vector<2048x64xf32>
    %mul3A_138 = vector.broadcast %get3A_122 : f32 to vector<2048x64xf32>
    %mul3A_139 = arith.mulf %mul3A_138, %get3A_137 : vector<2048x64xf32>
    %add3A_140 = arith.addf %add3A_108, %mul3A_139 : vector<2048x64xf32>
    %sub3A_141 = arith.constant 2048 : i32
    %sub3A_142 = arith.subi %sub3A_141, %get3A_127 : i32
    %get3A_143 = arith.index_cast %sub3A_142 : i32 to index
    %get3A_144 = arith.constant 0 : index
    %get3A_145 = vector.load %arg7[%get3A_143, %get3A_144] : memref<4096x64xf32, #tpu.memory_space<vmem>>, vector<2048x64xf32>
    %mul3A_146 = vector.broadcast %get3A_132 : f32 to vector<2048x64xf32>
    %mul3A_147 = arith.mulf %mul3A_146, %get3A_145 : vector<2048x64xf32>
    %add3A_148 = arith.addf %add3A_116, %mul3A_147 : vector<2048x64xf32>
    %get3A_149 = arith.index_cast %add3A : i32 to index
    %get3A_150 = arith.constant 4 : index
    %get3A_151 = memref.load %arg2[%get3A_149, %get3A_150] : memref<32x16xi32, #tpu.memory_space<smem>>
    %get3A_152 = arith.index_cast %add3A : i32 to index
    %get3A_153 = arith.constant 4 : index
    %get3A_154 = memref.load %arg3[%get3A_152, %get3A_153] : memref<32x16xf32, #tpu.memory_space<smem>>
    %add3A_155 = arith.constant 1 : i32
    %add3A_156 = arith.addi %add3A, %add3A_155 : i32
    %get3A_157 = arith.index_cast %add3A_156 : i32 to index
    %get3A_158 = arith.constant 4 : index
    %get3A_159 = memref.load %arg2[%get3A_157, %get3A_158] : memref<32x16xi32, #tpu.memory_space<smem>>
    %add3A_160 = arith.constant 1 : i32
    %add3A_161 = arith.addi %add3A, %add3A_160 : i32
    %get3A_162 = arith.index_cast %add3A_161 : i32 to index
    %get3A_163 = arith.constant 4 : index
    %get3A_164 = memref.load %arg3[%get3A_162, %get3A_163] : memref<32x16xf32, #tpu.memory_space<smem>>
    %sub3A_165 = arith.constant 2048 : i32
    %sub3A_166 = arith.subi %sub3A_165, %get3A_151 : i32
    %get3A_167 = arith.index_cast %sub3A_166 : i32 to index
    %get3A_168 = arith.constant 0 : index
    %get3A_169 = vector.load %arg6[%get3A_167, %get3A_168] : memref<4096x64xf32, #tpu.memory_space<vmem>>, vector<2048x64xf32>
    %mul3A_170 = vector.broadcast %get3A_154 : f32 to vector<2048x64xf32>
    %mul3A_171 = arith.mulf %mul3A_170, %get3A_169 : vector<2048x64xf32>
    %add3A_172 = arith.addf %add3A_140, %mul3A_171 : vector<2048x64xf32>
    %sub3A_173 = arith.constant 2048 : i32
    %sub3A_174 = arith.subi %sub3A_173, %get3A_159 : i32
    %get3A_175 = arith.index_cast %sub3A_174 : i32 to index
    %get3A_176 = arith.constant 0 : index
    %get3A_177 = vector.load %arg7[%get3A_175, %get3A_176] : memref<4096x64xf32, #tpu.memory_space<vmem>>, vector<2048x64xf32>
    %mul3A_178 = vector.broadcast %get3A_164 : f32 to vector<2048x64xf32>
    %mul3A_179 = arith.mulf %mul3A_178, %get3A_177 : vector<2048x64xf32>
    %add3A_180 = arith.addf %add3A_148, %mul3A_179 : vector<2048x64xf32>
    %get3A_181 = arith.index_cast %add3A : i32 to index
    %get3A_182 = arith.constant 5 : index
    %get3A_183 = memref.load %arg2[%get3A_181, %get3A_182] : memref<32x16xi32, #tpu.memory_space<smem>>
    %get3A_184 = arith.index_cast %add3A : i32 to index
    %get3A_185 = arith.constant 5 : index
    %get3A_186 = memref.load %arg3[%get3A_184, %get3A_185] : memref<32x16xf32, #tpu.memory_space<smem>>
    %add3A_187 = arith.constant 1 : i32
    %add3A_188 = arith.addi %add3A, %add3A_187 : i32
    %get3A_189 = arith.index_cast %add3A_188 : i32 to index
    %get3A_190 = arith.constant 5 : index
    %get3A_191 = memref.load %arg2[%get3A_189, %get3A_190] : memref<32x16xi32, #tpu.memory_space<smem>>
    %add3A_192 = arith.constant 1 : i32
    %add3A_193 = arith.addi %add3A, %add3A_192 : i32
    %get3A_194 = arith.index_cast %add3A_193 : i32 to index
    %get3A_195 = arith.constant 5 : index
    %get3A_196 = memref.load %arg3[%get3A_194, %get3A_195] : memref<32x16xf32, #tpu.memory_space<smem>>
    %sub3A_197 = arith.constant 2048 : i32
    %sub3A_198 = arith.subi %sub3A_197, %get3A_183 : i32
    %get3A_199 = arith.index_cast %sub3A_198 : i32 to index
    %get3A_200 = arith.constant 0 : index
    %get3A_201 = vector.load %arg6[%get3A_199, %get3A_200] : memref<4096x64xf32, #tpu.memory_space<vmem>>, vector<2048x64xf32>
    %mul3A_202 = vector.broadcast %get3A_186 : f32 to vector<2048x64xf32>
    %mul3A_203 = arith.mulf %mul3A_202, %get3A_201 : vector<2048x64xf32>
    %add3A_204 = arith.addf %add3A_172, %mul3A_203 : vector<2048x64xf32>
    %sub3A_205 = arith.constant 2048 : i32
    %sub3A_206 = arith.subi %sub3A_205, %get3A_191 : i32
    %get3A_207 = arith.index_cast %sub3A_206 : i32 to index
    %get3A_208 = arith.constant 0 : index
    %get3A_209 = vector.load %arg7[%get3A_207, %get3A_208] : memref<4096x64xf32, #tpu.memory_space<vmem>>, vector<2048x64xf32>
    %mul3A_210 = vector.broadcast %get3A_196 : f32 to vector<2048x64xf32>
    %mul3A_211 = arith.mulf %mul3A_210, %get3A_209 : vector<2048x64xf32>
    %add3A_212 = arith.addf %add3A_180, %mul3A_211 : vector<2048x64xf32>
    %get3A_213 = arith.index_cast %add3A : i32 to index
    %get3A_214 = arith.constant 6 : index
    %get3A_215 = memref.load %arg2[%get3A_213, %get3A_214] : memref<32x16xi32, #tpu.memory_space<smem>>
    %get3A_216 = arith.index_cast %add3A : i32 to index
    %get3A_217 = arith.constant 6 : index
    %get3A_218 = memref.load %arg3[%get3A_216, %get3A_217] : memref<32x16xf32, #tpu.memory_space<smem>>
    %add3A_219 = arith.constant 1 : i32
    %add3A_220 = arith.addi %add3A, %add3A_219 : i32
    %get3A_221 = arith.index_cast %add3A_220 : i32 to index
    %get3A_222 = arith.constant 6 : index
    %get3A_223 = memref.load %arg2[%get3A_221, %get3A_222] : memref<32x16xi32, #tpu.memory_space<smem>>
    %add3A_224 = arith.constant 1 : i32
    %add3A_225 = arith.addi %add3A, %add3A_224 : i32
    %get3A_226 = arith.index_cast %add3A_225 : i32 to index
    %get3A_227 = arith.constant 6 : index
    %get3A_228 = memref.load %arg3[%get3A_226, %get3A_227] : memref<32x16xf32, #tpu.memory_space<smem>>
    %sub3A_229 = arith.constant 2048 : i32
    %sub3A_230 = arith.subi %sub3A_229, %get3A_215 : i32
    %get3A_231 = arith.index_cast %sub3A_230 : i32 to index
    %get3A_232 = arith.constant 0 : index
    %get3A_233 = vector.load %arg6[%get3A_231, %get3A_232] : memref<4096x64xf32, #tpu.memory_space<vmem>>, vector<2048x64xf32>
    %mul3A_234 = vector.broadcast %get3A_218 : f32 to vector<2048x64xf32>
    %mul3A_235 = arith.mulf %mul3A_234, %get3A_233 : vector<2048x64xf32>
    %add3A_236 = arith.addf %add3A_204, %mul3A_235 : vector<2048x64xf32>
    %sub3A_237 = arith.constant 2048 : i32
    %sub3A_238 = arith.subi %sub3A_237, %get3A_223 : i32
    %get3A_239 = arith.index_cast %sub3A_238 : i32 to index
    %get3A_240 = arith.constant 0 : index
    %get3A_241 = vector.load %arg7[%get3A_239, %get3A_240] : memref<4096x64xf32, #tpu.memory_space<vmem>>, vector<2048x64xf32>
    %mul3A_242 = vector.broadcast %get3A_228 : f32 to vector<2048x64xf32>
    %mul3A_243 = arith.mulf %mul3A_242, %get3A_241 : vector<2048x64xf32>
    %add3A_244 = arith.addf %add3A_212, %mul3A_243 : vector<2048x64xf32>
    %get3A_245 = arith.index_cast %add3A : i32 to index
    %get3A_246 = arith.constant 7 : index
    %get3A_247 = memref.load %arg2[%get3A_245, %get3A_246] : memref<32x16xi32, #tpu.memory_space<smem>>
    %get3A_248 = arith.index_cast %add3A : i32 to index
    %get3A_249 = arith.constant 7 : index
    %get3A_250 = memref.load %arg3[%get3A_248, %get3A_249] : memref<32x16xf32, #tpu.memory_space<smem>>
    %add3A_251 = arith.constant 1 : i32
    %add3A_252 = arith.addi %add3A, %add3A_251 : i32
    %get3A_253 = arith.index_cast %add3A_252 : i32 to index
    %get3A_254 = arith.constant 7 : index
    %get3A_255 = memref.load %arg2[%get3A_253, %get3A_254] : memref<32x16xi32, #tpu.memory_space<smem>>
    %add3A_256 = arith.constant 1 : i32
    %add3A_257 = arith.addi %add3A, %add3A_256 : i32
    %get3A_258 = arith.index_cast %add3A_257 : i32 to index
    %get3A_259 = arith.constant 7 : index
    %get3A_260 = memref.load %arg3[%get3A_258, %get3A_259] : memref<32x16xf32, #tpu.memory_space<smem>>
    %sub3A_261 = arith.constant 2048 : i32
    %sub3A_262 = arith.subi %sub3A_261, %get3A_247 : i32
    %get3A_263 = arith.index_cast %sub3A_262 : i32 to index
    %get3A_264 = arith.constant 0 : index
    %get3A_265 = vector.load %arg6[%get3A_263, %get3A_264] : memref<4096x64xf32, #tpu.memory_space<vmem>>, vector<2048x64xf32>
    %mul3A_266 = vector.broadcast %get3A_250 : f32 to vector<2048x64xf32>
    %mul3A_267 = arith.mulf %mul3A_266, %get3A_265 : vector<2048x64xf32>
    %add3A_268 = arith.addf %add3A_236, %mul3A_267 : vector<2048x64xf32>
    %sub3A_269 = arith.constant 2048 : i32
    %sub3A_270 = arith.subi %sub3A_269, %get3A_255 : i32
    %get3A_271 = arith.index_cast %sub3A_270 : i32 to index
    %get3A_272 = arith.constant 0 : index
    %get3A_273 = vector.load %arg7[%get3A_271, %get3A_272] : memref<4096x64xf32, #tpu.memory_space<vmem>>, vector<2048x64xf32>
    %mul3A_274 = vector.broadcast %get3A_260 : f32 to vector<2048x64xf32>
    %mul3A_275 = arith.mulf %mul3A_274, %get3A_273 : vector<2048x64xf32>
    %add3A_276 = arith.addf %add3A_244, %mul3A_275 : vector<2048x64xf32>
    %get3A_277 = arith.index_cast %add3A : i32 to index
    %get3A_278 = arith.constant 8 : index
    %get3A_279 = memref.load %arg2[%get3A_277, %get3A_278] : memref<32x16xi32, #tpu.memory_space<smem>>
    %get3A_280 = arith.index_cast %add3A : i32 to index
    %get3A_281 = arith.constant 8 : index
    %get3A_282 = memref.load %arg3[%get3A_280, %get3A_281] : memref<32x16xf32, #tpu.memory_space<smem>>
    %add3A_283 = arith.constant 1 : i32
    %add3A_284 = arith.addi %add3A, %add3A_283 : i32
    %get3A_285 = arith.index_cast %add3A_284 : i32 to index
    %get3A_286 = arith.constant 8 : index
    %get3A_287 = memref.load %arg2[%get3A_285, %get3A_286] : memref<32x16xi32, #tpu.memory_space<smem>>
    %add3A_288 = arith.constant 1 : i32
    %add3A_289 = arith.addi %add3A, %add3A_288 : i32
    %get3A_290 = arith.index_cast %add3A_289 : i32 to index
    %get3A_291 = arith.constant 8 : index
    %get3A_292 = memref.load %arg3[%get3A_290, %get3A_291] : memref<32x16xf32, #tpu.memory_space<smem>>
    %sub3A_293 = arith.constant 2048 : i32
    %sub3A_294 = arith.subi %sub3A_293, %get3A_279 : i32
    %get3A_295 = arith.index_cast %sub3A_294 : i32 to index
    %get3A_296 = arith.constant 0 : index
    %get3A_297 = vector.load %arg6[%get3A_295, %get3A_296] : memref<4096x64xf32, #tpu.memory_space<vmem>>, vector<2048x64xf32>
    %mul3A_298 = vector.broadcast %get3A_282 : f32 to vector<2048x64xf32>
    %mul3A_299 = arith.mulf %mul3A_298, %get3A_297 : vector<2048x64xf32>
    %add3A_300 = arith.addf %add3A_268, %mul3A_299 : vector<2048x64xf32>
    %sub3A_301 = arith.constant 2048 : i32
    %sub3A_302 = arith.subi %sub3A_301, %get3A_287 : i32
    %get3A_303 = arith.index_cast %sub3A_302 : i32 to index
    %get3A_304 = arith.constant 0 : index
    %get3A_305 = vector.load %arg7[%get3A_303, %get3A_304] : memref<4096x64xf32, #tpu.memory_space<vmem>>, vector<2048x64xf32>
    %mul3A_306 = vector.broadcast %get3A_292 : f32 to vector<2048x64xf32>
    %mul3A_307 = arith.mulf %mul3A_306, %get3A_305 : vector<2048x64xf32>
    %add3A_308 = arith.addf %add3A_276, %mul3A_307 : vector<2048x64xf32>
    %get3A_309 = arith.index_cast %add3A : i32 to index
    %get3A_310 = arith.constant 9 : index
    %get3A_311 = memref.load %arg2[%get3A_309, %get3A_310] : memref<32x16xi32, #tpu.memory_space<smem>>
    %get3A_312 = arith.index_cast %add3A : i32 to index
    %get3A_313 = arith.constant 9 : index
    %get3A_314 = memref.load %arg3[%get3A_312, %get3A_313] : memref<32x16xf32, #tpu.memory_space<smem>>
    %add3A_315 = arith.constant 1 : i32
    %add3A_316 = arith.addi %add3A, %add3A_315 : i32
    %get3A_317 = arith.index_cast %add3A_316 : i32 to index
    %get3A_318 = arith.constant 9 : index
    %get3A_319 = memref.load %arg2[%get3A_317, %get3A_318] : memref<32x16xi32, #tpu.memory_space<smem>>
    %add3A_320 = arith.constant 1 : i32
    %add3A_321 = arith.addi %add3A, %add3A_320 : i32
    %get3A_322 = arith.index_cast %add3A_321 : i32 to index
    %get3A_323 = arith.constant 9 : index
    %get3A_324 = memref.load %arg3[%get3A_322, %get3A_323] : memref<32x16xf32, #tpu.memory_space<smem>>
    %sub3A_325 = arith.constant 2048 : i32
    %sub3A_326 = arith.subi %sub3A_325, %get3A_311 : i32
    %get3A_327 = arith.index_cast %sub3A_326 : i32 to index
    %get3A_328 = arith.constant 0 : index
    %get3A_329 = vector.load %arg6[%get3A_327, %get3A_328] : memref<4096x64xf32, #tpu.memory_space<vmem>>, vector<2048x64xf32>
    %mul3A_330 = vector.broadcast %get3A_314 : f32 to vector<2048x64xf32>
    %mul3A_331 = arith.mulf %mul3A_330, %get3A_329 : vector<2048x64xf32>
    %add3A_332 = arith.addf %add3A_300, %mul3A_331 : vector<2048x64xf32>
    %sub3A_333 = arith.constant 2048 : i32
    %sub3A_334 = arith.subi %sub3A_333, %get3A_319 : i32
    %get3A_335 = arith.index_cast %sub3A_334 : i32 to index
    %get3A_336 = arith.constant 0 : index
    %get3A_337 = vector.load %arg7[%get3A_335, %get3A_336] : memref<4096x64xf32, #tpu.memory_space<vmem>>, vector<2048x64xf32>
    %mul3A_338 = vector.broadcast %get3A_324 : f32 to vector<2048x64xf32>
    %mul3A_339 = arith.mulf %mul3A_338, %get3A_337 : vector<2048x64xf32>
    %add3A_340 = arith.addf %add3A_308, %mul3A_339 : vector<2048x64xf32>
    %get3A_341 = arith.index_cast %add3A : i32 to index
    %get3A_342 = arith.constant 10 : index
    %get3A_343 = memref.load %arg2[%get3A_341, %get3A_342] : memref<32x16xi32, #tpu.memory_space<smem>>
    %get3A_344 = arith.index_cast %add3A : i32 to index
    %get3A_345 = arith.constant 10 : index
    %get3A_346 = memref.load %arg3[%get3A_344, %get3A_345] : memref<32x16xf32, #tpu.memory_space<smem>>
    %add3A_347 = arith.constant 1 : i32
    %add3A_348 = arith.addi %add3A, %add3A_347 : i32
    %get3A_349 = arith.index_cast %add3A_348 : i32 to index
    %get3A_350 = arith.constant 10 : index
    %get3A_351 = memref.load %arg2[%get3A_349, %get3A_350] : memref<32x16xi32, #tpu.memory_space<smem>>
    %add3A_352 = arith.constant 1 : i32
    %add3A_353 = arith.addi %add3A, %add3A_352 : i32
    %get3A_354 = arith.index_cast %add3A_353 : i32 to index
    %get3A_355 = arith.constant 10 : index
    %get3A_356 = memref.load %arg3[%get3A_354, %get3A_355] : memref<32x16xf32, #tpu.memory_space<smem>>
    %sub3A_357 = arith.constant 2048 : i32
    %sub3A_358 = arith.subi %sub3A_357, %get3A_343 : i32
    %get3A_359 = arith.index_cast %sub3A_358 : i32 to index
    %get3A_360 = arith.constant 0 : index
    %get3A_361 = vector.load %arg6[%get3A_359, %get3A_360] : memref<4096x64xf32, #tpu.memory_space<vmem>>, vector<2048x64xf32>
    %mul3A_362 = vector.broadcast %get3A_346 : f32 to vector<2048x64xf32>
    %mul3A_363 = arith.mulf %mul3A_362, %get3A_361 : vector<2048x64xf32>
    %add3A_364 = arith.addf %add3A_332, %mul3A_363 : vector<2048x64xf32>
    %sub3A_365 = arith.constant 2048 : i32
    %sub3A_366 = arith.subi %sub3A_365, %get3A_351 : i32
    %get3A_367 = arith.index_cast %sub3A_366 : i32 to index
    %get3A_368 = arith.constant 0 : index
    %get3A_369 = vector.load %arg7[%get3A_367, %get3A_368] : memref<4096x64xf32, #tpu.memory_space<vmem>>, vector<2048x64xf32>
    %mul3A_370 = vector.broadcast %get3A_356 : f32 to vector<2048x64xf32>
    %mul3A_371 = arith.mulf %mul3A_370, %get3A_369 : vector<2048x64xf32>
    %add3A_372 = arith.addf %add3A_340, %mul3A_371 : vector<2048x64xf32>
    %get3A_373 = arith.index_cast %add3A : i32 to index
    %get3A_374 = arith.constant 11 : index
    %get3A_375 = memref.load %arg2[%get3A_373, %get3A_374] : memref<32x16xi32, #tpu.memory_space<smem>>
    %get3A_376 = arith.index_cast %add3A : i32 to index
    %get3A_377 = arith.constant 11 : index
    %get3A_378 = memref.load %arg3[%get3A_376, %get3A_377] : memref<32x16xf32, #tpu.memory_space<smem>>
    %add3A_379 = arith.constant 1 : i32
    %add3A_380 = arith.addi %add3A, %add3A_379 : i32
    %get3A_381 = arith.index_cast %add3A_380 : i32 to index
    %get3A_382 = arith.constant 11 : index
    %get3A_383 = memref.load %arg2[%get3A_381, %get3A_382] : memref<32x16xi32, #tpu.memory_space<smem>>
    %add3A_384 = arith.constant 1 : i32
    %add3A_385 = arith.addi %add3A, %add3A_384 : i32
    %get3A_386 = arith.index_cast %add3A_385 : i32 to index
    %get3A_387 = arith.constant 11 : index
    %get3A_388 = memref.load %arg3[%get3A_386, %get3A_387] : memref<32x16xf32, #tpu.memory_space<smem>>
    %sub3A_389 = arith.constant 2048 : i32
    %sub3A_390 = arith.subi %sub3A_389, %get3A_375 : i32
    %get3A_391 = arith.index_cast %sub3A_390 : i32 to index
    %get3A_392 = arith.constant 0 : index
    %get3A_393 = vector.load %arg6[%get3A_391, %get3A_392] : memref<4096x64xf32, #tpu.memory_space<vmem>>, vector<2048x64xf32>
    %mul3A_394 = vector.broadcast %get3A_378 : f32 to vector<2048x64xf32>
    %mul3A_395 = arith.mulf %mul3A_394, %get3A_393 : vector<2048x64xf32>
    %add3A_396 = arith.addf %add3A_364, %mul3A_395 : vector<2048x64xf32>
    %sub3A_397 = arith.constant 2048 : i32
    %sub3A_398 = arith.subi %sub3A_397, %get3A_383 : i32
    %get3A_399 = arith.index_cast %sub3A_398 : i32 to index
    %get3A_400 = arith.constant 0 : index
    %get3A_401 = vector.load %arg7[%get3A_399, %get3A_400] : memref<4096x64xf32, #tpu.memory_space<vmem>>, vector<2048x64xf32>
    %mul3A_402 = vector.broadcast %get3A_388 : f32 to vector<2048x64xf32>
    %mul3A_403 = arith.mulf %mul3A_402, %get3A_401 : vector<2048x64xf32>
    %add3A_404 = arith.addf %add3A_372, %mul3A_403 : vector<2048x64xf32>
    %get3A_405 = arith.index_cast %add3A : i32 to index
    %get3A_406 = arith.constant 12 : index
    %get3A_407 = memref.load %arg2[%get3A_405, %get3A_406] : memref<32x16xi32, #tpu.memory_space<smem>>
    %get3A_408 = arith.index_cast %add3A : i32 to index
    %get3A_409 = arith.constant 12 : index
    %get3A_410 = memref.load %arg3[%get3A_408, %get3A_409] : memref<32x16xf32, #tpu.memory_space<smem>>
    %add3A_411 = arith.constant 1 : i32
    %add3A_412 = arith.addi %add3A, %add3A_411 : i32
    %get3A_413 = arith.index_cast %add3A_412 : i32 to index
    %get3A_414 = arith.constant 12 : index
    %get3A_415 = memref.load %arg2[%get3A_413, %get3A_414] : memref<32x16xi32, #tpu.memory_space<smem>>
    %add3A_416 = arith.constant 1 : i32
    %add3A_417 = arith.addi %add3A, %add3A_416 : i32
    %get3A_418 = arith.index_cast %add3A_417 : i32 to index
    %get3A_419 = arith.constant 12 : index
    %get3A_420 = memref.load %arg3[%get3A_418, %get3A_419] : memref<32x16xf32, #tpu.memory_space<smem>>
    %sub3A_421 = arith.constant 2048 : i32
    %sub3A_422 = arith.subi %sub3A_421, %get3A_407 : i32
    %get3A_423 = arith.index_cast %sub3A_422 : i32 to index
    %get3A_424 = arith.constant 0 : index
    %get3A_425 = vector.load %arg6[%get3A_423, %get3A_424] : memref<4096x64xf32, #tpu.memory_space<vmem>>, vector<2048x64xf32>
    %mul3A_426 = vector.broadcast %get3A_410 : f32 to vector<2048x64xf32>
    %mul3A_427 = arith.mulf %mul3A_426, %get3A_425 : vector<2048x64xf32>
    %add3A_428 = arith.addf %add3A_396, %mul3A_427 : vector<2048x64xf32>
    %sub3A_429 = arith.constant 2048 : i32
    %sub3A_430 = arith.subi %sub3A_429, %get3A_415 : i32
    %get3A_431 = arith.index_cast %sub3A_430 : i32 to index
    %get3A_432 = arith.constant 0 : index
    %get3A_433 = vector.load %arg7[%get3A_431, %get3A_432] : memref<4096x64xf32, #tpu.memory_space<vmem>>, vector<2048x64xf32>
    %mul3A_434 = vector.broadcast %get3A_420 : f32 to vector<2048x64xf32>
    %mul3A_435 = arith.mulf %mul3A_434, %get3A_433 : vector<2048x64xf32>
    %add3A_436 = arith.addf %add3A_404, %mul3A_435 : vector<2048x64xf32>
    %get3A_437 = arith.index_cast %add3A : i32 to index
    %get3A_438 = arith.constant 13 : index
    %get3A_439 = memref.load %arg2[%get3A_437, %get3A_438] : memref<32x16xi32, #tpu.memory_space<smem>>
    %get3A_440 = arith.index_cast %add3A : i32 to index
    %get3A_441 = arith.constant 13 : index
    %get3A_442 = memref.load %arg3[%get3A_440, %get3A_441] : memref<32x16xf32, #tpu.memory_space<smem>>
    %add3A_443 = arith.constant 1 : i32
    %add3A_444 = arith.addi %add3A, %add3A_443 : i32
    %get3A_445 = arith.index_cast %add3A_444 : i32 to index
    %get3A_446 = arith.constant 13 : index
    %get3A_447 = memref.load %arg2[%get3A_445, %get3A_446] : memref<32x16xi32, #tpu.memory_space<smem>>
    %add3A_448 = arith.constant 1 : i32
    %add3A_449 = arith.addi %add3A, %add3A_448 : i32
    %get3A_450 = arith.index_cast %add3A_449 : i32 to index
    %get3A_451 = arith.constant 13 : index
    %get3A_452 = memref.load %arg3[%get3A_450, %get3A_451] : memref<32x16xf32, #tpu.memory_space<smem>>
    %sub3A_453 = arith.constant 2048 : i32
    %sub3A_454 = arith.subi %sub3A_453, %get3A_439 : i32
    %get3A_455 = arith.index_cast %sub3A_454 : i32 to index
    %get3A_456 = arith.constant 0 : index
    %get3A_457 = vector.load %arg6[%get3A_455, %get3A_456] : memref<4096x64xf32, #tpu.memory_space<vmem>>, vector<2048x64xf32>
    %mul3A_458 = vector.broadcast %get3A_442 : f32 to vector<2048x64xf32>
    %mul3A_459 = arith.mulf %mul3A_458, %get3A_457 : vector<2048x64xf32>
    %add3A_460 = arith.addf %add3A_428, %mul3A_459 : vector<2048x64xf32>
    %sub3A_461 = arith.constant 2048 : i32
    %sub3A_462 = arith.subi %sub3A_461, %get3A_447 : i32
    %get3A_463 = arith.index_cast %sub3A_462 : i32 to index
    %get3A_464 = arith.constant 0 : index
    %get3A_465 = vector.load %arg7[%get3A_463, %get3A_464] : memref<4096x64xf32, #tpu.memory_space<vmem>>, vector<2048x64xf32>
    %mul3A_466 = vector.broadcast %get3A_452 : f32 to vector<2048x64xf32>
    %mul3A_467 = arith.mulf %mul3A_466, %get3A_465 : vector<2048x64xf32>
    %add3A_468 = arith.addf %add3A_436, %mul3A_467 : vector<2048x64xf32>
    %get3A_469 = arith.index_cast %add3A : i32 to index
    %get3A_470 = arith.constant 14 : index
    %get3A_471 = memref.load %arg2[%get3A_469, %get3A_470] : memref<32x16xi32, #tpu.memory_space<smem>>
    %get3A_472 = arith.index_cast %add3A : i32 to index
    %get3A_473 = arith.constant 14 : index
    %get3A_474 = memref.load %arg3[%get3A_472, %get3A_473] : memref<32x16xf32, #tpu.memory_space<smem>>
    %add3A_475 = arith.constant 1 : i32
    %add3A_476 = arith.addi %add3A, %add3A_475 : i32
    %get3A_477 = arith.index_cast %add3A_476 : i32 to index
    %get3A_478 = arith.constant 14 : index
    %get3A_479 = memref.load %arg2[%get3A_477, %get3A_478] : memref<32x16xi32, #tpu.memory_space<smem>>
    %add3A_480 = arith.constant 1 : i32
    %add3A_481 = arith.addi %add3A, %add3A_480 : i32
    %get3A_482 = arith.index_cast %add3A_481 : i32 to index
    %get3A_483 = arith.constant 14 : index
    %get3A_484 = memref.load %arg3[%get3A_482, %get3A_483] : memref<32x16xf32, #tpu.memory_space<smem>>
    %sub3A_485 = arith.constant 2048 : i32
    %sub3A_486 = arith.subi %sub3A_485, %get3A_471 : i32
    %get3A_487 = arith.index_cast %sub3A_486 : i32 to index
    %get3A_488 = arith.constant 0 : index
    %get3A_489 = vector.load %arg6[%get3A_487, %get3A_488] : memref<4096x64xf32, #tpu.memory_space<vmem>>, vector<2048x64xf32>
    %mul3A_490 = vector.broadcast %get3A_474 : f32 to vector<2048x64xf32>
    %mul3A_491 = arith.mulf %mul3A_490, %get3A_489 : vector<2048x64xf32>
    %add3A_492 = arith.addf %add3A_460, %mul3A_491 : vector<2048x64xf32>
    %sub3A_493 = arith.constant 2048 : i32
    %sub3A_494 = arith.subi %sub3A_493, %get3A_479 : i32
    %get3A_495 = arith.index_cast %sub3A_494 : i32 to index
    %get3A_496 = arith.constant 0 : index
    %get3A_497 = vector.load %arg7[%get3A_495, %get3A_496] : memref<4096x64xf32, #tpu.memory_space<vmem>>, vector<2048x64xf32>
    %mul3A_498 = vector.broadcast %get3A_484 : f32 to vector<2048x64xf32>
    %mul3A_499 = arith.mulf %mul3A_498, %get3A_497 : vector<2048x64xf32>
    %add3A_500 = arith.addf %add3A_468, %mul3A_499 : vector<2048x64xf32>
    %concatenate3A = tpu.concatenate %add3A_492, %add3A_500 in 1 : vector<2048x64xf32>, vector<2048x64xf32> -> vector<2048x128xf32>
    %swap3A_501 = arith.constant 0 : index
    %swap3A_502 = arith.constant 0 : index
    %swap3A_503 = vector.load %arg5[%swap3A_501, %swap3A_502] : memref<2048x128xf32, #tpu.memory_space<vmem>>, vector<2048x128xf32>
    tpu.vector_store %arg5[%swap3A_501, %swap3A_502], %concatenate3A {strides = array<i32>} : memref<2048x128xf32, #tpu.memory_space<vmem>>, vector<2048x128xf32>,
    return
  }
  func.func @transform_0(%arg0: i32, %arg1: i32, %arg2: memref<32x16xi32, #tpu.memory_space<smem>>, %arg3: memref<32x16xf32, #tpu.memory_space<smem>>) -> (i32, i32) {
    %add3A = arith.constant 16 : i32
    %add3A_0 = arith.addi %add3A, %arg1 : i32
    %c0_i32 = arith.constant 0 : i32
    return %arg0, %add3A_0 : i32, i32
  }
  func.func @transform_1(%arg0: i32, %arg1: i32, %arg2: memref<32x16xi32, #tpu.memory_space<smem>>, %arg3: memref<32x16xf32, #tpu.memory_space<smem>>) -> (i32, i32) {
    %c0_i32 = arith.constant 0 : i32
    return %arg0, %arg1 : i32, i32
  }
}

module attributes {stable_mosaic.version = 14 : i64} {
  func.func @_matmul_body(%arg0: i32, %arg1: i32, %arg2: memref<1024x1024xf32, #tpu.memory_space<vmem>>, %arg3: memref<1024x512xf32, #tpu.memory_space<vmem>>, %arg4: memref<1x512xf32, #tpu.memory_space<vmem>>, %arg5: memref<1024x512xf32, #tpu.memory_space<vmem>>) attributes {dimension_semantics = [#tpu.dimension_semantics<arbitrary>, #tpu.dimension_semantics<arbitrary>], iteration_bounds = array<i64: 4, 2>, scalar_prefetch = 0 : i64, scratch_operands = 0 : i64, tpu.core_type = #tpu.core_type<tc>, window_params = [{transform_indices = @transform_0, window_bounds = array<i64: 1024, 1024>}, {transform_indices = @transform_1, window_bounds = array<i64: 1024, 512>}, {transform_indices = @transform_2, window_bounds = array<i64: 1, 512>}, {transform_indices = @transform_3, window_bounds = array<i64: 1024, 512>}]} {
    %get3A = arith.constant 0 : index
    %get3A_0 = arith.constant 0 : index
    %get3A_1 = vector.load %arg2[%get3A, %get3A_0] : memref<1024x1024xf32, #tpu.memory_space<vmem>>, vector<1024x1024xf32>
    %get3A_2 = arith.constant 0 : index
    %get3A_3 = arith.constant 0 : index
    %get3A_4 = vector.load %arg3[%get3A_2, %get3A_3] : memref<1024x512xf32, #tpu.memory_space<vmem>>, vector<1024x512xf32>
    %dot_general3A = arith.constant dense<0.000000e+00> : vector<1024x512xf32>
    %dot_general3A_5 = tpu.matmul %get3A_1, %get3A_4, %dot_general3A {dimension_numbers = #tpu.dot_dimension_numbers<[1], [0], [0], [1], [0, 0, 1, 1], [], []>, transpose_lhs_hint = false} : vector<1024x1024xf32>, vector<1024x512xf32>, vector<1024x512xf32> -> vector<1024x512xf32>
    %get3A_6 = arith.constant 0 : index
    %get3A_7 = arith.constant 0 : index
    %get3A_8 = vector.load %arg4[%get3A_6, %get3A_7] : memref<1x512xf32, #tpu.memory_space<vmem>>, vector<1x512xf32>
    %add3A = vector.broadcast %get3A_8 : vector<1x512xf32> to vector<1024x512xf32>
    %add3A_9 = arith.addf %dot_general3A_5, %add3A : vector<1024x512xf32>
    %swap3A = arith.constant 0 : index
    %swap3A_10 = arith.constant 0 : index
    %swap3A_11 = vector.load %arg5[%swap3A, %swap3A_10] : memref<1024x512xf32, #tpu.memory_space<vmem>>, vector<1024x512xf32>
    tpu.vector_store %arg5[%swap3A, %swap3A_10], %add3A_9 {strides = array<i32>} : memref<1024x512xf32, #tpu.memory_space<vmem>>, vector<1024x512xf32>,
    return
  }
  func.func @transform_0(%arg0: i32, %arg1: i32) -> (i32, i32) {
    %c0_i32 = arith.constant 0 : i32
    %c0_i32_0 = arith.constant 0 : i32
    return %arg0, %c0_i32 : i32, i32
  }
  func.func @transform_1(%arg0: i32, %arg1: i32) -> (i32, i32) {
    %c0_i32 = arith.constant 0 : i32
    %c0_i32_0 = arith.constant 0 : i32
    return %c0_i32, %arg1 : i32, i32
  }
  func.func @transform_2(%arg0: i32, %arg1: i32) -> (i32, i32) {
    %c0_i32 = arith.constant 0 : i32
    %c0_i32_0 = arith.constant 0 : i32
    return %c0_i32, %arg1 : i32, i32
  }
  func.func @transform_3(%arg0: i32, %arg1: i32) -> (i32, i32) {
    %c0_i32 = arith.constant 0 : i32
    return %arg0, %arg1 : i32, i32
  }
}

</mosaic_0001>

<sc_bundles>
// kernel: kernel.9.cloned.1.call-start
scs
__scs_entry_jumppad:
0x0: {  	(pc) =	sbr.rel $0x88, $3  }
0x1: {  	(tag) =	ssettag $0x0;
	lr =	simm.s32 $0x1  }
0x2: {  	[smem:$0x3F98] =	sst lr;
	_ =	strace $0xD0000000  }
0x3: {  	_ = 	snop  }
0x4: {  	_ = 	snop  }
0x5: {  	_ = 	snop  }
0x6: {  	_ = 	snop  }
0x7: {  	_ = 	snop  }
__scs_overlays_trampoline_lowered:
0x8: {  	[smem:$0x3FA7] =	sst s0  }
0x9: {  	[smem:$0x3FA8] =	sst s1  }
0xa: {  	[smem:$0x3FA9] =	sst s2  }
0xb: {  	[smem:$0x3FAA] =	sst s3  }
0xc: {  	[smem:$0x3FAB] =	sst s4  }
0xd: {  	[smem:$0x3FAC] =	sst s5  }
0xe: {  	[smem:$0x3FAD] =	sst s6  }
0xf: {  	[smem:$0x3FAE] =	sst s7  }
0x10: {  	[smem:$0x3FAF] =	sst s8  }
0x11: {  	[smem:$0x3FB0] =	sst s9;
	s0 =	simm.s32 @!p0 $0x0  }
0x12: {  	s1 =	sld [smem:$0x3F96];
	s0 =	simm.s32 @p0 $0x1  }
0x13: {  	[smem:$0x3FB1] =	sst s0;
	s0 =	simm.s32 @!p1 $0x0  }
0x14: {  	s2 =	sld [smem:$0x3F95];
	s0 =	simm.s32 @p1 $0x1  }
0x15: {  	[smem:$0x3FB2] =	sst s0;
	s0 =	simm.s32 @!p2 $0x0  }
0x16: {  	s3 =	sld [smem:$0x3FDB];
	s0 =	simm.s32 @p2 $0x1  }
0x17: {  	s4 =	simm.s32 $0x1BF5;
	[smem:$0x3FB4] =	sst s0  }
0x18: {  	s0 =	sld [smem:$0x3F97];
	_ =	swait.ge [sflag:s4], $0x0  }
0x19: {  	s7 =	sld [smem:$0x3F98]  }
0x1a: {  	s8 =	sadd.s32 $0xFFFFE003, lr  }
0x1b: {  	s9 =	sadd.s32 $0xFFFFFEF7, lr;
	s5 =	simm.s32 $0xFFFFFFFF;
	p2 =	slt.u32 s8, $0xFFFFF086  }
0x1c: {  	p1 =	slt.u32 s9, $0xF7A;
	s5 =	simm.s32 @!p2 $0x0  }
0x1d: {  	s5 =	simm.s32 @p1 $0x1;
	p0 =	seq.s32 s7, s2  }
0x1e: {  	s7 =	smul.u32 @!p0 $0xF7A, s2;
	p2 =	seq.s32 @!p0 s5, $0x0  }
0x1f: {  	s9 =	smul.u32 $0xF7A, s1;
	s8 =	simm.s32 @!p0 $0x1BF5;
	p2 =	por !p2, p0  }
0x20: {  	[sflag:s8] =	ssyncset.s32 @!p0 $0xFFFFF086;
	s6 =	sadd.s32 @!p0 s3, s7;
	s7 =	simm.s32 @!p0 $0x108  }
0x21: {  	s3 =	sadd.s32 s3, s9;
	s6 =	sadd.s32 @!p0 $0x88, s6;
	s7 =	simm.s32 @p2 $0x1082  }
0x22: {  	[simem:s7], [sflag:s8] =	dma.local @!p0 [hbm:s6], $0xF7A  }
0x23: {  	s9 =	sor.u32 $0xD0000000, s2;
	s6 =	simm.s32 $0x108;
	_ =	swait.ge @!p0 [sflag:s8], $0x0  }
0x24: {  	s3 =	sadd.s32 $0x88, s3;
	s6 =	simm.s32 @!p1 $0x1082;
	[sflag:s4] =	ssyncset.s32 $0xFFFFF086  }
0x25: {  	[simem:s6], [sflag:s4] =	dma.local [hbm:s3], $0xF7A  }
0x26: {  	[smem:$0x3F98] =	sst s1;
	(tag) =	ssettag s2;
	_ =	strace s9  }
0x27: {  	s1 =	sld [smem:$0x3FA8]  }
0x28: {  	s2 =	sld [smem:$0x3FA9]  }
0x29: {  	s4 =	sld [smem:$0x3FAB]  }
0x2a: {  	p0 =	seq.s32 s5, $0x0;
	s5 =	sld [smem:$0x3FAC]  }
0x2b: {  	s6 =	sld [smem:$0x3FAD]  }
0x2c: {  	s7 =	sld [smem:$0x3FAE]  }
0x2d: {  	s3 =	simm.s32 $0x108;
	s8 =	sld [smem:$0x3FAF]  }
0x2e: {  	s3 =	simm.s32 @!p0 $0x1082;
	s9 =	sld [smem:$0x3FB0]  }
0x2f: {  	lr =	sadd.s32 s0, s3;
	s0 =	sld [smem:$0x3FA7]  }
0x30: {  	s3 =	sld [smem:$0x3FAA]  }
0x31: {  	[smem:$0x3FB3] =	sst s10  }
0x32: {  	s10 =	sld [smem:$0x3FB1];
	_ =	sdelay $0x3  }
0x33: {  	p0 =	seq.s32 s10, $0x1;
	s10 =	sld [smem:$0x3FB3];
	_ =	sdelay $0x3  }
0x34: {  	[smem:$0x3FB3] =	sst s10  }
0x35: {  	s10 =	sld [smem:$0x3FB2];
	_ =	sdelay $0x3  }
0x36: {  	p1 =	seq.s32 s10, $0x1;
	s10 =	sld [smem:$0x3FB3];
	_ =	sdelay $0x3  }
0x37: {  	[smem:$0x3FB3] =	sst s10  }
0x38: {  	s10 =	sld [smem:$0x3FB4]  }
0x39: {  	_ = 	snop;
	(pc) =	sbr.ind lr, $3  }
0x3a: {  	_ = 	snop  }
0x3b: {  	_ = 	snop  }
0x3c: {  	p2 =	seq.s32 s10, $0x1;
	s10 =	sld [smem:$0x3FB3]  }
0x3d: {  	_ =	shalt  }
0x3e: {  	_ =	shalt  }
0x3f: {  	_ =	shalt  }
0x40: {  	_ =	shalt  }
0x41: {  	_ =	shalt  }
0x42: {  	_ =	shalt  }
0x43: {  	_ =	shalt  }
0x44: {  	_ =	shalt  }
0x45: {  	_ =	shalt  }
0x46: {  	_ =	shalt  }
0x47: {  	_ =	shalt  }
0x48: {  	_ =	shalt  }
0x49: {  	_ =	shalt  }
0x4a: {  	_ =	shalt  }
0x4b: {  	_ =	shalt  }
0x4c: {  	_ =	shalt  }
0x4d: {  	_ =	shalt  }
0x4e: {  	_ =	shalt  }
0x4f: {  	_ =	shalt  }
0x50: {  	_ =	shalt  }
0x51: {  	_ =	shalt  }
0x52: {  	_ =	shalt  }
0x53: {  	_ =	shalt  }
0x54: {  	_ =	shalt  }
0x55: {  	_ =	shalt  }
0x56: {  	_ =	shalt  }
0x57: {  	_ =	shalt  }
0x58: {  	_ =	shalt  }
0x59: {  	_ =	shalt  }
0x5a: {  	_ =	shalt  }
0x5b: {  	_ =	shalt  }
0x5c: {  	_ =	shalt  }
0x5d: {  	_ =	shalt  }
0x5e: {  	_ =	shalt  }
0x5f: {  	_ =	shalt  }
0x60: {  	_ =	shalt  }
0x61: {  	_ =	shalt  }
0x62: {  	_ =	shalt  }
0x63: {  	_ =	shalt  }
0x64: {  	_ =	shalt  }
0x65: {  	_ =	shalt  }
0x66: {  	_ =	shalt  }
0x67: {  	_ =	shalt  }
0x68: {  	_ =	shalt  }
0x69: {  	_ =	shalt  }
0x6a: {  	_ =	shalt  }
0x6b: {  	_ =	shalt  }
0x6c: {  	_ =	shalt  }
0x6d: {  	_ =	shalt  }
0x6e: {  	_ =	shalt  }
0x6f: {  	_ =	shalt  }
0x70: {  	_ =	shalt  }
0x71: {  	_ =	shalt  }
0x72: {  	_ =	shalt  }
0x73: {  	_ =	shalt  }
0x74: {  	_ =	shalt  }
0x75: {  	_ =	shalt  }
0x76: {  	_ =	shalt  }
0x77: {  	_ =	shalt  }
0x78: {  	_ =	shalt  }
0x79: {  	_ =	shalt  }
0x7a: {  	_ =	shalt  }
0x7b: {  	_ =	shalt  }
0x7c: {  	_ =	shalt  }
0x7d: {  	_ =	shalt  }
0x7e: {  	_ =	shalt  }
0x7f: {  	_ =	shalt  }
0x80: {  	_ =	shalt  }
0x81: {  	_ =	shalt  }
0x82: {  	_ =	shalt  }
0x83: {  	_ =	shalt  }
0x84: {  	_ =	shalt  }
0x85: {  	_ =	shalt  }
0x86: {  	_ =	shalt  }
0x87: {  	_ =	shalt  }
.Lfunc_end0:
.L_simem_size_0:
called_computation_lowered:
.L_overlay_start_0:
0x88: {  	s2 =	sld [smem:$0x3FD9]  }
0x89: {  	s3 =	sld [smem:$0x3FFE];
	_ =	sdelay $0x1  }
0x8a: {  	s1 =	srdreg.scid  }
0x8b: {  	s0 =	sand.u32 $0x1, s1  }
0x8c: {  	s17 =	sshll.u32 s0, $0xA;
	s2 =	sadd.s32 s3, s2  }
0x8d: {  	s2 =	sadd.s32 s2, s17  }
0x8e: {  	[smem:$0x3FBF] =	sst s2  }
0x8f: {  	_ = 	snop  }
0x90: {  	s2 =	sld [smem:$0x3FD0];
	(tm) =	ssettm $0x1  }
0x91: {  	s18 =	sld [smem:$0x3FFB];
	_ =	sdelay $0x3  }
0x92: {  	_ =	strace s18  }
0x93: {  	s3 =	sld [smem:$0x3FFC];
	_ =	sdelay $0x3  }
0x94: {  	_ =	strace s3  }
0x95: {  	s3 =	sld [smem:$0x3FFD];
	_ =	sdelay $0x3  }
0x96: {  	_ =	strace s3  }
0x97: {  	_ =	strace $0x8FFFFFFF  }
0x98: {  	s19 =	sld [smem:$0x3FDB];
	_ =	sdelay $0x1  }
0x99: {  	s4 =	simm.s32 $_scs_section_size  }
0x9a: {  	s5 =	simm.s32 $_size__tile_overlayer_lowered;
	s6 =	simm.s32 $_tile_overlayer_lowered  }
0x9b: {  	s22 =	simm.s32 $0x1BFF;
	s21 =	sshll.u32 s6, $0x1;
	s3 =	sadd.s32 s4, s19  }
0x9c: {  	s7 =	simm.s32 $0x0;
	s20 =	sshll.u32 s5, $0x1;
	s5 =	sadd.s32 s21, s3  }
0x9d: {  	[timem:s7], [sflag:s22] =	dma.local [hbm:s5], s20  }
0x9e: {  	_ =	swait.ge [sflag:s22], s20  }
0x9f: {  	s4 =	ssub.s32 $0x0, s20;
	[sflag:s22] =	ssyncset.done $0x0  }
0xa0: {  	[sflag:s22] =	ssyncadd.s32 s4;
	_ =	sdelay $0x1  }
0xa1: {  	s23 =	simm.s32 $0x1B8B  }
0xa2: {  	_ =	swait.ge [sflag:s23], $0x1  }
0xa3: {  	[sflag:s23] =	ssyncset.done $0x0  }
0xa4: {  	s25 =	simm.s32 $0x1B8E;
	s24 =	sld [smem:$0x3FFE];
	[sflag:s23] =	ssyncadd.s32 $0xFFFFFFFF  }
0xa5: {  	s26 =	simm.s32 $execute0_lowered;
	[smem:$0x3FD2] =	sst s25  }
0xa6: {  	s5 =	sshll.u32 s26, $0x1;
	_ =	strace $0x80000046;
	[dreg:$0x1] =	wrdreg $0xFFFFFFFF  }
0xa7: {  	s28 =	simm.s32 $_size_execute0_lowered;
	s3 =	sadd.s32 s3, s5;
	[dreg:$0x0] =	wrdreg $0x0  }
0xa8: {  	s5 =	sshll.u32 s28, $0x1;
	[dreg:$0x2] =	wrdreg s3  }
0xa9: {  	[dreg:$0x3] =	wrdreg s5  }
0xaa: {  	[dreg:$0x4] =	wrdreg $0xC0  }
0xab: {  	_ =	task [dreg:s7], $0x5FFFF  }
0xac: {  	[dreg:$0x1] =	wrdreg $0xFFFFFFFF  }
0xad: {  	[dreg:$0x0] =	wrdreg $0x60  }
0xae: {  	[dreg:$0x2] =	wrdreg s2  }
0xaf: {  	[dreg:$0x3] =	wrdreg s24  }
0xb0: {  	[dreg:$0x4] =	wrdreg $0x9  }
0xb1: {  	_ =	task.clear_ibuf [dreg:s7], $0x5FFFF;
	_ =	strace $0x90000046  }
0xb2: {  	s29 =	simm.s32 $0x9;
	_ =	strace $0x80000048  }
0xb3: {  	_ =	swait.ge [sflag:s29], $0x1  }
0xb4: {  	[sflag:s29] =	ssyncadd.s32 $0xFFFFFFFF  }
0xb5: {  	_ =	strace $0x90000048  }
0xb6: {  	_ =	sfence  }
0xb7: {  	s30 =	sld [smem:$0x0];
	_ =	sdelay $0x2  }
0xb8: {  	s31 =	sshll.u32 s1, $0xD;
	s1 =	sshrl.u32 s1, $0x2  }
0xb9: {  	s3 =	sand.u32 $0x4000, s31;
	s1 =	sadd.s32 s1, s30  }
0xba: {  	s0 =	sor.u32 s3, s0;
	s1 =	sshll.u32 s1, $0x11  }
0xbb: {  	s0 =	sor.u32 s1, s0  }
0xbc: {  	s0 =	sadd.s32 $0x8F2B, s0  }
0xbd: {  	[sflag:s0] =	ssyncadd.remote.s32 $0x1  }
0xbe: {  	_ =	sfence.sel $0xFFFF  }
0xbf: {  	[dreg:$0x0] =	wrdreg $0xFFFFFFFF;
	(pc) =	sbr.abs _section_cstart, $3  }
0xc0: {  	[dreg:$0x1] =	wrdreg $0xFFFFFFFF  }
0xc1: {  	_ =	task.clear_ibuf [dreg:s7], $0x2FFFF;
	_ =	strace $0x9FFFFFFF  }
0xc2: {  	(tm) =	ssettm $0x7FFFFFFF  }
0xc3: {  	_ =	shalt  }
tec
execute0_lowered:
.L_overlay_start_1:
0x0: {  	(tag) =	ssettag $0x1  }
0x1: {  	v0 =	vimm.s32 $0xFEDCBA9;
	v1 =	vimm.s32 $0x87654321  }
0x2: {  	v2 =	vimm.s32 $0x10FEDCBA;
	v3 =	vimm.s32 $0x98765432;
	v4 =	vimm.s32 $0x3210FEDC  }
0x3: {  	v5 =	vimm.s32 $0xBA987654;
	v6 =	vimm.s32 $0xFEDCBA98;
	v7 =	vimm.s32 $0x76543210  }
0x4: {  	s3 =	rddreg [dreg:$0x0];
	vm1 =	vcmask $0x73C;
	vm2 =	vcmask $0xB3C;
	vm3 =	vcmask $0xF3C  }
0x5: {  	s4 =	rddreg [dreg:$0x1];
	vm4 =	vcmask $0x133C;
	vm5 =	vcmask $0x173C;
	vm6 =	vcmask $0x1B3C  }
0x6: {  	s0 =	rddreg [dreg:$0x2];
	s1 =	simm.s32 $0x0;
	vm7 =	vcmask $0x1F3C;
	vm8 =	vcmask $0x233C;
	vm9 =	vcmask $0x273C  }
0x7: {  	s5 =	srdreg.scid;
	s2 =	stileid.u32;
	s9 =	simm.s32 $0x1;
	vm10 =	vcmask $0x2B3C;
	vm11 =	vcmask $0x2F3C;
	vm12 =	vcmask $0x333C  }
0x8: {  	vm13 =	vcmask $0x373C;
	s10 =	simm.s32 $0x800;
	s11 =	simm.s32 $0x880;
	s12 =	simm.s32 $0x0;
	v0 =	vunpack.c.l.s4.s8 v0;
	v1 =	vunpack.c.l.s4.s8 v1  }
0x9: {  	v2 =	vunpack.c.l.s4.s8 v2;
	v3 =	vunpack.c.l.s4.s8 v3;
	v4 =	vunpack.c.l.s4.s8 v4;
	[smem:$0x7FF] =	sst s1;
	s5 =	sand.u32 $0x1, s5;
	s6 =	sshll.u32 s2, $0x8  }
0xa: {  	v5 =	vunpack.c.l.s4.s8 v5;
	v6 =	vunpack.c.l.s4.s8 v6;
	s7 =	sshrl.u32 s2, $0x2;
	s8 =	sshll.u32 s5, $0x7;
	s6 =	sand.u32 $0x300, s6;
	v0 =	vunpack.c.0.s8.s32 v0  }
0xb: {  	_ =	strace $0x80000047;
	s29 =	sshll.u32 s7, $0xA;
	v1 =	vunpack.c.0.s8.s32 v1;
	v2 =	vunpack.c.0.s8.s32 v2;
	v3 =	vunpack.c.0.s8.s32 v3;
	s6 =	sor.u32 s8, s6  }
0xc: {  	v7 =	vunpack.c.l.s4.s8 v7;
	s7 =	sshll.u32 s7, $0xE;
	s5 =	ssub.s32 $0x2, s5;
	v4 =	vunpack.c.0.s8.s32 v4;
	v5 =	vunpack.c.0.s8.s32 v5;
	s8 =	sor.u32 s29, s6  }
0xd: {  	v6 =	vunpack.c.0.s8.s32 v6;
	s31 =	sshrl.u32 s5, $0x1;
	s6 =	sor.u32 s7, s6;
	v1 =	vcombine.low v1, v0;
	v2 =	vcombine.low v3, v2;
	s30 =	sshrl.u32 s8, $0x3  }
0xe: {  	v3 =	vcombine.low v5, v4;
	v4 =	vunpack.c.0.s8.s32 v7;
	v0 =	vlaneseq.u32;
	s6 =	sshrl.u32 s6, $0x3;
	s8 =	ssub.s32 s5, s31;
	s7 =	sadd.s32 s30, s4  }
0xf: {  	v5 =	vand.u32 $0xF, v6;
	s3 =	sadd.s32 s3, s6;
	s6 =	smax.u32 s8, $0x1;
	s8 =	simm.s32 $0x400;
	v1 =	vand.u32 $0xF, v1;
	v2 =	vand.u32 $0xF, v2  }
0x10: {  	v3 =	vand.u32 $0xF, v3;
	v4 =	vcombine.low v5, v4;
	s4 =	sadd.s32 $0x183000, s7;
	s5 =	sadd.s32 $0x183200, s7;
	s7 =	simm.s32 $0x80;
	v5 =	vimm.s32 $0x0  }
.LBB2_1:
0x11: {  	[tilespmem:s1], [sflag:$0x1] =	stream.strided.gather [hbm4b:s3+s7], $0x800, s8, s7, $0x38;
	[tilespmem:$0x900] =	vst v63  }
0x12: {  	_ =	swait.ge [sflag:s9], $0x800  }
0x13: {  	[sflag:s9] =	ssyncset.done $0x0  }
0x14: {  	[sflag:s9] =	ssyncadd.s32 $0xFFFFF800  }
0x15: {  	v6 =	vld [tilespmem:s1+$0x0];
	_ =	sdelay $0x3  }
0x16: {  	v7 =	vimm.f32 $-Inf  }
0x17: {  	v8 =	vimm.s32 $0x800;
	s13 =	simm.s32 $0x10;
	v9 =	vor.u32 s1, v0;
	s14 =	simm.s32 $0x10;
	vm14 =	vgt.f32 v6, v7  }
.LBB2_2:
0x18: {  	p0 =	sne.s32 s13, $0x7F0;
	v7 =	vsel vm14, v6, v7;
	v6 =	vld [tilespmem:s14+$0x0];
	v8 =	vsel vm14, v9, v8;
	s15 =	smov.u32 s13;
	s13 =	sadd.s32 $0x10, s13  }
.Ltmp0:
0x19: {  	(pc) =	sbr.rel @p0 .LBB2_2-.Ltmp0, $2  }
0x1a: {  	_ =	sdelay $0x2  }
0x1b: {  	s14 =	sadd.s32 $0x10, s14;
	v9 =	vor.u32 s15, v0;
	vm14 =	vgt.f32 v6, v7  }
0x1c: {  	v6 =	vsel vm14, v6, v7;
	v7 =	vsel vm14, v9, v8  }
0x1d: {  	v8 =	vperm.xlane v6, v1;
	v9 =	vperm.xlane v7, v1;
	_ =	sdelay $0x1  }
0x1e: {  	vm14 =	veq.f32 v8, v6;
	vm15 =	vlt.s32 v9, v7  }
0x1f: {  	vm0 =	vgt.f32 v8, v6;
	vm14 =	vmand vm14, vm15  }
0x20: {  	vm0 =	vmor vm0, vm14  }
0x21: {  	v6 =	vsel vm0, v8, v6;
	v7 =	vsel vm0, v9, v7  }
0x22: {  	v8 =	vperm.xlane v6, v2;
	v9 =	vperm.xlane v7, v2;
	_ =	sdelay $0x1  }
0x23: {  	vm0 =	veq.f32 v8, v6;
	vm14 =	vlt.s32 v9, v7  }
0x24: {  	vm15 =	vgt.f32 v8, v6;
	vm0 =	vmand vm0, vm14  }
0x25: {  	vm0 =	vmor vm15, vm0  }
0x26: {  	v6 =	vsel vm0, v8, v6;
	v7 =	vsel vm0, v9, v7  }
0x27: {  	v8 =	vperm.xlane v6, v3;
	v9 =	vperm.xlane v7, v3;
	_ =	sdelay $0x1  }
0x28: {  	vm0 =	veq.f32 v8, v6;
	vm14 =	vlt.s32 v9, v7  }
0x29: {  	vm15 =	vgt.f32 v8, v6;
	vm0 =	vmand vm0, vm14  }
0x2a: {  	vm0 =	vmor vm15, vm0  }
0x2b: {  	v6 =	vsel vm0, v8, v6;
	v8 =	vsel vm0, v9, v7  }
0x2c: {  	s13 =	simm.s32 $0x0;
	v7 =	vperm.xlane v6, v4;
	v9 =	vperm.xlane v8, v4  }
0x2d: {  	v10 =	vld [tilespmem:s13+$0x0]  }
0x2e: {  	vm0 =	veq.f32 v7, v6;
	vm14 =	vlt.s32 v9, v8  }
0x2f: {  	vm15 =	vgt.f32 v7, v6;
	vm0 =	vmand vm0, vm14  }
0x30: {  	v11 =	vor.u32 s13, v0;
	vm0 =	vmor vm15, vm0  }
0x31: {  	v7 =	vsel vm0, v7, v6;
	v6 =	vsel vm0, v9, v8;
	v8 =	vimm.f32 $-Inf  }
0x32: {  	s14 =	simm.s32 $0x10;
	s13 =	simm.s32 $0x10;
	v9 =	vimm.s32 $0x800;
	vm14 =	veq.f32 v10, v7;
	vm15 =	vgt.s32 v11, v6  }
.LBB2_4:
0x33: {  	v12 =	vld [tilespmem:s14+$0x0];
	p0 =	sne.s32 s13, $0x7F0;
	vm0 =	vlt.f32 v10, v7;
	vm14 =	vmand vm15, vm14;
	s15 =	smov.u32 s13;
	s13 =	sadd.s32 $0x10, s13  }
.Ltmp1:
0x34: {  	vm0 =	vmor vm0, vm14;
	vm14 =	vgt.f32 v10, v8;
	(pc) =	sbr.rel @p0 .LBB2_4-.Ltmp1, $4  }
0x35: {  	vm0 =	vmand vm14, vm0  }
0x36: {  	v8 =	vsel vm0, v10, v8;
	v9 =	vsel vm0, v11, v9  }
0x37: {  	v11 =	vor.u32 s15, v0  }
0x38: {  	s14 =	sadd.s32 $0x10, s14;
	vm15 =	vgt.s32 v11, v6;
	vm14 =	veq.f32 v12, v7;
	v10 =	vmov v12  }
0x39: {  	vm0 =	vlt.f32 v10, v7;
	vm14 =	vmand vm15, vm14  }
0x3a: {  	vm0 =	vmor vm0, vm14;
	vm14 =	vgt.f32 v10, v8  }
0x3b: {  	vm0 =	vmand vm14, vm0  }
0x3c: {  	v8 =	vsel vm0, v10, v8;
	v9 =	vsel vm0, v11, v9  }
0x3d: {  	v10 =	vperm.xlane v8, v1;
	v11 =	vperm.xlane v9, v1;
	_ =	sdelay $0x1  }
0x3e: {  	vm0 =	veq.f32 v10, v8;
	vm14 =	vlt.s32 v11, v9  }
0x3f: {  	vm15 =	vgt.f32 v10, v8;
	vm0 =	vmand vm0, vm14  }
0x40: {  	vm0 =	vmor vm15, vm0  }
0x41: {  	v8 =	vsel vm0, v10, v8;
	v9 =	vsel vm0, v11, v9  }
0x42: {  	v10 =	vperm.xlane v8, v2;
	v11 =	vperm.xlane v9, v2;
	_ =	sdelay $0x1  }
0x43: {  	vm0 =	veq.f32 v10, v8;
	vm14 =	vlt.s32 v11, v9  }
0x44: {  	vm15 =	vgt.f32 v10, v8;
	vm0 =	vmand vm0, vm14  }
0x45: {  	vm0 =	vmor vm15, vm0  }
0x46: {  	v8 =	vsel vm0, v10, v8;
	v9 =	vsel vm0, v11, v9  }
0x47: {  	v10 =	vperm.xlane v8, v3;
	v11 =	vperm.xlane v9, v3;
	_ =	sdelay $0x1  }
0x48: {  	vm0 =	veq.f32 v10, v8;
	vm14 =	vlt.s32 v11, v9  }
0x49: {  	vm15 =	vgt.f32 v10, v8;
	vm0 =	vmand vm0, vm14  }
0x4a: {  	vm0 =	vmor vm15, vm0  }
0x4b: {  	v8 =	vsel vm0, v10, v8;
	v10 =	vsel vm0, v11, v9  }
0x4c: {  	s13 =	simm.s32 $0x0;
	v9 =	vperm.xlane v8, v4;
	v11 =	vperm.xlane v10, v4  }
0x4d: {  	v12 =	vld [tilespmem:s13+$0x0]  }
0x4e: {  	vm0 =	veq.f32 v9, v8;
	vm14 =	vlt.s32 v11, v10  }
0x4f: {  	vm15 =	vgt.f32 v9, v8;
	vm0 =	vmand vm0, vm14  }
0x50: {  	v13 =	vor.u32 s13, v0;
	vm0 =	vmor vm15, vm0  }
0x51: {  	v9 =	vsel vm0, v9, v8;
	v8 =	vsel vm0, v11, v10;
	v10 =	vimm.f32 $-Inf  }
0x52: {  	s14 =	simm.s32 $0x10;
	s13 =	simm.s32 $0x10;
	v11 =	vimm.s32 $0x800;
	vm14 =	veq.f32 v12, v9;
	vm15 =	vgt.s32 v13, v8  }
.LBB2_6:
0x53: {  	v14 =	vld [tilespmem:s14+$0x0];
	p0 =	sne.s32 s13, $0x7F0;
	vm0 =	vlt.f32 v12, v9;
	vm14 =	vmand vm15, vm14;
	s15 =	smov.u32 s13;
	s13 =	sadd.s32 $0x10, s13  }
.Ltmp2:
0x54: {  	vm0 =	vmor vm0, vm14;
	vm14 =	vgt.f32 v12, v10;
	(pc) =	sbr.rel @p0 .LBB2_6-.Ltmp2, $4  }
0x55: {  	vm0 =	vmand vm14, vm0  }
0x56: {  	v10 =	vsel vm0, v12, v10;
	v11 =	vsel vm0, v13, v11  }
0x57: {  	v13 =	vor.u32 s15, v0  }
0x58: {  	s14 =	sadd.s32 $0x10, s14;
	vm15 =	vgt.s32 v13, v8;
	vm14 =	veq.f32 v14, v9;
	v12 =	vmov v14  }
0x59: {  	vm0 =	vlt.f32 v12, v9;
	vm14 =	vmand vm15, vm14  }
0x5a: {  	vm0 =	vmor vm0, vm14;
	vm14 =	vgt.f32 v12, v10  }
0x5b: {  	vm0 =	vmand vm14, vm0  }
0x5c: {  	v10 =	vsel vm0, v12, v10;
	v11 =	vsel vm0, v13, v11  }
0x5d: {  	v12 =	vperm.xlane v10, v1;
	v13 =	vperm.xlane v11, v1;
	_ =	sdelay $0x1  }
0x5e: {  	vm0 =	veq.f32 v12, v10;
	vm14 =	vlt.s32 v13, v11  }
0x5f: {  	vm15 =	vgt.f32 v12, v10;
	vm0 =	vmand vm0, vm14  }
0x60: {  	vm0 =	vmor vm15, vm0  }
0x61: {  	v10 =	vsel vm0, v12, v10;
	v11 =	vsel vm0, v13, v11  }
0x62: {  	v12 =	vperm.xlane v10, v2;
	v13 =	vperm.xlane v11, v2;
	_ =	sdelay $0x1  }
0x63: {  	vm0 =	veq.f32 v12, v10;
	vm14 =	vlt.s32 v13, v11  }
0x64: {  	vm15 =	vgt.f32 v12, v10;
	vm0 =	vmand vm0, vm14  }
0x65: {  	vm0 =	vmor vm15, vm0  }
0x66: {  	v10 =	vsel vm0, v12, v10;
	v11 =	vsel vm0, v13, v11  }
0x67: {  	v12 =	vperm.xlane v10, v3;
	v13 =	vperm.xlane v11, v3;
	_ =	sdelay $0x1  }
0x68: {  	vm0 =	veq.f32 v12, v10;
	vm14 =	vlt.s32 v13, v11  }
0x69: {  	vm15 =	vgt.f32 v12, v10;
	vm0 =	vmand vm0, vm14  }
0x6a: {  	vm0 =	vmor vm15, vm0  }
0x6b: {  	v10 =	vsel vm0, v12, v10;
	v12 =	vsel vm0, v13, v11  }
0x6c: {  	s13 =	simm.s32 $0x0;
	v11 =	vperm.xlane v10, v4;
	v13 =	vperm.xlane v12, v4  }
0x6d: {  	v14 =	vld [tilespmem:s13+$0x0]  }
0x6e: {  	vm0 =	veq.f32 v11, v10;
	vm14 =	vlt.s32 v13, v12  }
0x6f: {  	vm15 =	vgt.f32 v11, v10;
	vm0 =	vmand vm0, vm14  }
0x70: {  	v15 =	vor.u32 s13, v0;
	vm0 =	vmor vm15, vm0  }
0x71: {  	v11 =	vsel vm0, v11, v10;
	v10 =	vsel vm0, v13, v12;
	v12 =	vimm.f32 $-Inf  }
0x72: {  	s14 =	simm.s32 $0x10;
	s13 =	simm.s32 $0x10;
	v13 =	vimm.s32 $0x800;
	vm14 =	veq.f32 v14, v11;
	vm15 =	vgt.s32 v15, v10  }
.LBB2_8:
0x73: {  	v16 =	vld [tilespmem:s14+$0x0];
	p0 =	sne.s32 s13, $0x7F0;
	vm0 =	vlt.f32 v14, v11;
	vm14 =	vmand vm15, vm14;
	s15 =	smov.u32 s13;
	s13 =	sadd.s32 $0x10, s13  }
.Ltmp3:
0x74: {  	vm0 =	vmor vm0, vm14;
	vm14 =	vgt.f32 v14, v12;
	(pc) =	sbr.rel @p0 .LBB2_8-.Ltmp3, $4  }
0x75: {  	vm0 =	vmand vm14, vm0  }
0x76: {  	v12 =	vsel vm0, v14, v12;
	v13 =	vsel vm0, v15, v13  }
0x77: {  	v15 =	vor.u32 s15, v0  }
0x78: {  	s14 =	sadd.s32 $0x10, s14;
	vm15 =	vgt.s32 v15, v10;
	vm14 =	veq.f32 v16, v11;
	v14 =	vmov v16  }
0x79: {  	vm0 =	vlt.f32 v14, v11;
	vm14 =	vmand vm15, vm14  }
0x7a: {  	vm0 =	vmor vm0, vm14;
	vm14 =	vgt.f32 v14, v12  }
0x7b: {  	vm0 =	vmand vm14, vm0  }
0x7c: {  	v12 =	vsel vm0, v14, v12;
	v13 =	vsel vm0, v15, v13  }
0x7d: {  	v14 =	vperm.xlane v12, v1;
	v15 =	vperm.xlane v13, v1;
	_ =	sdelay $0x1  }
0x7e: {  	vm0 =	veq.f32 v14, v12;
	vm14 =	vlt.s32 v15, v13  }
0x7f: {  	vm15 =	vgt.f32 v14, v12;
	vm0 =	vmand vm0, vm14  }
0x80: {  	vm0 =	vmor vm15, vm0  }
0x81: {  	v12 =	vsel vm0, v14, v12;
	v13 =	vsel vm0, v15, v13  }
0x82: {  	v14 =	vperm.xlane v12, v2;
	v15 =	vperm.xlane v13, v2;
	_ =	sdelay $0x1  }
0x83: {  	vm0 =	veq.f32 v14, v12;
	vm14 =	vlt.s32 v15, v13  }
0x84: {  	vm15 =	vgt.f32 v14, v12;
	vm0 =	vmand vm0, vm14  }
0x85: {  	vm0 =	vmor vm15, vm0  }
0x86: {  	v12 =	vsel vm0, v14, v12;
	v13 =	vsel vm0, v15, v13  }
0x87: {  	v14 =	vperm.xlane v12, v3;
	v15 =	vperm.xlane v13, v3;
	_ =	sdelay $0x1  }
0x88: {  	vm0 =	veq.f32 v14, v12;
	vm14 =	vlt.s32 v15, v13  }
0x89: {  	vm15 =	vgt.f32 v14, v12;
	vm0 =	vmand vm0, vm14  }
0x8a: {  	vm0 =	vmor vm15, vm0  }
0x8b: {  	v12 =	vsel vm0, v14, v12;
	v14 =	vsel vm0, v15, v13  }
0x8c: {  	s13 =	simm.s32 $0x0;
	v13 =	vperm.xlane v12, v4;
	v15 =	vperm.xlane v14, v4  }
0x8d: {  	v16 =	vld [tilespmem:s13+$0x0]  }
0x8e: {  	vm0 =	veq.f32 v13, v12;
	vm14 =	vlt.s32 v15, v14  }
0x8f: {  	vm15 =	vgt.f32 v13, v12;
	vm0 =	vmand vm0, vm14  }
0x90: {  	v17 =	vor.u32 s13, v0;
	vm0 =	vmor vm15, vm0  }
0x91: {  	v13 =	vsel vm0, v13, v12;
	v12 =	vsel vm0, v15, v14;
	v14 =	vimm.f32 $-Inf  }
0x92: {  	s14 =	simm.s32 $0x10;
	s13 =	simm.s32 $0x10;
	v15 =	vimm.s32 $0x800;
	vm14 =	veq.f32 v16, v13;
	vm15 =	vgt.s32 v17, v12  }
.LBB2_10:
0x93: {  	v18 =	vld [tilespmem:s14+$0x0];
	p0 =	sne.s32 s13, $0x7F0;
	vm0 =	vlt.f32 v16, v13;
	vm14 =	vmand vm15, vm14;
	s15 =	smov.u32 s13;
	s13 =	sadd.s32 $0x10, s13  }
.Ltmp4:
0x94: {  	vm0 =	vmor vm0, vm14;
	vm14 =	vgt.f32 v16, v14;
	(pc) =	sbr.rel @p0 .LBB2_10-.Ltmp4, $4  }
0x95: {  	vm0 =	vmand vm14, vm0  }
0x96: {  	v14 =	vsel vm0, v16, v14;
	v15 =	vsel vm0, v17, v15  }
0x97: {  	v17 =	vor.u32 s15, v0  }
0x98: {  	s14 =	sadd.s32 $0x10, s14;
	vm15 =	vgt.s32 v17, v12;
	vm14 =	veq.f32 v18, v13;
	v16 =	vmov v18  }
0x99: {  	vm0 =	vlt.f32 v16, v13;
	vm14 =	vmand vm15, vm14  }
0x9a: {  	vm0 =	vmor vm0, vm14;
	vm14 =	vgt.f32 v16, v14  }
0x9b: {  	vm0 =	vmand vm14, vm0  }
0x9c: {  	v14 =	vsel vm0, v16, v14;
	v15 =	vsel vm0, v17, v15  }
0x9d: {  	v16 =	vperm.xlane v14, v1;
	v17 =	vperm.xlane v15, v1;
	_ =	sdelay $0x1  }
0x9e: {  	vm0 =	veq.f32 v16, v14;
	vm14 =	vlt.s32 v17, v15  }
0x9f: {  	vm15 =	vgt.f32 v16, v14;
	vm0 =	vmand vm0, vm14  }
0xa0: {  	vm0 =	vmor vm15, vm0  }
0xa1: {  	v14 =	vsel vm0, v16, v14;
	v15 =	vsel vm0, v17, v15  }
0xa2: {  	v16 =	vperm.xlane v14, v2;
	v17 =	vperm.xlane v15, v2;
	_ =	sdelay $0x1  }
0xa3: {  	vm0 =	veq.f32 v16, v14;
	vm14 =	vlt.s32 v17, v15  }
0xa4: {  	vm15 =	vgt.f32 v16, v14;
	vm0 =	vmand vm0, vm14  }
0xa5: {  	vm0 =	vmor vm15, vm0  }
0xa6: {  	v14 =	vsel vm0, v16, v14;
	v15 =	vsel vm0, v17, v15  }
0xa7: {  	v16 =	vperm.xlane v14, v3;
	v17 =	vperm.xlane v15, v3;
	_ =	sdelay $0x1  }
0xa8: {  	vm0 =	veq.f32 v16, v14;
	vm14 =	vlt.s32 v17, v15  }
0xa9: {  	vm15 =	vgt.f32 v16, v14;
	vm0 =	vmand vm0, vm14  }
0xaa: {  	vm0 =	vmor vm15, vm0  }
0xab: {  	v14 =	vsel vm0, v16, v14;
	v16 =	vsel vm0, v17, v15  }
0xac: {  	s13 =	simm.s32 $0x0;
	v15 =	vperm.xlane v14, v4;
	v17 =	vperm.xlane v16, v4  }
0xad: {  	v18 =	vld [tilespmem:s13+$0x0]  }
0xae: {  	vm0 =	veq.f32 v15, v14;
	vm14 =	vlt.s32 v17, v16  }
0xaf: {  	vm15 =	vgt.f32 v15, v14;
	vm0 =	vmand vm0, vm14  }
0xb0: {  	v19 =	vor.u32 s13, v0;
	vm0 =	vmor vm15, vm0  }
0xb1: {  	v15 =	vsel vm0, v15, v14;
	v14 =	vsel vm0, v17, v16;
	v16 =	vimm.f32 $-Inf  }
0xb2: {  	s14 =	simm.s32 $0x10;
	s13 =	simm.s32 $0x10;
	v17 =	vimm.s32 $0x800;
	vm14 =	veq.f32 v18, v15;
	vm15 =	vgt.s32 v19, v14  }
.LBB2_12:
0xb3: {  	v20 =	vld [tilespmem:s14+$0x0];
	p0 =	sne.s32 s13, $0x7F0;
	vm0 =	vlt.f32 v18, v15;
	vm14 =	vmand vm15, vm14;
	s15 =	smov.u32 s13;
	s13 =	sadd.s32 $0x10, s13  }
.Ltmp5:
0xb4: {  	vm0 =	vmor vm0, vm14;
	vm14 =	vgt.f32 v18, v16;
	(pc) =	sbr.rel @p0 .LBB2_12-.Ltmp5, $4  }
0xb5: {  	vm0 =	vmand vm14, vm0  }
0xb6: {  	v16 =	vsel vm0, v18, v16;
	v17 =	vsel vm0, v19, v17  }
0xb7: {  	v19 =	vor.u32 s15, v0  }
0xb8: {  	s14 =	sadd.s32 $0x10, s14;
	vm15 =	vgt.s32 v19, v14;
	vm14 =	veq.f32 v20, v15;
	v18 =	vmov v20  }
0xb9: {  	vm0 =	vlt.f32 v18, v15;
	vm14 =	vmand vm15, vm14  }
0xba: {  	vm0 =	vmor vm0, vm14;
	vm14 =	vgt.f32 v18, v16  }
0xbb: {  	vm0 =	vmand vm14, vm0  }
0xbc: {  	v16 =	vsel vm0, v18, v16;
	v17 =	vsel vm0, v19, v17  }
0xbd: {  	v18 =	vperm.xlane v16, v1;
	v19 =	vperm.xlane v17, v1;
	_ =	sdelay $0x1  }
0xbe: {  	vm0 =	veq.f32 v18, v16;
	vm14 =	vlt.s32 v19, v17  }
0xbf: {  	vm15 =	vgt.f32 v18, v16;
	vm0 =	vmand vm0, vm14  }
0xc0: {  	vm0 =	vmor vm15, vm0  }
0xc1: {  	v16 =	vsel vm0, v18, v16;
	v17 =	vsel vm0, v19, v17  }
0xc2: {  	v18 =	vperm.xlane v16, v2;
	v19 =	vperm.xlane v17, v2;
	_ =	sdelay $0x1  }
0xc3: {  	vm0 =	veq.f32 v18, v16;
	vm14 =	vlt.s32 v19, v17  }
0xc4: {  	vm15 =	vgt.f32 v18, v16;
	vm0 =	vmand vm0, vm14  }
0xc5: {  	vm0 =	vmor vm15, vm0  }
0xc6: {  	v16 =	vsel vm0, v18, v16;
	v17 =	vsel vm0, v19, v17  }
0xc7: {  	v18 =	vperm.xlane v16, v3;
	v19 =	vperm.xlane v17, v3;
	_ =	sdelay $0x1  }
0xc8: {  	vm0 =	veq.f32 v18, v16;
	vm14 =	vlt.s32 v19, v17  }
0xc9: {  	vm15 =	vgt.f32 v18, v16;
	vm0 =	vmand vm0, vm14  }
0xca: {  	vm0 =	vmor vm15, vm0  }
0xcb: {  	v16 =	vsel vm0, v18, v16;
	v18 =	vsel vm0, v19, v17  }
0xcc: {  	s13 =	simm.s32 $0x0;
	v17 =	vperm.xlane v16, v4;
	v19 =	vperm.xlane v18, v4  }
0xcd: {  	v20 =	vld [tilespmem:s13+$0x0]  }
0xce: {  	vm0 =	veq.f32 v17, v16;
	vm14 =	vlt.s32 v19, v18  }
0xcf: {  	vm15 =	vgt.f32 v17, v16;
	vm0 =	vmand vm0, vm14  }
0xd0: {  	v21 =	vor.u32 s13, v0;
	vm0 =	vmor vm15, vm0  }
0xd1: {  	v17 =	vsel vm0, v17, v16;
	v16 =	vsel vm0, v19, v18;
	v18 =	vimm.f32 $-Inf  }
0xd2: {  	s14 =	simm.s32 $0x10;
	s13 =	simm.s32 $0x10;
	v19 =	vimm.s32 $0x800;
	vm14 =	veq.f32 v20, v17;
	vm15 =	vgt.s32 v21, v16  }
.LBB2_14:
0xd3: {  	v22 =	vld [tilespmem:s14+$0x0];
	p0 =	sne.s32 s13, $0x7F0;
	vm0 =	vlt.f32 v20, v17;
	vm14 =	vmand vm15, vm14;
	s15 =	smov.u32 s13;
	s13 =	sadd.s32 $0x10, s13  }
.Ltmp6:
0xd4: {  	vm0 =	vmor vm0, vm14;
	vm14 =	vgt.f32 v20, v18;
	(pc) =	sbr.rel @p0 .LBB2_14-.Ltmp6, $4  }
0xd5: {  	vm0 =	vmand vm14, vm0  }
0xd6: {  	v18 =	vsel vm0, v20, v18;
	v19 =	vsel vm0, v21, v19  }
0xd7: {  	v21 =	vor.u32 s15, v0  }
0xd8: {  	s14 =	sadd.s32 $0x10, s14;
	vm15 =	vgt.s32 v21, v16;
	vm14 =	veq.f32 v22, v17;
	v20 =	vmov v22  }
0xd9: {  	vm0 =	vlt.f32 v20, v17;
	vm14 =	vmand vm15, vm14  }
0xda: {  	vm0 =	vmor vm0, vm14;
	vm14 =	vgt.f32 v20, v18  }
0xdb: {  	vm0 =	vmand vm14, vm0  }
0xdc: {  	v18 =	vsel vm0, v20, v18;
	v19 =	vsel vm0, v21, v19  }
0xdd: {  	v20 =	vperm.xlane v18, v1;
	v21 =	vperm.xlane v19, v1;
	_ =	sdelay $0x1  }
0xde: {  	vm0 =	veq.f32 v20, v18;
	vm14 =	vlt.s32 v21, v19  }
0xdf: {  	vm15 =	vgt.f32 v20, v18;
	vm0 =	vmand vm0, vm14  }
0xe0: {  	vm0 =	vmor vm15, vm0  }
0xe1: {  	v18 =	vsel vm0, v20, v18;
	v19 =	vsel vm0, v21, v19  }
0xe2: {  	v20 =	vperm.xlane v18, v2;
	v21 =	vperm.xlane v19, v2;
	_ =	sdelay $0x1  }
0xe3: {  	vm0 =	veq.f32 v20, v18;
	vm14 =	vlt.s32 v21, v19  }
0xe4: {  	vm15 =	vgt.f32 v20, v18;
	vm0 =	vmand vm0, vm14  }
0xe5: {  	vm0 =	vmor vm15, vm0  }
0xe6: {  	v18 =	vsel vm0, v20, v18;
	v19 =	vsel vm0, v21, v19  }
0xe7: {  	v20 =	vperm.xlane v18, v3;
	v21 =	vperm.xlane v19, v3;
	_ =	sdelay $0x1  }
0xe8: {  	vm0 =	veq.f32 v20, v18;
	vm14 =	vlt.s32 v21, v19  }
0xe9: {  	vm15 =	vgt.f32 v20, v18;
	vm0 =	vmand vm0, vm14  }
0xea: {  	vm0 =	vmor vm15, vm0  }
0xeb: {  	v18 =	vsel vm0, v20, v18;
	v20 =	vsel vm0, v21, v19  }
0xec: {  	s13 =	simm.s32 $0x0;
	v19 =	vperm.xlane v18, v4;
	v21 =	vperm.xlane v20, v4  }
0xed: {  	v22 =	vld [tilespmem:s13+$0x0]  }
0xee: {  	vm0 =	veq.f32 v19, v18;
	vm14 =	vlt.s32 v21, v20  }
0xef: {  	vm15 =	vgt.f32 v19, v18;
	vm0 =	vmand vm0, vm14  }
0xf0: {  	v23 =	vor.u32 s13, v0;
	vm0 =	vmor vm15, vm0  }
0xf1: {  	v19 =	vsel vm0, v19, v18;
	v18 =	vsel vm0, v21, v20;
	v20 =	vimm.f32 $-Inf  }
0xf2: {  	s14 =	simm.s32 $0x10;
	s13 =	simm.s32 $0x10;
	v21 =	vimm.s32 $0x800;
	vm14 =	veq.f32 v22, v19;
	vm15 =	vgt.s32 v23, v18  }
.LBB2_16:
0xf3: {  	v24 =	vld [tilespmem:s14+$0x0];
	p0 =	sne.s32 s13, $0x7F0;
	vm0 =	vlt.f32 v22, v19;
	vm14 =	vmand vm15, vm14;
	s15 =	smov.u32 s13;
	s13 =	sadd.s32 $0x10, s13  }
.Ltmp7:
0xf4: {  	vm0 =	vmor vm0, vm14;
	vm14 =	vgt.f32 v22, v20;
	(pc) =	sbr.rel @p0 .LBB2_16-.Ltmp7, $4  }
0xf5: {  	vm0 =	vmand vm14, vm0  }
0xf6: {  	v20 =	vsel vm0, v22, v20;
	v21 =	vsel vm0, v23, v21  }
0xf7: {  	v23 =	vor.u32 s15, v0  }
0xf8: {  	s14 =	sadd.s32 $0x10, s14;
	vm15 =	vgt.s32 v23, v18;
	vm14 =	veq.f32 v24, v19;
	v22 =	vmov v24  }
0xf9: {  	vm0 =	vlt.f32 v22, v19;
	vm14 =	vmand vm15, vm14  }
0xfa: {  	vm0 =	vmor vm0, vm14;
	vm14 =	vgt.f32 v22, v20  }
0xfb: {  	vm0 =	vmand vm14, vm0  }
0xfc: {  	v20 =	vsel vm0, v22, v20;
	v21 =	vsel vm0, v23, v21  }
0xfd: {  	v22 =	vperm.xlane v20, v1;
	v23 =	vperm.xlane v21, v1;
	_ =	sdelay $0x1  }
0xfe: {  	vm0 =	veq.f32 v22, v20;
	vm14 =	vlt.s32 v23, v21  }
0xff: {  	vm15 =	vgt.f32 v22, v20;
	vm0 =	vmand vm0, vm14  }
0x100: {  	vm0 =	vmor vm15, vm0  }
0x101: {  	v20 =	vsel vm0, v22, v20;
	v21 =	vsel vm0, v23, v21  }
0x102: {  	v22 =	vperm.xlane v20, v2;
	v23 =	vperm.xlane v21, v2;
	_ =	sdelay $0x1  }
0x103: {  	vm0 =	veq.f32 v22, v20;
	vm14 =	vlt.s32 v23, v21  }
0x104: {  	vm15 =	vgt.f32 v22, v20;
	vm0 =	vmand vm0, vm14  }
0x105: {  	vm0 =	vmor vm15, vm0  }
0x106: {  	v20 =	vsel vm0, v22, v20;
	v21 =	vsel vm0, v23, v21  }
0x107: {  	v22 =	vperm.xlane v20, v3;
	v23 =	vperm.xlane v21, v3;
	_ =	sdelay $0x1  }
0x108: {  	vm0 =	veq.f32 v22, v20;
	vm14 =	vlt.s32 v23, v21  }
0x109: {  	vm15 =	vgt.f32 v22, v20;
	vm0 =	vmand vm0, vm14  }
0x10a: {  	vm0 =	vmor vm15, vm0  }
0x10b: {  	v20 =	vsel vm0, v22, v20;
	v22 =	vsel vm0, v23, v21  }
0x10c: {  	s13 =	simm.s32 $0x0;
	v21 =	vperm.xlane v20, v4;
	v23 =	vperm.xlane v22, v4  }
0x10d: {  	v24 =	vld [tilespmem:s13+$0x0]  }
0x10e: {  	vm0 =	veq.f32 v21, v20;
	vm14 =	vlt.s32 v23, v22  }
0x10f: {  	vm15 =	vgt.f32 v21, v20;
	vm0 =	vmand vm0, vm14  }
0x110: {  	v25 =	vor.u32 s13, v0;
	vm0 =	vmor vm15, vm0  }
0x111: {  	v21 =	vsel vm0, v21, v20;
	v20 =	vsel vm0, v23, v22;
	v22 =	vimm.f32 $-Inf  }
0x112: {  	s14 =	simm.s32 $0x10;
	s13 =	simm.s32 $0x10;
	v23 =	vimm.s32 $0x800;
	vm14 =	veq.f32 v24, v21;
	vm15 =	vgt.s32 v25, v20  }
.LBB2_18:
0x113: {  	v26 =	vld [tilespmem:s14+$0x0];
	p0 =	sne.s32 s13, $0x7F0;
	vm0 =	vlt.f32 v24, v21;
	vm14 =	vmand vm15, vm14;
	s15 =	smov.u32 s13;
	s13 =	sadd.s32 $0x10, s13  }
.Ltmp8:
0x114: {  	vm0 =	vmor vm0, vm14;
	vm14 =	vgt.f32 v24, v22;
	(pc) =	sbr.rel @p0 .LBB2_18-.Ltmp8, $4  }
0x115: {  	vm0 =	vmand vm14, vm0  }
0x116: {  	v22 =	vsel vm0, v24, v22;
	v23 =	vsel vm0, v25, v23  }
0x117: {  	v25 =	vor.u32 s15, v0  }
0x118: {  	s14 =	sadd.s32 $0x10, s14;
	vm15 =	vgt.s32 v25, v20;
	vm14 =	veq.f32 v26, v21;
	v24 =	vmov v26  }
0x119: {  	vm0 =	vlt.f32 v24, v21;
	vm14 =	vmand vm15, vm14  }
0x11a: {  	vm0 =	vmor vm0, vm14;
	vm14 =	vgt.f32 v24, v22  }
0x11b: {  	vm0 =	vmand vm14, vm0  }
0x11c: {  	v22 =	vsel vm0, v24, v22;
	v23 =	vsel vm0, v25, v23  }
0x11d: {  	v24 =	vperm.xlane v22, v1;
	v25 =	vperm.xlane v23, v1;
	_ =	sdelay $0x1  }
0x11e: {  	vm0 =	veq.f32 v24, v22;
	vm14 =	vlt.s32 v25, v23  }
0x11f: {  	vm15 =	vgt.f32 v24, v22;
	vm0 =	vmand vm0, vm14  }
0x120: {  	vm0 =	vmor vm15, vm0  }
0x121: {  	v22 =	vsel vm0, v24, v22;
	v23 =	vsel vm0, v25, v23  }
0x122: {  	v24 =	vperm.xlane v22, v2;
	v25 =	vperm.xlane v23, v2;
	_ =	sdelay $0x1  }
0x123: {  	vm0 =	veq.f32 v24, v22;
	vm14 =	vlt.s32 v25, v23  }
0x124: {  	vm15 =	vgt.f32 v24, v22;
	vm0 =	vmand vm0, vm14  }
0x125: {  	vm0 =	vmor vm15, vm0  }
0x126: {  	v22 =	vsel vm0, v24, v22;
	v23 =	vsel vm0, v25, v23  }
0x127: {  	v24 =	vperm.xlane v22, v3;
	v25 =	vperm.xlane v23, v3;
	_ =	sdelay $0x1  }
0x128: {  	vm0 =	veq.f32 v24, v22;
	vm14 =	vlt.s32 v25, v23  }
0x129: {  	vm15 =	vgt.f32 v24, v22;
	vm0 =	vmand vm0, vm14  }
0x12a: {  	vm0 =	vmor vm15, vm0  }
0x12b: {  	v22 =	vsel vm0, v24, v22;
	v24 =	vsel vm0, v25, v23  }
0x12c: {  	s13 =	simm.s32 $0x0;
	v23 =	vperm.xlane v22, v4;
	v25 =	vperm.xlane v24, v4  }
0x12d: {  	v26 =	vld [tilespmem:s13+$0x0]  }
0x12e: {  	vm0 =	veq.f32 v23, v22;
	vm14 =	vlt.s32 v25, v24  }
0x12f: {  	vm15 =	vgt.f32 v23, v22;
	vm0 =	vmand vm0, vm14  }
0x130: {  	v27 =	vor.u32 s13, v0;
	vm0 =	vmor vm15, vm0  }
0x131: {  	v23 =	vsel vm0, v23, v22;
	v22 =	vsel vm0, v25, v24;
	v24 =	vimm.f32 $-Inf  }
0x132: {  	s14 =	simm.s32 $0x10;
	s13 =	simm.s32 $0x10;
	v25 =	vimm.s32 $0x800;
	vm14 =	veq.f32 v26, v23;
	vm15 =	vgt.s32 v27, v22  }
.LBB2_20:
0x133: {  	v28 =	vld [tilespmem:s14+$0x0];
	p0 =	sne.s32 s13, $0x7F0;
	vm0 =	vlt.f32 v26, v23;
	vm14 =	vmand vm15, vm14;
	s15 =	smov.u32 s13;
	s13 =	sadd.s32 $0x10, s13  }
.Ltmp9:
0x134: {  	vm0 =	vmor vm0, vm14;
	vm14 =	vgt.f32 v26, v24;
	(pc) =	sbr.rel @p0 .LBB2_20-.Ltmp9, $4  }
0x135: {  	vm0 =	vmand vm14, vm0  }
0x136: {  	v24 =	vsel vm0, v26, v24;
	v25 =	vsel vm0, v27, v25  }
0x137: {  	v27 =	vor.u32 s15, v0  }
0x138: {  	s14 =	sadd.s32 $0x10, s14;
	vm15 =	vgt.s32 v27, v22;
	vm14 =	veq.f32 v28, v23;
	v26 =	vmov v28  }
0x139: {  	vm0 =	vlt.f32 v26, v23;
	vm14 =	vmand vm15, vm14  }
0x13a: {  	vm0 =	vmor vm0, vm14;
	vm14 =	vgt.f32 v26, v24  }
0x13b: {  	vm0 =	vmand vm14, vm0  }
0x13c: {  	v24 =	vsel vm0, v26, v24;
	v25 =	vsel vm0, v27, v25  }
0x13d: {  	v26 =	vperm.xlane v24, v1;
	v27 =	vperm.xlane v25, v1;
	_ =	sdelay $0x1  }
0x13e: {  	vm0 =	veq.f32 v26, v24;
	vm14 =	vlt.s32 v27, v25  }
0x13f: {  	vm15 =	vgt.f32 v26, v24;
	vm0 =	vmand vm0, vm14  }
0x140: {  	vm0 =	vmor vm15, vm0  }
0x141: {  	v24 =	vsel vm0, v26, v24;
	v25 =	vsel vm0, v27, v25  }
0x142: {  	v26 =	vperm.xlane v24, v2;
	v27 =	vperm.xlane v25, v2;
	_ =	sdelay $0x1  }
0x143: {  	vm0 =	veq.f32 v26, v24;
	vm14 =	vlt.s32 v27, v25  }
0x144: {  	vm15 =	vgt.f32 v26, v24;
	vm0 =	vmand vm0, vm14  }
0x145: {  	vm0 =	vmor vm15, vm0  }
0x146: {  	v24 =	vsel vm0, v26, v24;
	v25 =	vsel vm0, v27, v25  }
0x147: {  	v26 =	vperm.xlane v24, v3;
	v27 =	vperm.xlane v25, v3;
	_ =	sdelay $0x1  }
0x148: {  	vm0 =	veq.f32 v26, v24;
	vm14 =	vlt.s32 v27, v25  }
0x149: {  	vm15 =	vgt.f32 v26, v24;
	vm0 =	vmand vm0, vm14  }
0x14a: {  	vm0 =	vmor vm15, vm0  }
0x14b: {  	v24 =	vsel vm0, v26, v24;
	v26 =	vsel vm0, v27, v25  }
0x14c: {  	s13 =	simm.s32 $0x0;
	v25 =	vperm.xlane v24, v4;
	v27 =	vperm.xlane v26, v4  }
0x14d: {  	v28 =	vld [tilespmem:s13+$0x0]  }
0x14e: {  	vm0 =	veq.f32 v25, v24;
	vm14 =	vlt.s32 v27, v26  }
0x14f: {  	vm15 =	vgt.f32 v25, v24;
	vm0 =	vmand vm0, vm14  }
0x150: {  	v29 =	vor.u32 s13, v0;
	vm0 =	vmor vm15, vm0  }
0x151: {  	v25 =	vsel vm0, v25, v24;
	v24 =	vsel vm0, v27, v26;
	v26 =	vimm.f32 $-Inf  }
0x152: {  	s14 =	simm.s32 $0x10;
	s13 =	simm.s32 $0x10;
	v27 =	vimm.s32 $0x800;
	vm14 =	veq.f32 v28, v25;
	vm15 =	vgt.s32 v29, v24  }
.LBB2_22:
0x153: {  	v30 =	vld [tilespmem:s14+$0x0];
	p0 =	sne.s32 s13, $0x7F0;
	vm0 =	vlt.f32 v28, v25;
	vm14 =	vmand vm15, vm14;
	s15 =	smov.u32 s13;
	s13 =	sadd.s32 $0x10, s13  }
.Ltmp10:
0x154: {  	vm0 =	vmor vm0, vm14;
	vm14 =	vgt.f32 v28, v26;
	(pc) =	sbr.rel @p0 .LBB2_22-.Ltmp10, $4  }
0x155: {  	vm0 =	vmand vm14, vm0  }
0x156: {  	v26 =	vsel vm0, v28, v26;
	v27 =	vsel vm0, v29, v27  }
0x157: {  	v29 =	vor.u32 s15, v0  }
0x158: {  	s14 =	sadd.s32 $0x10, s14;
	vm15 =	vgt.s32 v29, v24;
	vm14 =	veq.f32 v30, v25;
	v28 =	vmov v30  }
0x159: {  	vm0 =	vlt.f32 v28, v25;
	vm14 =	vmand vm15, vm14  }
0x15a: {  	vm0 =	vmor vm0, vm14;
	vm14 =	vgt.f32 v28, v26  }
0x15b: {  	vm0 =	vmand vm14, vm0  }
0x15c: {  	v26 =	vsel vm0, v28, v26;
	v27 =	vsel vm0, v29, v27  }
0x15d: {  	v28 =	vperm.xlane v26, v1;
	v29 =	vperm.xlane v27, v1;
	_ =	sdelay $0x1  }
0x15e: {  	vm0 =	veq.f32 v28, v26;
	vm14 =	vlt.s32 v29, v27  }
0x15f: {  	vm15 =	vgt.f32 v28, v26;
	vm0 =	vmand vm0, vm14  }
0x160: {  	vm0 =	vmor vm15, vm0  }
0x161: {  	v26 =	vsel vm0, v28, v26;
	v27 =	vsel vm0, v29, v27  }
0x162: {  	v28 =	vperm.xlane v26, v2;
	v29 =	vperm.xlane v27, v2;
	_ =	sdelay $0x1  }
0x163: {  	vm0 =	veq.f32 v28, v26;
	vm14 =	vlt.s32 v29, v27  }
0x164: {  	vm15 =	vgt.f32 v28, v26;
	vm0 =	vmand vm0, vm14  }
0x165: {  	vm0 =	vmor vm15, vm0  }
0x166: {  	v26 =	vsel vm0, v28, v26;
	v27 =	vsel vm0, v29, v27  }
0x167: {  	v28 =	vperm.xlane v26, v3;
	v29 =	vperm.xlane v27, v3;
	_ =	sdelay $0x1  }
0x168: {  	vm0 =	veq.f32 v28, v26;
	vm14 =	vlt.s32 v29, v27  }
0x169: {  	vm15 =	vgt.f32 v28, v26;
	vm0 =	vmand vm0, vm14  }
0x16a: {  	vm0 =	vmor vm15, vm0  }
0x16b: {  	v26 =	vsel vm0, v28, v26;
	v28 =	vsel vm0, v29, v27  }
0x16c: {  	s13 =	simm.s32 $0x0;
	v27 =	vperm.xlane v26, v4;
	v29 =	vperm.xlane v28, v4  }
0x16d: {  	v30 =	vld [tilespmem:s13+$0x0]  }
0x16e: {  	vm0 =	veq.f32 v27, v26;
	vm14 =	vlt.s32 v29, v28  }
0x16f: {  	vm15 =	vgt.f32 v27, v26;
	vm0 =	vmand vm0, vm14  }
0x170: {  	v31 =	vor.u32 s13, v0;
	vm0 =	vmor vm15, vm0  }
0x171: {  	v27 =	vsel vm0, v27, v26;
	v26 =	vsel vm0, v29, v28;
	v28 =	vimm.f32 $-Inf  }
0x172: {  	s14 =	simm.s32 $0x10;
	s13 =	simm.s32 $0x10;
	v29 =	vimm.s32 $0x800;
	vm14 =	veq.f32 v30, v27;
	vm15 =	vgt.s32 v31, v26  }
.LBB2_24:
0x173: {  	v32 =	vld [tilespmem:s14+$0x0];
	p0 =	sne.s32 s13, $0x7F0;
	vm0 =	vlt.f32 v30, v27;
	vm14 =	vmand vm15, vm14;
	s15 =	smov.u32 s13;
	s13 =	sadd.s32 $0x10, s13  }
.Ltmp11:
0x174: {  	vm0 =	vmor vm0, vm14;
	vm14 =	vgt.f32 v30, v28;
	(pc) =	sbr.rel @p0 .LBB2_24-.Ltmp11, $4  }
0x175: {  	vm0 =	vmand vm14, vm0  }
0x176: {  	v28 =	vsel vm0, v30, v28;
	v29 =	vsel vm0, v31, v29  }
0x177: {  	v31 =	vor.u32 s15, v0  }
0x178: {  	s14 =	sadd.s32 $0x10, s14;
	vm15 =	vgt.s32 v31, v26;
	vm14 =	veq.f32 v32, v27;
	v30 =	vmov v32  }
0x179: {  	vm0 =	vlt.f32 v30, v27;
	vm14 =	vmand vm15, vm14  }
0x17a: {  	vm0 =	vmor vm0, vm14;
	vm14 =	vgt.f32 v30, v28  }
0x17b: {  	vm0 =	vmand vm14, vm0  }
0x17c: {  	v28 =	vsel vm0, v30, v28;
	v29 =	vsel vm0, v31, v29  }
0x17d: {  	v30 =	vperm.xlane v28, v1;
	v31 =	vperm.xlane v29, v1;
	_ =	sdelay $0x1  }
0x17e: {  	vm0 =	veq.f32 v30, v28;
	vm14 =	vlt.s32 v31, v29  }
0x17f: {  	vm15 =	vgt.f32 v30, v28;
	vm0 =	vmand vm0, vm14  }
0x180: {  	vm0 =	vmor vm15, vm0  }
0x181: {  	v28 =	vsel vm0, v30, v28;
	v29 =	vsel vm0, v31, v29  }
0x182: {  	v30 =	vperm.xlane v28, v2;
	v31 =	vperm.xlane v29, v2;
	_ =	sdelay $0x1  }
0x183: {  	vm0 =	veq.f32 v30, v28;
	vm14 =	vlt.s32 v31, v29  }
0x184: {  	vm15 =	vgt.f32 v30, v28;
	vm0 =	vmand vm0, vm14  }
0x185: {  	vm0 =	vmor vm15, vm0  }
0x186: {  	v28 =	vsel vm0, v30, v28;
	v29 =	vsel vm0, v31, v29  }
0x187: {  	v30 =	vperm.xlane v28, v3;
	v31 =	vperm.xlane v29, v3;
	_ =	sdelay $0x1  }
0x188: {  	vm0 =	veq.f32 v30, v28;
	vm14 =	vlt.s32 v31, v29  }
0x189: {  	vm15 =	vgt.f32 v30, v28;
	vm0 =	vmand vm0, vm14  }
0x18a: {  	vm0 =	vmor vm15, vm0  }
0x18b: {  	v28 =	vsel vm0, v30, v28;
	v30 =	vsel vm0, v31, v29  }
0x18c: {  	s13 =	simm.s32 $0x0;
	v29 =	vperm.xlane v28, v4;
	v31 =	vperm.xlane v30, v4  }
0x18d: {  	v32 =	vld [tilespmem:s13+$0x0]  }
0x18e: {  	vm0 =	veq.f32 v29, v28;
	vm14 =	vlt.s32 v31, v30  }
0x18f: {  	vm15 =	vgt.f32 v29, v28;
	vm0 =	vmand vm0, vm14  }
0x190: {  	v33 =	vor.u32 s13, v0;
	vm0 =	vmor vm15, vm0  }
0x191: {  	v29 =	vsel vm0, v29, v28;
	v28 =	vsel vm0, v31, v30;
	v30 =	vimm.f32 $-Inf  }
0x192: {  	s14 =	simm.s32 $0x10;
	s13 =	simm.s32 $0x10;
	v31 =	vimm.s32 $0x800;
	vm14 =	veq.f32 v32, v29;
	vm15 =	vgt.s32 v33, v28  }
.LBB2_26:
0x193: {  	v34 =	vld [tilespmem:s14+$0x0];
	p0 =	sne.s32 s13, $0x7F0;
	vm0 =	vlt.f32 v32, v29;
	vm14 =	vmand vm15, vm14;
	s15 =	smov.u32 s13;
	s13 =	sadd.s32 $0x10, s13  }
.Ltmp12:
0x194: {  	vm0 =	vmor vm0, vm14;
	vm14 =	vgt.f32 v32, v30;
	(pc) =	sbr.rel @p0 .LBB2_26-.Ltmp12, $4  }
0x195: {  	vm0 =	vmand vm14, vm0  }
0x196: {  	v30 =	vsel vm0, v32, v30;
	v31 =	vsel vm0, v33, v31  }
0x197: {  	v33 =	vor.u32 s15, v0  }
0x198: {  	s14 =	sadd.s32 $0x10, s14;
	vm15 =	vgt.s32 v33, v28;
	vm14 =	veq.f32 v34, v29;
	v32 =	vmov v34  }
0x199: {  	vm0 =	vlt.f32 v32, v29;
	vm14 =	vmand vm15, vm14  }
0x19a: {  	vm0 =	vmor vm0, vm14;
	vm14 =	vgt.f32 v32, v30  }
0x19b: {  	vm0 =	vmand vm14, vm0  }
0x19c: {  	v30 =	vsel vm0, v32, v30;
	v31 =	vsel vm0, v33, v31  }
0x19d: {  	v32 =	vperm.xlane v30, v1;
	v33 =	vperm.xlane v31, v1;
	_ =	sdelay $0x1  }
0x19e: {  	vm0 =	veq.f32 v32, v30;
	vm14 =	vlt.s32 v33, v31  }
0x19f: {  	vm15 =	vgt.f32 v32, v30;
	vm0 =	vmand vm0, vm14  }
0x1a0: {  	vm0 =	vmor vm15, vm0  }
0x1a1: {  	v30 =	vsel vm0, v32, v30;
	v31 =	vsel vm0, v33, v31  }
0x1a2: {  	v32 =	vperm.xlane v30, v2;
	v33 =	vperm.xlane v31, v2;
	_ =	sdelay $0x1  }
0x1a3: {  	vm0 =	veq.f32 v32, v30;
	vm14 =	vlt.s32 v33, v31  }
0x1a4: {  	vm15 =	vgt.f32 v32, v30;
	vm0 =	vmand vm0, vm14  }
0x1a5: {  	vm0 =	vmor vm15, vm0  }
0x1a6: {  	v30 =	vsel vm0, v32, v30;
	v31 =	vsel vm0, v33, v31  }
0x1a7: {  	v32 =	vperm.xlane v30, v3;
	v33 =	vperm.xlane v31, v3;
	_ =	sdelay $0x1  }
0x1a8: {  	vm0 =	veq.f32 v32, v30;
	vm14 =	vlt.s32 v33, v31  }
0x1a9: {  	vm15 =	vgt.f32 v32, v30;
	vm0 =	vmand vm0, vm14  }
0x1aa: {  	vm0 =	vmor vm15, vm0  }
0x1ab: {  	v30 =	vsel vm0, v32, v30;
	v63 =	vsel vm0, v33, v31  }
0x1ac: {  	s13 =	simm.s32 $0x0;
	v31 =	vperm.xlane v30, v4;
	v33 =	vperm.xlane v63, v4  }
0x1ad: {  	v34 =	vld [tilespmem:s13+$0x0]  }
0x1ae: {  	vm0 =	veq.f32 v31, v30;
	vm14 =	vlt.s32 v33, v63  }
0x1af: {  	vm15 =	vgt.f32 v31, v30;
	vm0 =	vmand vm0, vm14  }
0x1b0: {  	v35 =	vor.u32 s13, v0;
	vm0 =	vmor vm15, vm0  }
0x1b1: {  	v32 =	vimm.f32 $-Inf;
	v31 =	vsel vm0, v31, v30;
	v30 =	vsel vm0, v33, v63  }
0x1b2: {  	s14 =	simm.s32 $0x10;
	s13 =	simm.s32 $0x10;
	v33 =	vimm.s32 $0x800;
	vm14 =	veq.f32 v34, v31;
	vm15 =	vgt.s32 v35, v30  }
.LBB2_28:
0x1b3: {  	v36 =	vld [tilespmem:s14+$0x0];
	p0 =	sne.s32 s13, $0x7F0;
	vm0 =	vlt.f32 v34, v31;
	vm14 =	vmand vm15, vm14;
	s15 =	smov.u32 s13;
	s13 =	sadd.s32 $0x10, s13  }
.Ltmp13:
0x1b4: {  	vm0 =	vmor vm0, vm14;
	vm14 =	vgt.f32 v34, v32;
	(pc) =	sbr.rel @p0 .LBB2_28-.Ltmp13, $4  }
0x1b5: {  	vm0 =	vmand vm14, vm0  }
0x1b6: {  	v32 =	vsel vm0, v34, v32;
	v33 =	vsel vm0, v35, v33  }
0x1b7: {  	v35 =	vor.u32 s15, v0  }
0x1b8: {  	s14 =	sadd.s32 $0x10, s14;
	vm15 =	vgt.s32 v35, v30;
	vm14 =	veq.f32 v36, v31;
	v34 =	vmov v36  }
0x1b9: {  	vm0 =	vlt.f32 v34, v31;
	vm14 =	vmand vm15, vm14  }
0x1ba: {  	vm0 =	vmor vm0, vm14;
	vm14 =	vgt.f32 v34, v32  }
0x1bb: {  	vm0 =	vmand vm14, vm0  }
0x1bc: {  	v61 =	vsel vm0, v34, v32;
	v33 =	vsel vm0, v35, v33  }
0x1bd: {  	v34 =	vperm.xlane v61, v1;
	v35 =	vperm.xlane v33, v1;
	_ =	sdelay $0x1  }
0x1be: {  	vm0 =	veq.f32 v34, v61;
	vm14 =	vlt.s32 v35, v33  }
0x1bf: {  	vm15 =	vgt.f32 v34, v61;
	vm0 =	vmand vm0, vm14  }
0x1c0: {  	vm0 =	vmor vm15, vm0  }
0x1c1: {  	v32 =	vsel vm0, v34, v61;
	v33 =	vsel vm0, v35, v33  }
0x1c2: {  	v34 =	vperm.xlane v32, v2;
	v35 =	vperm.xlane v33, v2;
	_ =	sdelay $0x1  }
0x1c3: {  	vm0 =	veq.f32 v34, v32;
	vm14 =	vlt.s32 v35, v33  }
0x1c4: {  	vm15 =	vgt.f32 v34, v32;
	vm0 =	vmand vm0, vm14  }
0x1c5: {  	vm0 =	vmor vm15, vm0  }
0x1c6: {  	v32 =	vsel vm0, v34, v32;
	v33 =	vsel vm0, v35, v33  }
0x1c7: {  	v34 =	vperm.xlane v32, v3;
	v35 =	vperm.xlane v33, v3;
	_ =	sdelay $0x1  }
0x1c8: {  	vm0 =	veq.f32 v34, v32;
	vm14 =	vlt.s32 v35, v33  }
0x1c9: {  	vm15 =	vgt.f32 v34, v32;
	vm0 =	vmand vm0, vm14  }
0x1ca: {  	vm0 =	vmor vm15, vm0  }
0x1cb: {  	v32 =	vsel vm0, v34, v32;
	v62 =	vsel vm0, v35, v33  }
0x1cc: {  	s13 =	simm.s32 $0x0;
	v63 =	vperm.xlane v32, v4;
	v35 =	vperm.xlane v62, v4  }
0x1cd: {  	v36 =	vld [tilespmem:s13+$0x0]  }
0x1ce: {  	vm0 =	veq.f32 v63, v32;
	vm14 =	vlt.s32 v35, v62  }
0x1cf: {  	vm15 =	vgt.f32 v63, v32;
	vm0 =	vmand vm0, vm14  }
0x1d0: {  	v37 =	vor.u32 s13, v0;
	vm0 =	vmor vm15, vm0  }
0x1d1: {  	v34 =	vimm.f32 $-Inf;
	v33 =	vsel vm0, v63, v32;
	v32 =	vsel vm0, v35, v62  }
0x1d2: {  	s14 =	simm.s32 $0x10;
	s13 =	simm.s32 $0x10;
	v35 =	vimm.s32 $0x800;
	vm14 =	veq.f32 v36, v33;
	vm15 =	vgt.s32 v37, v32  }
.LBB2_30:
0x1d3: {  	v38 =	vld [tilespmem:s14+$0x0];
	p0 =	sne.s32 s13, $0x7F0;
	vm0 =	vlt.f32 v36, v33;
	vm14 =	vmand vm15, vm14;
	s15 =	smov.u32 s13;
	s13 =	sadd.s32 $0x10, s13  }
.Ltmp14:
0x1d4: {  	vm0 =	vmor vm0, vm14;
	vm14 =	vgt.f32 v36, v34;
	(pc) =	sbr.rel @p0 .LBB2_30-.Ltmp14, $4  }
0x1d5: {  	vm0 =	vmand vm14, vm0  }
0x1d6: {  	v34 =	vsel vm0, v36, v34;
	v35 =	vsel vm0, v37, v35  }
0x1d7: {  	v37 =	vor.u32 s15, v0  }
0x1d8: {  	s14 =	sadd.s32 $0x10, s14;
	vm15 =	vgt.s32 v37, v32;
	vm14 =	veq.f32 v38, v33;
	v36 =	vmov v38  }
0x1d9: {  	vm0 =	vlt.f32 v36, v33;
	vm14 =	vmand vm15, vm14  }
0x1da: {  	vm0 =	vmor vm0, vm14;
	vm14 =	vgt.f32 v36, v34  }
0x1db: {  	vm0 =	vmand vm14, vm0  }
0x1dc: {  	v52 =	vsel vm0, v36, v34;
	v35 =	vsel vm0, v37, v35  }
0x1dd: {  	v36 =	vperm.xlane v52, v1;
	v37 =	vperm.xlane v35, v1;
	_ =	sdelay $0x1  }
0x1de: {  	vm0 =	veq.f32 v36, v52;
	vm14 =	vlt.s32 v37, v35  }
0x1df: {  	vm15 =	vgt.f32 v36, v52;
	vm0 =	vmand vm0, vm14  }
0x1e0: {  	vm0 =	vmor vm15, vm0  }
0x1e1: {  	v34 =	vsel vm0, v36, v52;
	v35 =	vsel vm0, v37, v35  }
0x1e2: {  	v36 =	vperm.xlane v34, v2;
	v37 =	vperm.xlane v35, v2;
	_ =	sdelay $0x1  }
0x1e3: {  	vm0 =	veq.f32 v36, v34;
	vm15 =	vlt.s32 v37, v35  }
0x1e4: {  	vm14 =	veq.s32 v0, $0xF;
	vm0 =	vmand vm0, vm15;
	vm15 =	vgt.f32 v36, v34  }
0x1e5: {  	v7 =	vsel vm14, $0xFF800000, v7;
	vm0 =	vmor vm15, vm0;
	vm15 =	vcmask $0x33C  }
0x1e6: {  	v7 =	vsel vm15, v7, v9;
	v53 =	vsel vm0, v36, v34;
	v54 =	vsel vm0, v37, v35  }
0x1e7: {  	v7 =	vsel vm1, v7, v11;
	v55 =	vperm.xlane v53, v3;
	v35 =	vperm.xlane v54, v3  }
0x1e8: {  	v7 =	vsel vm2, v7, v13  }
0x1e9: {  	v7 =	vsel vm3, v7, v15;
	vm0 =	veq.f32 v55, v53;
	vm15 =	vlt.s32 v35, v54  }
0x1ea: {  	v7 =	vsel vm4, v7, v17;
	vm0 =	vmand vm0, vm15;
	vm15 =	vgt.f32 v55, v53  }
0x1eb: {  	v7 =	vsel vm5, v7, v19;
	vm0 =	vmor vm15, vm0  }
0x1ec: {  	v7 =	vsel vm6, v7, v21;
	v9 =	vsel vm0, v55, v53;
	v56 =	vsel vm0, v35, v54  }
0x1ed: {  	v7 =	vsel vm7, v7, v23;
	v57 =	vperm.xlane v9, v4;
	v58 =	vperm.xlane v56, v4  }
0x1ee: {  	v7 =	vsel vm8, v7, v25  }
0x1ef: {  	v7 =	vsel vm9, v7, v27;
	vm0 =	veq.f32 v57, v9;
	vm15 =	vlt.s32 v58, v56  }
0x1f0: {  	v7 =	vsel vm10, v7, v29;
	vm0 =	vmand vm0, vm15;
	vm15 =	vgt.f32 v57, v9  }
0x1f1: {  	v7 =	vsel vm11, v7, v31;
	vm15 =	vmor vm15, vm0  }
0x1f2: {  	v7 =	vsel vm12, v7, v33;
	v9 =	vsel vm15, v57, v9  }
0x1f3: {  	v7 =	vsel vm13, v7, v9  }
0x1f4: {  	v9 =	vperm.xlane v7, v5;
	_ =	sdelay $0x1  }
0x1f5: {  	v7 =	vsub.f32 v7, v9;
	_ =	sdelay $0x1  }
0x1f6: {  	v7 =	vmul.f32 $1.442695020e+00, v7;
	_ =	sdelay $0x1  }
0x1f7: {  	(erf) = vpow2.f32 v7;
	_ =	sdelay $0x8  }
0x1f8: {  	v7 =	vpop (erf)  }
0x1f9: {  	v7 =	vsel vm14, $0x0, v7  }
0x1fa: {  	v59 =	vperm.xlane v7, v1;
	_ =	sdelay $0x1  }
0x1fb: {  	v9 =	vadd.f32 v7, v59;
	_ =	sdelay $0x1  }
0x1fc: {  	v60 =	vperm.xlane v9, v2;
	_ =	sdelay $0x1  }
0x1fd: {  	v9 =	vadd.f32 v9, v60;
	_ =	sdelay $0x1  }
0x1fe: {  	v13 =	vperm.xlane v9, v3;
	_ =	sdelay $0x1  }
0x1ff: {  	v9 =	vadd.f32 v9, v13  }
0x200: {  	vm0 =	vmmov $0x1  }
0x201: {  	v6 =	vsel vm0, v6, v8;
	vm0 =	vmmov $0x3;
	v61 =	vperm.xlane v9, v4  }
0x202: {  	v6 =	vsel vm0, v6, v10;
	vm0 =	vmmov $0x7  }
0x203: {  	v6 =	vsel vm0, v6, v12;
	vm0 =	vmmov $0xf;
	v8 =	vadd.f32 v9, v61  }
0x204: {  	v6 =	vsel vm0, v6, v14;
	vm0 =	vmmov $0x1f  }
0x205: {  	v6 =	vsel vm0, v6, v16;
	vm0 =	vmmov $0x3f;
	(erf) = vrcp.f32 v8  }
0x206: {  	v6 =	vsel vm0, v6, v18;
	vm0 =	vmmov $0x7f  }
0x207: {  	v6 =	vsel vm0, v6, v20;
	vm0 =	vmmov $0xff  }
0x208: {  	v6 =	vsel vm0, v6, v22;
	vm0 =	vmmov $0x1ff  }
0x209: {  	v6 =	vsel vm0, v6, v24;
	vm0 =	vmmov $0x3ff  }
0x20a: {  	v6 =	vsel vm0, v6, v26;
	vm0 =	vmmov $0x7ff  }
0x20b: {  	v6 =	vsel vm0, v6, v28;
	vm0 =	vmmov $0xfff  }
0x20c: {  	v6 =	vsel vm0, v6, v30;
	vm0 =	vmmov $0x1fff  }
0x20d: {  	v62 =	vsel vm15, v58, v56;
	v6 =	vsel vm0, v6, v32;
	vm0 =	vmmov $0x3fff  }
0x20e: {  	v6 =	vsel vm0, v6, v62;
	v63 =	vpop (erf)  }
0x20f: {  	v6 =	vsel vm14, $0x0, v6;
	v7 =	vmul.f32 v63, v7  }
0x210: {  	[tilespmem:$0x800] =	vst v6  }
0x211: {  	[tilespmem:$0x880] =	vst v7  }
0x212: {  	[hbm4b:s4+s1] =	stream.linear.scatter [tilespmem:s10], [sflag:$0x1], $0x80, $0x38;
	[tilespmem:$0x900] =	vst v63  }
0x213: {  	s12 =	sadd.s32 $0x1, s12;
	_ =	swait.ge [sflag:s9], $0x80  }
0x214: {  	p0 =	sne.s32 s12, s6;
	[sflag:s9] =	ssyncset.done $0x0  }
.Ltmp15:
0x215: {  	[sflag:s9] =	ssyncadd.s32 $0xFFFFFF80;
	(pc) =	sbr.rel @p0 .LBB2_1-.Ltmp15, $4  }
0x216: {  	[hbm4b:s5+s1] =	stream.linear.scatter [tilespmem:s11], [sflag:$0x1], $0x80, $0x38;
	[tilespmem:$0x900] =	vst v63  }
0x217: {  	_ =	swait.ge [sflag:s9], $0x80  }
0x218: {  	[sflag:s9] =	ssyncset.done $0x0  }
0x219: {  	[sflag:s9] =	ssyncadd.s32 $0xFFFFFF80  }
0x21a: {  	_ =	sfence.sel $0x180000  }
0x21b: {  	[bflag:$0x0] =	sbarrier.arrive $0xFFFF  }
0x21c: {  	p0 =	sne.s32 s2, $0x0;
	_ =	strace $0x90000047  }
0x21d: {  	s0 =	sadd.s32 @!p0 $0x100000, s0;
	[bflag:$0x2] =	sbarrier.arrive $0xFFFF  }
0x21e: {  	[sflag:s0] =	ssyncadd.tile.s32 @!p0 $0x1;
	_ =	shalt  }
.Lfunc_end2:
_tile_overlayer_lowered:
.L_overlay_start_2:
0x21f: {  	(tag) =	ssettag $0x2  }
0x220: {  	s0 =	rddreg [dreg:$0x0];
	s2 =	stileid.u32  }
0x221: {  	s1 =	rddreg [dreg:$0x1];
	p0 =	sne.s32 s2, $0x0  }
0x222: {  	s3 =	rddreg [dreg:$0x2];
	[bflag:$0x3] =	sbarrier.arrive $0xFFFF;
	s2 =	simm.s32 @!p0 $0x1C01  }
0x223: {  	[timem:s3], [sflag:s2] =	dma.local @!p0 [hbm:s0], s1  }
0x224: {  	s0 =	simm.s32 @!p0 $0x1  }
0x225: {  	_ =	swait.ge @!p0 [sflag:s0], s1  }
0x226: {  	s1 =	ssub.s32 @!p0 $0x0, s1;
	[sflag:s0] =	ssyncset.done @!p0 $0x0  }
0x227: {  	[sflag:s0] =	ssyncadd.s32 @!p0 s1  }
0x228: {  	[bflag:$0x3] =	sbarrier.arrive $0xFFFF  }
0x229: {  	_ =	shalt  }

</sc_bundles>
